<compile_context>
chip_gen: v7x
topology: tpu7x:2x2x1
jax: 0.10.2.dev20260603
libtpu: 0.0.44.dev20260713+nightly
codegen_flags: <defaults>
</compile_context>

<pallas_src>
import functools

import jax
import jax.numpy as jnp
from jax import lax
from jax.experimental import pallas as pl
from jax.experimental.pallas import tpu as pltpu
from jax.experimental.pallas import tpu_sc as plsc

N_NODES = 10000
N_EDGES = 160000
M = 16
MID = 32
OUT3 = 256

NC = 2
NS = 16
NW = NC * NS
CHUNK = 128
NCH = N_EDGES // CHUNK
TFULL = NCH // NW
NEXTRA = NCH - TFULL * NW
MAXCH = TFULL + 1
FIRE = 8
N_PAD = 10240
ZROWS = N_PAD // NS

P = 8
EB = 16000
EBP = EB // P
E8 = N_EDGES // P
N8 = N_NODES // P
NP8 = N_PAD * M // (P * M)


def _worker_base(wid):
    return wid * TFULL + jnp.minimum(wid, NEXTRA)


def _sc_gather(ei3, h0f):
    mesh = plsc.VectorSubcoreMesh(core_axis_name="c", subcore_axis_name="s")

    @functools.partial(
        pl.kernel,
        out_type=jax.ShapeDtypeStruct((N_EDGES, M), jnp.float32),
        mesh=mesh,
        compiler_params=pltpu.CompilerParams(use_tc_tiling_on_sc=False),
        scratch_types=[
            pltpu.VMEM((MAXCH, CHUNK), jnp.int32),
            pltpu.VMEM((MAXCH * CHUNK, M), jnp.float32),
            pltpu.SemaphoreType.DMA,
        ],
    )
    def gather_kernel(ei_hbm, h0_hbm, src_hbm, idx_v, rows_v, sem):
        cid = lax.axis_index("c")
        sid = lax.axis_index("s")
        wid = sid * NC + cid
        base = _worker_base(wid)
        row_hbm = ei_hbm.at[0]
        pltpu.sync_copy(row_hbm.at[pl.ds(base, TFULL)],
                        idx_v.at[pl.ds(0, TFULL)])

        def group(g, carry):
            descs = []
            for k in range(FIRE):
                t = g * FIRE + k
                descs.append(pltpu.async_copy(
                    h0_hbm.at[idx_v.at[t]],
                    rows_v.at[pl.ds(t * CHUNK, CHUNK)],
                    sem))
            for d in descs:
                d.wait()
            return carry

        lax.fori_loop(0, TFULL // FIRE, group, 0)
        tail = []
        for t in range(FIRE * (TFULL // FIRE), TFULL):
            tail.append(pltpu.async_copy(
                h0_hbm.at[idx_v.at[t]],
                rows_v.at[pl.ds(t * CHUNK, CHUNK)],
                sem))
        for d in tail:
            d.wait()
        pltpu.sync_copy(rows_v.at[pl.ds(0, TFULL * CHUNK)],
                        src_hbm.at[pl.ds(base * CHUNK, TFULL * CHUNK)])

        @pl.when(wid < NEXTRA)
        def _():
            pltpu.sync_copy(row_hbm.at[base + TFULL], idx_v.at[TFULL])
            pltpu.async_copy(
                h0_hbm.at[idx_v.at[TFULL]],
                rows_v.at[pl.ds(TFULL * CHUNK, CHUNK)], sem).wait()
            pltpu.sync_copy(
                rows_v.at[pl.ds(TFULL * CHUNK, CHUNK)],
                src_hbm.at[pl.ds((base + TFULL) * CHUNK, CHUNK)])

    return gather_kernel(ei3, h0f)


def _sc_scatter(msg, ei3):
    mesh = plsc.VectorSubcoreMesh(core_axis_name="c", subcore_axis_name="s")

    @functools.partial(
        pl.kernel,
        out_type=(
            jax.ShapeDtypeStruct((N_PAD, M), jnp.float32),
            jax.ShapeDtypeStruct((N_PAD, M), jnp.float32),
            jax.ShapeDtypeStruct((N_PAD, M), jnp.float32),
            jax.ShapeDtypeStruct((N_PAD, M), jnp.float32),
        ),
        mesh=mesh,
        compiler_params=pltpu.CompilerParams(use_tc_tiling_on_sc=False),
        scratch_types=[
            pltpu.VMEM((MAXCH, CHUNK), jnp.int32),
            pltpu.VMEM((MAXCH * CHUNK, M), jnp.float32),
            pltpu.VMEM((CHUNK, M), jnp.float32),
            pltpu.VMEM((ZROWS, M), jnp.float32),
            pltpu.VMEM_SHARED((N_PAD, M), jnp.float32),
            pltpu.VMEM_SHARED((N_PAD, M), jnp.float32),
            pltpu.SemaphoreType.DMA,
        ],
    )
    def scatter_kernel(msg_hbm, ei_hbm, seg0_hbm, seg1_hbm, cnt0_hbm,
                       cnt1_hbm, idx_v, msg_v, ones_v, zz_v, seg_sp, cnt_sp,
                       sem):
        cid = lax.axis_index("c")
        sid = lax.axis_index("s")
        wid = sid * NC + cid
        base = _worker_base(wid)
        col_hbm = ei_hbm.at[1]

        zrow = jnp.zeros((M,), jnp.float32)

        def zbody(i, c):
            zz_v[i, :] = zrow
            return c

        lax.fori_loop(0, ZROWS, zbody, 0)

        orow = jnp.ones((M,), jnp.float32)

        def obody(i, c):
            ones_v[i, :] = orow
            return c

        lax.fori_loop(0, CHUNK, obody, 0)

        rbase = sid * ZROWS
        pltpu.sync_copy(zz_v, seg_sp.at[pl.ds(rbase, ZROWS)])
        pltpu.sync_copy(zz_v, cnt_sp.at[pl.ds(rbase, ZROWS)])
        pltpu.sync_copy(col_hbm.at[pl.ds(base, TFULL)],
                        idx_v.at[pl.ds(0, TFULL)])
        pltpu.sync_copy(msg_hbm.at[pl.ds(base * CHUNK, TFULL * CHUNK)],
                        msg_v.at[pl.ds(0, TFULL * CHUNK)])

        @pl.when(wid < NEXTRA)
        def _():
            pltpu.sync_copy(col_hbm.at[base + TFULL], idx_v.at[TFULL])
            pltpu.sync_copy(
                msg_hbm.at[pl.ds((base + TFULL) * CHUNK, CHUNK)],
                msg_v.at[pl.ds(TFULL * CHUNK, CHUNK)])

        plsc.subcore_barrier()

        def sgroup(g, carry):
            t0 = g * FIRE
            descs = []
            for k in range(FIRE):
                t = t0 + k
                descs.append(pltpu.async_copy(
                    msg_v.at[pl.ds(t * CHUNK, CHUNK)],
                    seg_sp.at[idx_v.at[t]], sem, add=True))
                descs.append(pltpu.async_copy(
                    ones_v, cnt_sp.at[idx_v.at[t]], sem, add=True))
            for d in descs:
                d.wait()
            return carry

        lax.fori_loop(0, TFULL // FIRE, sgroup, 0)
        tail = []
        for t in range(FIRE * (TFULL // FIRE), TFULL):
            tail.append(pltpu.async_copy(
                msg_v.at[pl.ds(t * CHUNK, CHUNK)],
                seg_sp.at[idx_v.at[t]], sem, add=True))
            tail.append(pltpu.async_copy(
                ones_v, cnt_sp.at[idx_v.at[t]], sem, add=True))
        for d in tail:
            d.wait()

        @pl.when(wid < NEXTRA)
        def _():
            pltpu.async_copy(
                msg_v.at[pl.ds(TFULL * CHUNK, CHUNK)],
                seg_sp.at[idx_v.at[TFULL]], sem, add=True).wait()
            pltpu.async_copy(
                ones_v, cnt_sp.at[idx_v.at[TFULL]], sem, add=True).wait()

        plsc.subcore_barrier()

        pltpu.sync_copy(seg_sp.at[pl.ds(rbase, ZROWS)], zz_v)

        @pl.when(cid == 0)
        def _():
            pltpu.sync_copy(zz_v, seg0_hbm.at[pl.ds(rbase, ZROWS)])

        @pl.when(cid == 1)
        def _():
            pltpu.sync_copy(zz_v, seg1_hbm.at[pl.ds(rbase, ZROWS)])

        pltpu.sync_copy(cnt_sp.at[pl.ds(rbase, ZROWS)], zz_v)

        @pl.when(cid == 0)
        def _():
            pltpu.sync_copy(zz_v, cnt0_hbm.at[pl.ds(rbase, ZROWS)])

        @pl.when(cid == 1)
        def _():
            pltpu.sync_copy(zz_v, cnt1_hbm.at[pl.ds(rbase, ZROWS)])

    return scatter_kernel(msg, ei3)


def _ln_relu_packed(x, gt, bet, gsum, ubc):
    mu = jnp.dot(x, gsum, preferred_element_type=jnp.float32)
    m2 = jnp.dot(x * x, gsum, preferred_element_type=jnp.float32)
    var = m2 - mu * mu
    rs = lax.rsqrt(var + 1e-5)
    scale = jnp.dot(rs, ubc, preferred_element_type=jnp.float32)
    shift = jnp.dot(mu * rs, ubc, preferred_element_type=jnp.float32)
    return jnp.maximum((x * scale - shift) * gt + bet, 0.0)


def _tc_messages(ef8, rbas, src8, consts):

    def body(ef_ref, rbas_ref, src_ref, w1bd, r1bd, b1t, g1t, be1t,
             w2bd, b2t, g2t, be2t, w3bd, b3t, tbd, s16c, gsum, ubc, bmsg,
             out_ref):
        x = jnp.dot(ef_ref[...], w1bd[...], preferred_element_type=jnp.float32)
        x = x + jnp.dot(rbas_ref[...], r1bd[...],
                        preferred_element_type=jnp.float32) + b1t[...]
        x = _ln_relu_packed(x, g1t[...], be1t[...], gsum[...], ubc[...])
        x = jnp.dot(x, w2bd[...], preferred_element_type=jnp.float32) + b2t[...]
        x = _ln_relu_packed(x, g2t[...], be2t[...], gsum[...], ubc[...])
        src = src_ref[...]
        s16 = s16c[...]
        parts = []
        for q in range(P):
            yq = jnp.dot(x, w3bd[:, q * OUT3:(q + 1) * OUT3],
                         preferred_element_type=jnp.float32)
            yq = yq + b3t[:, q * OUT3:(q + 1) * OUT3]
            sq = jnp.dot(src, tbd[:, q * OUT3:(q + 1) * OUT3],
                         preferred_element_type=jnp.float32)
            parts.append(jnp.dot(yq * sq, s16,
                                 preferred_element_type=jnp.float32))
        m = jnp.concatenate(parts, axis=1)
        out_ref[...] = m * jnp.dot(rbas_ref[...], bmsg[...],
                                   preferred_element_type=jnp.float32)

    eb128 = pl.BlockSpec((EBP, P * M), lambda i: (i, 0))
    eb16 = pl.BlockSpec((EBP, 2 * P), lambda i: (i, 0))

    def wspec(a):
        return pl.BlockSpec(a.shape, lambda i: (0,) * a.ndim)

    return pl.pallas_call(
        body,
        grid=(E8 // EBP,),
        in_specs=[eb128, eb16, eb128] + [wspec(w) for w in consts],
        out_specs=eb128,
        out_shape=jax.ShapeDtypeStruct((E8, P * M), jnp.float32),
    )(ef8, rbas, src8, *consts)


def _tc_finalize(seg0, seg1, cnt0, cnt1, h08, wst8):
    def body(s0_ref, s1_ref, c0_ref, c1_ref, h0_ref, w_ref, out_ref):
        sg = s0_ref[...] + s1_ref[...]
        ct = c0_ref[...] + c1_ref[...]
        sf = jnp.dot(h0_ref[...], w_ref[...], preferred_element_type=jnp.float32)
        out_ref[...] = sg / jnp.maximum(ct, 1.0) + jnp.where(ct > 0.0, sf, 0.0)

    node_spec = pl.BlockSpec((NP8, P * M), lambda: (0, 0))
    w_spec = pl.BlockSpec((P * M, P * M), lambda: (0, 0))
    return pl.pallas_call(
        body,
        in_specs=[node_spec, node_spec, node_spec, node_spec, node_spec,
                  w_spec],
        out_specs=node_spec,
        out_shape=jax.ShapeDtypeStruct((NP8, P * M), jnp.float32),
    )(seg0, seg1, cnt0, cnt1, h08, wst8)


def kernel(h0, r, basis_00, edge_index, edge_feat,
           W1, b1, g1, be1, W2, b2, g2, be2, W3, b3, W_self):
    f32 = jnp.float32
    h0f = h0.reshape(N_NODES, M)
    ei3 = edge_index.reshape(2, NCH, CHUNK)

    src = _sc_gather(ei3, h0f)

    eyeP = jnp.eye(P, dtype=f32)
    k = jnp.arange(OUT3)
    T = jnp.tile(jnp.eye(M, dtype=f32), (1, M))
    S = (k[:, None] // M == jnp.arange(M)[None, :]).astype(f32)
    r1bd = jnp.kron(jnp.eye(2 * P, P, dtype=f32), W1[M:])
    bmsg = jnp.kron(jnp.eye(2 * P, P, k=-P, dtype=f32),
                    jnp.ones((1, M), f32))
    consts = (
        jnp.kron(eyeP, W1[:M]),
        r1bd,
        jnp.tile(b1, P).reshape(1, P * MID),
        jnp.tile(g1, P).reshape(1, P * MID),
        jnp.tile(be1, P).reshape(1, P * MID),
        jnp.kron(eyeP, W2),
        jnp.tile(b2, P).reshape(1, P * MID),
        jnp.tile(g2, P).reshape(1, P * MID),
        jnp.tile(be2, P).reshape(1, P * MID),
        jnp.kron(eyeP, W3),
        jnp.tile(b3, P).reshape(1, P * OUT3),
        jnp.kron(eyeP, T),
        S,
        jnp.kron(eyeP, jnp.full((MID, 1), 1.0 / MID, f32)),
        jnp.kron(eyeP, jnp.ones((1, MID), f32)),
        bmsg,
    )
    rbas = jnp.concatenate(
        [r.reshape(E8, P), basis_00.reshape(E8, P)], axis=1)
    msg8 = _tc_messages(
        edge_feat.reshape(E8, P * M), rbas, src.reshape(E8, P * M), consts)

    seg0, seg1, cnt0, cnt1 = _sc_scatter(msg8.reshape(N_EDGES, M), ei3)

    h08 = jnp.concatenate(
        [h0f.reshape(N8, P * M), jnp.zeros((NP8 - N8, P * M), f32)])
    outp = _tc_finalize(
        seg0.reshape(NP8, P * M), seg1.reshape(NP8, P * M),
        cnt0.reshape(NP8, P * M), cnt1.reshape(NP8, P * M),
        h08, jnp.kron(eyeP, W_self[0].T))
    return outp[:N8].reshape(N_NODES, M, 1)

# --- scband reference (transcript-rebuilt; emitter-appended) ---
"""Pipeline reference for scband-gconv-se3-48902497632467 (READ-ONLY COPY).

The authoritative reference and input builder live on the scoring server;
editing this copy changes nothing except your own understanding.
"""

import jax, jax.numpy as jnp
import numpy as np

N = 10000
E = 160000
M = 16
EDGE_DIM = 16
MID = 32
NUM_FREQ = 1
D_OUT = 1


def layer_norm(x, g, b, eps=1e-5):
    mu = jnp.mean(x, axis=-1, keepdims=True)
    var = jnp.var(x, axis=-1, keepdims=True)
    return (x - mu) / jnp.sqrt(var + eps) * g + b


def setup_inputs(seed: int = 0) -> dict:
    key = jax.random.key(seed)
    ks = jax.random.split(key, 16)
    h0 = jax.random.normal(ks[0], (N, M, 1), dtype=jnp.float32)
    r = jax.random.uniform(ks[1], (E, 1), dtype=jnp.float32)
    basis_00 = jax.random.normal(ks[2], (E, 1, 1, 1, 1, 1), dtype=jnp.float32)
    edge_index = jax.random.randint(ks[3], (2, E), 0, N).astype(jnp.int32)
    edge_feat = jax.random.normal(ks[4], (E, EDGE_DIM), dtype=jnp.float32)
    in0 = EDGE_DIM + 1
    W1 = jax.random.normal(ks[5], (in0, MID), dtype=jnp.float32) * np.sqrt(2.0 / in0)
    b1 = jnp.zeros((MID,), jnp.float32)
    g1 = jnp.ones((MID,), jnp.float32)
    be1 = jnp.zeros((MID,), jnp.float32)
    W2 = jax.random.normal(ks[6], (MID, MID), dtype=jnp.float32) * np.sqrt(2.0 / MID)
    b2 = jnp.zeros((MID,), jnp.float32)
    g2 = jnp.ones((MID,), jnp.float32)
    be2 = jnp.zeros((MID,), jnp.float32)
    out3 = NUM_FREQ * M * M
    W3 = jax.random.normal(ks[7], (MID, out3), dtype=jnp.float32) * np.sqrt(2.0 / MID)
    b3 = jnp.zeros((out3,), jnp.float32)
    W_self = jax.random.normal(ks[8], (1, M, M), dtype=jnp.float32) / np.sqrt(M)
    return {"h0": h0, "r": r, "basis_00": basis_00, "edge_index": edge_index,
            "edge_feat": edge_feat, "W1": W1, "b1": b1, "g1": g1, "be1": be1,
            "W2": W2, "b2": b2, "g2": g2, "be2": be2, "W3": W3, "b3": b3,
            "W_self": W_self}


def reference(h0, r, basis_00, edge_index, edge_feat,
              W1, b1, g1, be1, W2, b2, g2, be2, W3, b3, W_self):
    # RadialFunc: MLP on [edge_feat, r]
    feat = jnp.concatenate([edge_feat, r], axis=-1)  # [E, edge_dim+1]
    y = jax.nn.relu(layer_norm(feat @ W1 + b1, g1, be1))
    y = jax.nn.relu(layer_norm(y @ W2 + b2, g2, be2))
    y = y @ W3 + b3  # [E, num_freq*in*out]
    R = y.reshape(E, M, 1, M, 1, NUM_FREQ)
    # PairwiseConv: kernel = sum(R * basis['0,0'], -1)
    kernel = jnp.sum(R * basis_00, axis=-1).reshape(E, D_OUT * M, -1)  # [E, 16, 16]
    row = edge_index[0]
    col = edge_index[1]
    # message: kernel @ gathered src features
    src = h0[row].reshape(E, M * (2 * 0 + 1), 1)  # [E, 16, 1]
    msg = jnp.matmul(kernel, src)  # [E, 16, 1]
    msg = msg.reshape(E, -1, 2 * 0 + 1)
    # skip self-interaction: W_self @ dst features
    dst = h0[col]  # [E, 16, 1]
    msg = msg + jnp.matmul(W_self, dst)
    msg = msg.reshape(E, -1, 2 * 0 + 1)
    # scatter_mean over destination nodes
    seg = jax.ops.segment_sum(msg, col, num_segments=N)
    cnt = jax.ops.segment_sum(jnp.ones((E,), jnp.float32), col, num_segments=N)
    out = seg / jnp.maximum(cnt, 1.0)[:, None, None]
    return out

if __name__ == "__main__":
    import jax
    _d = setup_inputs()
    print(jax.jit(kernel)(*tuple(_d.values())))

</pallas_src>

<mosaic_0001>
#map = affine_map<(d0, d1) -> (0, 0, 0)>
#map1 = affine_map<(d0, d1) -> (0, 0)>
module attributes {stable_mosaic.version = 14 : i64} {
  func.func @gather_kernel(%arg0: i32, %arg1: i32, %arg2: memref<2x1250x128xi32, #tpu.memory_space<hbm>>, %arg3: memref<10000x16xf32, #tpu.memory_space<hbm>>, %arg4: memref<160000x16xf32, #tpu.memory_space<hbm>>, %arg5: memref<40x128xi32, #tpu.memory_space<vmem>>, %arg6: memref<5120x16xf32, #tpu.memory_space<vmem>>, %arg7: memref<!tpu.dma_semaphore, #tpu.memory_space<semaphore_mem>>) attributes {dimension_semantics = [#tpu.dimension_semantics<core_parallel>, #tpu.dimension_semantics<subcore_parallel>], iteration_bounds = array<i64: 2, 16>, scalar_prefetch = 0 : i64, scratch_operands = 3 : i64, tpu.core_type = #tpu.core_type<sc_vector_subcore>, window_params = [{transform_indices = #map}, {transform_indices = #map1}, {transform_indices = #map1}]} {
    %mul3A = arith.constant 2 : i32
    %mul3A_0 = arith.muli %arg1, %mul3A : i32
    %add3A = arith.addi %mul3A_0, %arg0 : i32
    %mul3A_1 = arith.constant 39 : i32
    %mul3A_2 = arith.muli %add3A, %mul3A_1 : i32
    %min3A = arith.constant 2 : i32
    %min3A_3 = arith.minsi %add3A, %min3A : i32
    %add3A_4 = arith.addi %mul3A_2, %min3A_3 : i32
    %run_scoped3A = arith.constant 0 : i32
    "tpu.region"() ({
      %run_scoped3A_153 = tpu.sem_alloc : memref<!tpu.dma_semaphore, #tpu.memory_space<semaphore_mem>>
      %dma_start3A_154 = arith.constant 0 : i32
      %dma_start3A_155 = arith.constant 0 : i32
      %dma_start3A_156 = tpu.memref_slice %arg5[%dma_start3A_154, %dma_start3A_155] : memref<40x128xi32, #tpu.memory_space<vmem>> -> memref<39x128xi32, #tpu.memory_space<vmem>>
      %dma_start3A_157 = arith.constant 0 : i32
      %dma_start3A_158 = arith.constant 0 : i32
      %dma_start3A_159 = tpu.memref_slice %arg2[%run_scoped3A, %dma_start3A_157, %dma_start3A_158] : memref<2x1250x128xi32, #tpu.memory_space<hbm>> -> memref<1x1250x128xi32, #tpu.memory_space<hbm>>
      %dma_start3A_160 = tpu.memref_squeeze %dma_start3A_159 : memref<1x1250x128xi32, #tpu.memory_space<hbm>> -> memref<1250x128xi32, #tpu.memory_space<hbm>>
      %dma_start3A_161 = arith.constant 0 : i32
      %dma_start3A_162 = tpu.memref_slice %dma_start3A_160[%add3A_4, %dma_start3A_161] : memref<1250x128xi32, #tpu.memory_space<hbm>> -> memref<39x128xi32, #tpu.memory_space<hbm>>
      %dma_start3A_163 = arith.constant 0 : i32
      %dma_start3A_164 = arith.constant 0 : i32
      %dma_start3A_165 = tpu.memref_slice %arg5[%dma_start3A_163, %dma_start3A_164] : memref<40x128xi32, #tpu.memory_space<vmem>> -> memref<39x128xi32, #tpu.memory_space<vmem>>
      %dma_start3A_166 = arith.constant 0 : i32
      %dma_start3A_167 = arith.constant 0 : i32
      %dma_start3A_168 = tpu.memref_slice %arg2[%run_scoped3A, %dma_start3A_166, %dma_start3A_167] : memref<2x1250x128xi32, #tpu.memory_space<hbm>> -> memref<1x1250x128xi32, #tpu.memory_space<hbm>>
      %dma_start3A_169 = tpu.memref_squeeze %dma_start3A_168 : memref<1x1250x128xi32, #tpu.memory_space<hbm>> -> memref<1250x128xi32, #tpu.memory_space<hbm>>
      %dma_start3A_170 = arith.constant 0 : i32
      %dma_start3A_171 = tpu.memref_slice %dma_start3A_169[%add3A_4, %dma_start3A_170] : memref<1250x128xi32, #tpu.memory_space<hbm>> -> memref<39x128xi32, #tpu.memory_space<hbm>>
      tpu.enqueue_dma source(%dma_start3A_171 : memref<39x128xi32, #tpu.memory_space<hbm>>) target(%dma_start3A_165 : memref<39x128xi32, #tpu.memory_space<vmem>>) target_semaphore(%run_scoped3A_153 : memref<!tpu.dma_semaphore, #tpu.memory_space<semaphore_mem>>)
      %dma_wait3A_172 = arith.constant 0 : i32
      %dma_wait3A_173 = arith.constant 0 : i32
      %dma_wait3A_174 = tpu.memref_slice %arg5[%dma_wait3A_172, %dma_wait3A_173] : memref<40x128xi32, #tpu.memory_space<vmem>> -> memref<39x128xi32, #tpu.memory_space<vmem>>
      %dma_wait3A_175 = arith.constant 0 : i32
      %dma_wait3A_176 = arith.constant 0 : i32
      %dma_wait3A_177 = tpu.memref_slice %arg2[%run_scoped3A, %dma_wait3A_175, %dma_wait3A_176] : memref<2x1250x128xi32, #tpu.memory_space<hbm>> -> memref<1x1250x128xi32, #tpu.memory_space<hbm>>
      %dma_wait3A_178 = tpu.memref_squeeze %dma_wait3A_177 : memref<1x1250x128xi32, #tpu.memory_space<hbm>> -> memref<1250x128xi32, #tpu.memory_space<hbm>>
      %dma_wait3A_179 = arith.constant 0 : i32
      %dma_wait3A_180 = tpu.memref_slice %dma_wait3A_178[%add3A_4, %dma_wait3A_179] : memref<1250x128xi32, #tpu.memory_space<hbm>> -> memref<39x128xi32, #tpu.memory_space<hbm>>
      %dma_wait3A_181 = arith.constant 0 : i32
      %dma_wait3A_182 = arith.constant 0 : i32
      %dma_wait3A_183 = tpu.memref_slice %arg5[%dma_wait3A_181, %dma_wait3A_182] : memref<40x128xi32, #tpu.memory_space<vmem>> -> memref<39x128xi32, #tpu.memory_space<vmem>>
      %dma_wait3A_184 = arith.constant 0 : i32
      %dma_wait3A_185 = arith.constant 0 : i32
      %dma_wait3A_186 = tpu.memref_slice %arg2[%run_scoped3A, %dma_wait3A_184, %dma_wait3A_185] : memref<2x1250x128xi32, #tpu.memory_space<hbm>> -> memref<1x1250x128xi32, #tpu.memory_space<hbm>>
      %dma_wait3A_187 = tpu.memref_squeeze %dma_wait3A_186 : memref<1x1250x128xi32, #tpu.memory_space<hbm>> -> memref<1250x128xi32, #tpu.memory_space<hbm>>
      %dma_wait3A_188 = arith.constant 0 : i32
      %dma_wait3A_189 = tpu.memref_slice %dma_wait3A_187[%add3A_4, %dma_wait3A_188] : memref<1250x128xi32, #tpu.memory_space<hbm>> -> memref<39x128xi32, #tpu.memory_space<hbm>>
      tpu.wait_dma2 semaphore(%run_scoped3A_153 : memref<!tpu.dma_semaphore, #tpu.memory_space<semaphore_mem>>) src(%dma_wait3A_189 : memref<39x128xi32, #tpu.memory_space<hbm>>) dst(%dma_wait3A_183 : memref<39x128xi32, #tpu.memory_space<vmem>>)
      tpu.yield
    }) : () -> ()
    %scan3A = arith.constant 0 : i32
    %scan3A_5 = arith.constant 0 : i32
    %scan3A_6 = arith.constant 4 : i32
    %scan3A_7 = arith.addi %scan3A_5, %scan3A_6 : i32
    %scan3A_8 = arith.constant 1 : i32
    scf.for %scan3A_153 = %scan3A_5 to %scan3A_7 step %scan3A_8  : i32 {
      %mul3A_154 = arith.constant 8 : i32
      %mul3A_155 = arith.muli %scan3A_153, %mul3A_154 : i32
      %add3A_156 = arith.constant 0 : i32
      %add3A_157 = arith.addi %mul3A_155, %add3A_156 : i32
      %mul3A_158 = arith.constant 128 : i32
      %mul3A_159 = arith.muli %add3A_157, %mul3A_158 : i32
      %dma_start3A_160 = arith.constant 0 : i32
      %dma_start3A_161 = tpu.memref_slice %arg6[%mul3A_159, %dma_start3A_160] : memref<5120x16xf32, #tpu.memory_space<vmem>> -> memref<128x16xf32, #tpu.memory_space<vmem>>
      %dma_start3A_162 = arith.constant 0 : i32
      %dma_start3A_163 = tpu.memref_slice %arg5[%add3A_157, %dma_start3A_162] : memref<40x128xi32, #tpu.memory_space<vmem>> -> memref<1x128xi32, #tpu.memory_space<vmem>>
      %dma_start3A_164 = tpu.memref_squeeze %dma_start3A_163 : memref<1x128xi32, #tpu.memory_space<vmem>> -> memref<128xi32, #tpu.memory_space<vmem>>
      %dma_start3A_165 = arith.constant 0 : i32
      %dma_start3A_166 = arith.constant 0 : i32
      %dma_start3A_167 = tpu.memref_slice %arg3[%dma_start3A_165, %dma_start3A_166] : memref<10000x16xf32, #tpu.memory_space<hbm>> -> memref<10000x16xf32, #tpu.memory_space<hbm>>
      tpu.enqueue_indirect_dma source(%dma_start3A_167 : memref<10000x16xf32, #tpu.memory_space<hbm>>) target(%dma_start3A_161 : memref<128x16xf32, #tpu.memory_space<vmem>>) offsets(%dma_start3A_164 : memref<128xi32, #tpu.memory_space<vmem>>) semaphore(%arg7 : memref<!tpu.dma_semaphore, #tpu.memory_space<semaphore_mem>>)
      %mul3A_168 = arith.constant 8 : i32
      %mul3A_169 = arith.muli %scan3A_153, %mul3A_168 : i32
      %add3A_170 = arith.constant 1 : i32
      %add3A_171 = arith.addi %mul3A_169, %add3A_170 : i32
      %mul3A_172 = arith.constant 128 : i32
      %mul3A_173 = arith.muli %add3A_171, %mul3A_172 : i32
      %dma_start3A_174 = arith.constant 0 : i32
      %dma_start3A_175 = tpu.memref_slice %arg6[%mul3A_173, %dma_start3A_174] : memref<5120x16xf32, #tpu.memory_space<vmem>> -> memref<128x16xf32, #tpu.memory_space<vmem>>
      %dma_start3A_176 = arith.constant 0 : i32
      %dma_start3A_177 = tpu.memref_slice %arg5[%add3A_171, %dma_start3A_176] : memref<40x128xi32, #tpu.memory_space<vmem>> -> memref<1x128xi32, #tpu.memory_space<vmem>>
      %dma_start3A_178 = tpu.memref_squeeze %dma_start3A_177 : memref<1x128xi32, #tpu.memory_space<vmem>> -> memref<128xi32, #tpu.memory_space<vmem>>
      %dma_start3A_179 = arith.constant 0 : i32
      %dma_start3A_180 = arith.constant 0 : i32
      %dma_start3A_181 = tpu.memref_slice %arg3[%dma_start3A_179, %dma_start3A_180] : memref<10000x16xf32, #tpu.memory_space<hbm>> -> memref<10000x16xf32, #tpu.memory_space<hbm>>
      tpu.enqueue_indirect_dma source(%dma_start3A_181 : memref<10000x16xf32, #tpu.memory_space<hbm>>) target(%dma_start3A_175 : memref<128x16xf32, #tpu.memory_space<vmem>>) offsets(%dma_start3A_178 : memref<128xi32, #tpu.memory_space<vmem>>) semaphore(%arg7 : memref<!tpu.dma_semaphore, #tpu.memory_space<semaphore_mem>>)
      %mul3A_182 = arith.constant 8 : i32
      %mul3A_183 = arith.muli %scan3A_153, %mul3A_182 : i32
      %add3A_184 = arith.constant 2 : i32
      %add3A_185 = arith.addi %mul3A_183, %add3A_184 : i32
      %mul3A_186 = arith.constant 128 : i32
      %mul3A_187 = arith.muli %add3A_185, %mul3A_186 : i32
      %dma_start3A_188 = arith.constant 0 : i32
      %dma_start3A_189 = tpu.memref_slice %arg6[%mul3A_187, %dma_start3A_188] : memref<5120x16xf32, #tpu.memory_space<vmem>> -> memref<128x16xf32, #tpu.memory_space<vmem>>
      %dma_start3A_190 = arith.constant 0 : i32
      %dma_start3A_191 = tpu.memref_slice %arg5[%add3A_185, %dma_start3A_190] : memref<40x128xi32, #tpu.memory_space<vmem>> -> memref<1x128xi32, #tpu.memory_space<vmem>>
      %dma_start3A_192 = tpu.memref_squeeze %dma_start3A_191 : memref<1x128xi32, #tpu.memory_space<vmem>> -> memref<128xi32, #tpu.memory_space<vmem>>
      %dma_start3A_193 = arith.constant 0 : i32
      %dma_start3A_194 = arith.constant 0 : i32
      %dma_start3A_195 = tpu.memref_slice %arg3[%dma_start3A_193, %dma_start3A_194] : memref<10000x16xf32, #tpu.memory_space<hbm>> -> memref<10000x16xf32, #tpu.memory_space<hbm>>
      tpu.enqueue_indirect_dma source(%dma_start3A_195 : memref<10000x16xf32, #tpu.memory_space<hbm>>) target(%dma_start3A_189 : memref<128x16xf32, #tpu.memory_space<vmem>>) offsets(%dma_start3A_192 : memref<128xi32, #tpu.memory_space<vmem>>) semaphore(%arg7 : memref<!tpu.dma_semaphore, #tpu.memory_space<semaphore_mem>>)
      %mul3A_196 = arith.constant 8 : i32
      %mul3A_197 = arith.muli %scan3A_153, %mul3A_196 : i32
      %add3A_198 = arith.constant 3 : i32
      %add3A_199 = arith.addi %mul3A_197, %add3A_198 : i32
      %mul3A_200 = arith.constant 128 : i32
      %mul3A_201 = arith.muli %add3A_199, %mul3A_200 : i32
      %dma_start3A_202 = arith.constant 0 : i32
      %dma_start3A_203 = tpu.memref_slice %arg6[%mul3A_201, %dma_start3A_202] : memref<5120x16xf32, #tpu.memory_space<vmem>> -> memref<128x16xf32, #tpu.memory_space<vmem>>
      %dma_start3A_204 = arith.constant 0 : i32
      %dma_start3A_205 = tpu.memref_slice %arg5[%add3A_199, %dma_start3A_204] : memref<40x128xi32, #tpu.memory_space<vmem>> -> memref<1x128xi32, #tpu.memory_space<vmem>>
      %dma_start3A_206 = tpu.memref_squeeze %dma_start3A_205 : memref<1x128xi32, #tpu.memory_space<vmem>> -> memref<128xi32, #tpu.memory_space<vmem>>
      %dma_start3A_207 = arith.constant 0 : i32
      %dma_start3A_208 = arith.constant 0 : i32
      %dma_start3A_209 = tpu.memref_slice %arg3[%dma_start3A_207, %dma_start3A_208] : memref<10000x16xf32, #tpu.memory_space<hbm>> -> memref<10000x16xf32, #tpu.memory_space<hbm>>
      tpu.enqueue_indirect_dma source(%dma_start3A_209 : memref<10000x16xf32, #tpu.memory_space<hbm>>) target(%dma_start3A_203 : memref<128x16xf32, #tpu.memory_space<vmem>>) offsets(%dma_start3A_206 : memref<128xi32, #tpu.memory_space<vmem>>) semaphore(%arg7 : memref<!tpu.dma_semaphore, #tpu.memory_space<semaphore_mem>>)
      %mul3A_210 = arith.constant 8 : i32
      %mul3A_211 = arith.muli %scan3A_153, %mul3A_210 : i32
      %add3A_212 = arith.constant 4 : i32
      %add3A_213 = arith.addi %mul3A_211, %add3A_212 : i32
      %mul3A_214 = arith.constant 128 : i32
      %mul3A_215 = arith.muli %add3A_213, %mul3A_214 : i32
      %dma_start3A_216 = arith.constant 0 : i32
      %dma_start3A_217 = tpu.memref_slice %arg6[%mul3A_215, %dma_start3A_216] : memref<5120x16xf32, #tpu.memory_space<vmem>> -> memref<128x16xf32, #tpu.memory_space<vmem>>
      %dma_start3A_218 = arith.constant 0 : i32
      %dma_start3A_219 = tpu.memref_slice %arg5[%add3A_213, %dma_start3A_218] : memref<40x128xi32, #tpu.memory_space<vmem>> -> memref<1x128xi32, #tpu.memory_space<vmem>>
      %dma_start3A_220 = tpu.memref_squeeze %dma_start3A_219 : memref<1x128xi32, #tpu.memory_space<vmem>> -> memref<128xi32, #tpu.memory_space<vmem>>
      %dma_start3A_221 = arith.constant 0 : i32
      %dma_start3A_222 = arith.constant 0 : i32
      %dma_start3A_223 = tpu.memref_slice %arg3[%dma_start3A_221, %dma_start3A_222] : memref<10000x16xf32, #tpu.memory_space<hbm>> -> memref<10000x16xf32, #tpu.memory_space<hbm>>
      tpu.enqueue_indirect_dma source(%dma_start3A_223 : memref<10000x16xf32, #tpu.memory_space<hbm>>) target(%dma_start3A_217 : memref<128x16xf32, #tpu.memory_space<vmem>>) offsets(%dma_start3A_220 : memref<128xi32, #tpu.memory_space<vmem>>) semaphore(%arg7 : memref<!tpu.dma_semaphore, #tpu.memory_space<semaphore_mem>>)
      %mul3A_224 = arith.constant 8 : i32
      %mul3A_225 = arith.muli %scan3A_153, %mul3A_224 : i32
      %add3A_226 = arith.constant 5 : i32
      %add3A_227 = arith.addi %mul3A_225, %add3A_226 : i32
      %mul3A_228 = arith.constant 128 : i32
      %mul3A_229 = arith.muli %add3A_227, %mul3A_228 : i32
      %dma_start3A_230 = arith.constant 0 : i32
      %dma_start3A_231 = tpu.memref_slice %arg6[%mul3A_229, %dma_start3A_230] : memref<5120x16xf32, #tpu.memory_space<vmem>> -> memref<128x16xf32, #tpu.memory_space<vmem>>
      %dma_start3A_232 = arith.constant 0 : i32
      %dma_start3A_233 = tpu.memref_slice %arg5[%add3A_227, %dma_start3A_232] : memref<40x128xi32, #tpu.memory_space<vmem>> -> memref<1x128xi32, #tpu.memory_space<vmem>>
      %dma_start3A_234 = tpu.memref_squeeze %dma_start3A_233 : memref<1x128xi32, #tpu.memory_space<vmem>> -> memref<128xi32, #tpu.memory_space<vmem>>
      %dma_start3A_235 = arith.constant 0 : i32
      %dma_start3A_236 = arith.constant 0 : i32
      %dma_start3A_237 = tpu.memref_slice %arg3[%dma_start3A_235, %dma_start3A_236] : memref<10000x16xf32, #tpu.memory_space<hbm>> -> memref<10000x16xf32, #tpu.memory_space<hbm>>
      tpu.enqueue_indirect_dma source(%dma_start3A_237 : memref<10000x16xf32, #tpu.memory_space<hbm>>) target(%dma_start3A_231 : memref<128x16xf32, #tpu.memory_space<vmem>>) offsets(%dma_start3A_234 : memref<128xi32, #tpu.memory_space<vmem>>) semaphore(%arg7 : memref<!tpu.dma_semaphore, #tpu.memory_space<semaphore_mem>>)
      %mul3A_238 = arith.constant 8 : i32
      %mul3A_239 = arith.muli %scan3A_153, %mul3A_238 : i32
      %add3A_240 = arith.constant 6 : i32
      %add3A_241 = arith.addi %mul3A_239, %add3A_240 : i32
      %mul3A_242 = arith.constant 128 : i32
      %mul3A_243 = arith.muli %add3A_241, %mul3A_242 : i32
      %dma_start3A_244 = arith.constant 0 : i32
      %dma_start3A_245 = tpu.memref_slice %arg6[%mul3A_243, %dma_start3A_244] : memref<5120x16xf32, #tpu.memory_space<vmem>> -> memref<128x16xf32, #tpu.memory_space<vmem>>
      %dma_start3A_246 = arith.constant 0 : i32
      %dma_start3A_247 = tpu.memref_slice %arg5[%add3A_241, %dma_start3A_246] : memref<40x128xi32, #tpu.memory_space<vmem>> -> memref<1x128xi32, #tpu.memory_space<vmem>>
      %dma_start3A_248 = tpu.memref_squeeze %dma_start3A_247 : memref<1x128xi32, #tpu.memory_space<vmem>> -> memref<128xi32, #tpu.memory_space<vmem>>
      %dma_start3A_249 = arith.constant 0 : i32
      %dma_start3A_250 = arith.constant 0 : i32
      %dma_start3A_251 = tpu.memref_slice %arg3[%dma_start3A_249, %dma_start3A_250] : memref<10000x16xf32, #tpu.memory_space<hbm>> -> memref<10000x16xf32, #tpu.memory_space<hbm>>
      tpu.enqueue_indirect_dma source(%dma_start3A_251 : memref<10000x16xf32, #tpu.memory_space<hbm>>) target(%dma_start3A_245 : memref<128x16xf32, #tpu.memory_space<vmem>>) offsets(%dma_start3A_248 : memref<128xi32, #tpu.memory_space<vmem>>) semaphore(%arg7 : memref<!tpu.dma_semaphore, #tpu.memory_space<semaphore_mem>>)
      %mul3A_252 = arith.constant 8 : i32
      %mul3A_253 = arith.muli %scan3A_153, %mul3A_252 : i32
      %add3A_254 = arith.constant 7 : i32
      %add3A_255 = arith.addi %mul3A_253, %add3A_254 : i32
      %mul3A_256 = arith.constant 128 : i32
      %mul3A_257 = arith.muli %add3A_255, %mul3A_256 : i32
      %dma_start3A_258 = arith.constant 0 : i32
      %dma_start3A_259 = tpu.memref_slice %arg6[%mul3A_257, %dma_start3A_258] : memref<5120x16xf32, #tpu.memory_space<vmem>> -> memref<128x16xf32, #tpu.memory_space<vmem>>
      %dma_start3A_260 = arith.constant 0 : i32
      %dma_start3A_261 = tpu.memref_slice %arg5[%add3A_255, %dma_start3A_260] : memref<40x128xi32, #tpu.memory_space<vmem>> -> memref<1x128xi32, #tpu.memory_space<vmem>>
      %dma_start3A_262 = tpu.memref_squeeze %dma_start3A_261 : memref<1x128xi32, #tpu.memory_space<vmem>> -> memref<128xi32, #tpu.memory_space<vmem>>
      %dma_start3A_263 = arith.constant 0 : i32
      %dma_start3A_264 = arith.constant 0 : i32
      %dma_start3A_265 = tpu.memref_slice %arg3[%dma_start3A_263, %dma_start3A_264] : memref<10000x16xf32, #tpu.memory_space<hbm>> -> memref<10000x16xf32, #tpu.memory_space<hbm>>
      tpu.enqueue_indirect_dma source(%dma_start3A_265 : memref<10000x16xf32, #tpu.memory_space<hbm>>) target(%dma_start3A_259 : memref<128x16xf32, #tpu.memory_space<vmem>>) offsets(%dma_start3A_262 : memref<128xi32, #tpu.memory_space<vmem>>) semaphore(%arg7 : memref<!tpu.dma_semaphore, #tpu.memory_space<semaphore_mem>>)
      %dma_wait3A_266 = arith.constant 0 : i32
      %dma_wait3A_267 = tpu.memref_slice %arg6[%mul3A_159, %dma_wait3A_266] : memref<5120x16xf32, #tpu.memory_space<vmem>> -> memref<128x16xf32, #tpu.memory_space<vmem>>
      %dma_wait3A_268 = arith.constant 0 : i32
      %dma_wait3A_269 = tpu.memref_slice %arg5[%add3A_157, %dma_wait3A_268] : memref<40x128xi32, #tpu.memory_space<vmem>> -> memref<1x128xi32, #tpu.memory_space<vmem>>
      %dma_wait3A_270 = tpu.memref_squeeze %dma_wait3A_269 : memref<1x128xi32, #tpu.memory_space<vmem>> -> memref<128xi32, #tpu.memory_space<vmem>>
      %dma_wait3A_271 = arith.constant 0 : i32
      %dma_wait3A_272 = arith.constant 0 : i32
      %dma_wait3A_273 = tpu.memref_slice %arg3[%dma_wait3A_271, %dma_wait3A_272] : memref<10000x16xf32, #tpu.memory_space<hbm>> -> memref<10000x16xf32, #tpu.memory_space<hbm>>
      tpu.wait_indirect_dma semaphore(%arg7 : memref<!tpu.dma_semaphore, #tpu.memory_space<semaphore_mem>>) src(%dma_wait3A_273 : memref<10000x16xf32, #tpu.memory_space<hbm>>) dst(%dma_wait3A_267 : memref<128x16xf32, #tpu.memory_space<vmem>>)
      %dma_wait3A_274 = arith.constant 0 : i32
      %dma_wait3A_275 = tpu.memref_slice %arg6[%mul3A_173, %dma_wait3A_274] : memref<5120x16xf32, #tpu.memory_space<vmem>> -> memref<128x16xf32, #tpu.memory_space<vmem>>
      %dma_wait3A_276 = arith.constant 0 : i32
      %dma_wait3A_277 = tpu.memref_slice %arg5[%add3A_171, %dma_wait3A_276] : memref<40x128xi32, #tpu.memory_space<vmem>> -> memref<1x128xi32, #tpu.memory_space<vmem>>
      %dma_wait3A_278 = tpu.memref_squeeze %dma_wait3A_277 : memref<1x128xi32, #tpu.memory_space<vmem>> -> memref<128xi32, #tpu.memory_space<vmem>>
      %dma_wait3A_279 = arith.constant 0 : i32
      %dma_wait3A_280 = arith.constant 0 : i32
      %dma_wait3A_281 = tpu.memref_slice %arg3[%dma_wait3A_279, %dma_wait3A_280] : memref<10000x16xf32, #tpu.memory_space<hbm>> -> memref<10000x16xf32, #tpu.memory_space<hbm>>
      tpu.wait_indirect_dma semaphore(%arg7 : memref<!tpu.dma_semaphore, #tpu.memory_space<semaphore_mem>>) src(%dma_wait3A_281 : memref<10000x16xf32, #tpu.memory_space<hbm>>) dst(%dma_wait3A_275 : memref<128x16xf32, #tpu.memory_space<vmem>>)
      %dma_wait3A_282 = arith.constant 0 : i32
      %dma_wait3A_283 = tpu.memref_slice %arg6[%mul3A_187, %dma_wait3A_282] : memref<5120x16xf32, #tpu.memory_space<vmem>> -> memref<128x16xf32, #tpu.memory_space<vmem>>
      %dma_wait3A_284 = arith.constant 0 : i32
      %dma_wait3A_285 = tpu.memref_slice %arg5[%add3A_185, %dma_wait3A_284] : memref<40x128xi32, #tpu.memory_space<vmem>> -> memref<1x128xi32, #tpu.memory_space<vmem>>
      %dma_wait3A_286 = tpu.memref_squeeze %dma_wait3A_285 : memref<1x128xi32, #tpu.memory_space<vmem>> -> memref<128xi32, #tpu.memory_space<vmem>>
      %dma_wait3A_287 = arith.constant 0 : i32
      %dma_wait3A_288 = arith.constant 0 : i32
      %dma_wait3A_289 = tpu.memref_slice %arg3[%dma_wait3A_287, %dma_wait3A_288] : memref<10000x16xf32, #tpu.memory_space<hbm>> -> memref<10000x16xf32, #tpu.memory_space<hbm>>
      tpu.wait_indirect_dma semaphore(%arg7 : memref<!tpu.dma_semaphore, #tpu.memory_space<semaphore_mem>>) src(%dma_wait3A_289 : memref<10000x16xf32, #tpu.memory_space<hbm>>) dst(%dma_wait3A_283 : memref<128x16xf32, #tpu.memory_space<vmem>>)
      %dma_wait3A_290 = arith.constant 0 : i32
      %dma_wait3A_291 = tpu.memref_slice %arg6[%mul3A_201, %dma_wait3A_290] : memref<5120x16xf32, #tpu.memory_space<vmem>> -> memref<128x16xf32, #tpu.memory_space<vmem>>
      %dma_wait3A_292 = arith.constant 0 : i32
      %dma_wait3A_293 = tpu.memref_slice %arg5[%add3A_199, %dma_wait3A_292] : memref<40x128xi32, #tpu.memory_space<vmem>> -> memref<1x128xi32, #tpu.memory_space<vmem>>
      %dma_wait3A_294 = tpu.memref_squeeze %dma_wait3A_293 : memref<1x128xi32, #tpu.memory_space<vmem>> -> memref<128xi32, #tpu.memory_space<vmem>>
      %dma_wait3A_295 = arith.constant 0 : i32
      %dma_wait3A_296 = arith.constant 0 : i32
      %dma_wait3A_297 = tpu.memref_slice %arg3[%dma_wait3A_295, %dma_wait3A_296] : memref<10000x16xf32, #tpu.memory_space<hbm>> -> memref<10000x16xf32, #tpu.memory_space<hbm>>
      tpu.wait_indirect_dma semaphore(%arg7 : memref<!tpu.dma_semaphore, #tpu.memory_space<semaphore_mem>>) src(%dma_wait3A_297 : memref<10000x16xf32, #tpu.memory_space<hbm>>) dst(%dma_wait3A_291 : memref<128x16xf32, #tpu.memory_space<vmem>>)
      %dma_wait3A_298 = arith.constant 0 : i32
      %dma_wait3A_299 = tpu.memref_slice %arg6[%mul3A_215, %dma_wait3A_298] : memref<5120x16xf32, #tpu.memory_space<vmem>> -> memref<128x16xf32, #tpu.memory_space<vmem>>
      %dma_wait3A_300 = arith.constant 0 : i32
      %dma_wait3A_301 = tpu.memref_slice %arg5[%add3A_213, %dma_wait3A_300] : memref<40x128xi32, #tpu.memory_space<vmem>> -> memref<1x128xi32, #tpu.memory_space<vmem>>
      %dma_wait3A_302 = tpu.memref_squeeze %dma_wait3A_301 : memref<1x128xi32, #tpu.memory_space<vmem>> -> memref<128xi32, #tpu.memory_space<vmem>>
      %dma_wait3A_303 = arith.constant 0 : i32
      %dma_wait3A_304 = arith.constant 0 : i32
      %dma_wait3A_305 = tpu.memref_slice %arg3[%dma_wait3A_303, %dma_wait3A_304] : memref<10000x16xf32, #tpu.memory_space<hbm>> -> memref<10000x16xf32, #tpu.memory_space<hbm>>
      tpu.wait_indirect_dma semaphore(%arg7 : memref<!tpu.dma_semaphore, #tpu.memory_space<semaphore_mem>>) src(%dma_wait3A_305 : memref<10000x16xf32, #tpu.memory_space<hbm>>) dst(%dma_wait3A_299 : memref<128x16xf32, #tpu.memory_space<vmem>>)
      %dma_wait3A_306 = arith.constant 0 : i32
      %dma_wait3A_307 = tpu.memref_slice %arg6[%mul3A_229, %dma_wait3A_306] : memref<5120x16xf32, #tpu.memory_space<vmem>> -> memref<128x16xf32, #tpu.memory_space<vmem>>
      %dma_wait3A_308 = arith.constant 0 : i32
      %dma_wait3A_309 = tpu.memref_slice %arg5[%add3A_227, %dma_wait3A_308] : memref<40x128xi32, #tpu.memory_space<vmem>> -> memref<1x128xi32, #tpu.memory_space<vmem>>
      %dma_wait3A_310 = tpu.memref_squeeze %dma_wait3A_309 : memref<1x128xi32, #tpu.memory_space<vmem>> -> memref<128xi32, #tpu.memory_space<vmem>>
      %dma_wait3A_311 = arith.constant 0 : i32
      %dma_wait3A_312 = arith.constant 0 : i32
      %dma_wait3A_313 = tpu.memref_slice %arg3[%dma_wait3A_311, %dma_wait3A_312] : memref<10000x16xf32, #tpu.memory_space<hbm>> -> memref<10000x16xf32, #tpu.memory_space<hbm>>
      tpu.wait_indirect_dma semaphore(%arg7 : memref<!tpu.dma_semaphore, #tpu.memory_space<semaphore_mem>>) src(%dma_wait3A_313 : memref<10000x16xf32, #tpu.memory_space<hbm>>) dst(%dma_wait3A_307 : memref<128x16xf32, #tpu.memory_space<vmem>>)
      %dma_wait3A_314 = arith.constant 0 : i32
      %dma_wait3A_315 = tpu.memref_slice %arg6[%mul3A_243, %dma_wait3A_314] : memref<5120x16xf32, #tpu.memory_space<vmem>> -> memref<128x16xf32, #tpu.memory_space<vmem>>
      %dma_wait3A_316 = arith.constant 0 : i32
      %dma_wait3A_317 = tpu.memref_slice %arg5[%add3A_241, %dma_wait3A_316] : memref<40x128xi32, #tpu.memory_space<vmem>> -> memref<1x128xi32, #tpu.memory_space<vmem>>
      %dma_wait3A_318 = tpu.memref_squeeze %dma_wait3A_317 : memref<1x128xi32, #tpu.memory_space<vmem>> -> memref<128xi32, #tpu.memory_space<vmem>>
      %dma_wait3A_319 = arith.constant 0 : i32
      %dma_wait3A_320 = arith.constant 0 : i32
      %dma_wait3A_321 = tpu.memref_slice %arg3[%dma_wait3A_319, %dma_wait3A_320] : memref<10000x16xf32, #tpu.memory_space<hbm>> -> memref<10000x16xf32, #tpu.memory_space<hbm>>
      tpu.wait_indirect_dma semaphore(%arg7 : memref<!tpu.dma_semaphore, #tpu.memory_space<semaphore_mem>>) src(%dma_wait3A_321 : memref<10000x16xf32, #tpu.memory_space<hbm>>) dst(%dma_wait3A_315 : memref<128x16xf32, #tpu.memory_space<vmem>>)
      %dma_wait3A_322 = arith.constant 0 : i32
      %dma_wait3A_323 = tpu.memref_slice %arg6[%mul3A_257, %dma_wait3A_322] : memref<5120x16xf32, #tpu.memory_space<vmem>> -> memref<128x16xf32, #tpu.memory_space<vmem>>
      %dma_wait3A_324 = arith.constant 0 : i32
      %dma_wait3A_325 = tpu.memref_slice %arg5[%add3A_255, %dma_wait3A_324] : memref<40x128xi32, #tpu.memory_space<vmem>> -> memref<1x128xi32, #tpu.memory_space<vmem>>
      %dma_wait3A_326 = tpu.memref_squeeze %dma_wait3A_325 : memref<1x128xi32, #tpu.memory_space<vmem>> -> memref<128xi32, #tpu.memory_space<vmem>>
      %dma_wait3A_327 = arith.constant 0 : i32
      %dma_wait3A_328 = arith.constant 0 : i32
      %dma_wait3A_329 = tpu.memref_slice %arg3[%dma_wait3A_327, %dma_wait3A_328] : memref<10000x16xf32, #tpu.memory_space<hbm>> -> memref<10000x16xf32, #tpu.memory_space<hbm>>
      tpu.wait_indirect_dma semaphore(%arg7 : memref<!tpu.dma_semaphore, #tpu.memory_space<semaphore_mem>>) src(%dma_wait3A_329 : memref<10000x16xf32, #tpu.memory_space<hbm>>) dst(%dma_wait3A_323 : memref<128x16xf32, #tpu.memory_space<vmem>>)
    }
    %scan3A_9 = arith.constant 4 : i32
    %dma_start3A = arith.constant 32 : i32
    %dma_start3A_10 = arith.constant 4096 : i32
    %dma_start3A_11 = arith.constant 0 : i32
    %dma_start3A_12 = tpu.memref_slice %arg6[%dma_start3A_10, %dma_start3A_11] : memref<5120x16xf32, #tpu.memory_space<vmem>> -> memref<128x16xf32, #tpu.memory_space<vmem>>
    %dma_start3A_13 = arith.constant 0 : i32
    %dma_start3A_14 = tpu.memref_slice %arg5[%dma_start3A, %dma_start3A_13] : memref<40x128xi32, #tpu.memory_space<vmem>> -> memref<1x128xi32, #tpu.memory_space<vmem>>
    %dma_start3A_15 = tpu.memref_squeeze %dma_start3A_14 : memref<1x128xi32, #tpu.memory_space<vmem>> -> memref<128xi32, #tpu.memory_space<vmem>>
    %dma_start3A_16 = arith.constant 0 : i32
    %dma_start3A_17 = arith.constant 0 : i32
    %dma_start3A_18 = tpu.memref_slice %arg3[%dma_start3A_16, %dma_start3A_17] : memref<10000x16xf32, #tpu.memory_space<hbm>> -> memref<10000x16xf32, #tpu.memory_space<hbm>>
    tpu.enqueue_indirect_dma source(%dma_start3A_18 : memref<10000x16xf32, #tpu.memory_space<hbm>>) target(%dma_start3A_12 : memref<128x16xf32, #tpu.memory_space<vmem>>) offsets(%dma_start3A_15 : memref<128xi32, #tpu.memory_space<vmem>>) semaphore(%arg7 : memref<!tpu.dma_semaphore, #tpu.memory_space<semaphore_mem>>)
    %dma_start3A_19 = arith.constant 33 : i32
    %dma_start3A_20 = arith.constant 4224 : i32
    %dma_start3A_21 = arith.constant 0 : i32
    %dma_start3A_22 = tpu.memref_slice %arg6[%dma_start3A_20, %dma_start3A_21] : memref<5120x16xf32, #tpu.memory_space<vmem>> -> memref<128x16xf32, #tpu.memory_space<vmem>>
    %dma_start3A_23 = arith.constant 0 : i32
    %dma_start3A_24 = tpu.memref_slice %arg5[%dma_start3A_19, %dma_start3A_23] : memref<40x128xi32, #tpu.memory_space<vmem>> -> memref<1x128xi32, #tpu.memory_space<vmem>>
    %dma_start3A_25 = tpu.memref_squeeze %dma_start3A_24 : memref<1x128xi32, #tpu.memory_space<vmem>> -> memref<128xi32, #tpu.memory_space<vmem>>
    %dma_start3A_26 = arith.constant 0 : i32
    %dma_start3A_27 = arith.constant 0 : i32
    %dma_start3A_28 = tpu.memref_slice %arg3[%dma_start3A_26, %dma_start3A_27] : memref<10000x16xf32, #tpu.memory_space<hbm>> -> memref<10000x16xf32, #tpu.memory_space<hbm>>
    tpu.enqueue_indirect_dma source(%dma_start3A_28 : memref<10000x16xf32, #tpu.memory_space<hbm>>) target(%dma_start3A_22 : memref<128x16xf32, #tpu.memory_space<vmem>>) offsets(%dma_start3A_25 : memref<128xi32, #tpu.memory_space<vmem>>) semaphore(%arg7 : memref<!tpu.dma_semaphore, #tpu.memory_space<semaphore_mem>>)
    %dma_start3A_29 = arith.constant 34 : i32
    %dma_start3A_30 = arith.constant 4352 : i32
    %dma_start3A_31 = arith.constant 0 : i32
    %dma_start3A_32 = tpu.memref_slice %arg6[%dma_start3A_30, %dma_start3A_31] : memref<5120x16xf32, #tpu.memory_space<vmem>> -> memref<128x16xf32, #tpu.memory_space<vmem>>
    %dma_start3A_33 = arith.constant 0 : i32
    %dma_start3A_34 = tpu.memref_slice %arg5[%dma_start3A_29, %dma_start3A_33] : memref<40x128xi32, #tpu.memory_space<vmem>> -> memref<1x128xi32, #tpu.memory_space<vmem>>
    %dma_start3A_35 = tpu.memref_squeeze %dma_start3A_34 : memref<1x128xi32, #tpu.memory_space<vmem>> -> memref<128xi32, #tpu.memory_space<vmem>>
    %dma_start3A_36 = arith.constant 0 : i32
    %dma_start3A_37 = arith.constant 0 : i32
    %dma_start3A_38 = tpu.memref_slice %arg3[%dma_start3A_36, %dma_start3A_37] : memref<10000x16xf32, #tpu.memory_space<hbm>> -> memref<10000x16xf32, #tpu.memory_space<hbm>>
    tpu.enqueue_indirect_dma source(%dma_start3A_38 : memref<10000x16xf32, #tpu.memory_space<hbm>>) target(%dma_start3A_32 : memref<128x16xf32, #tpu.memory_space<vmem>>) offsets(%dma_start3A_35 : memref<128xi32, #tpu.memory_space<vmem>>) semaphore(%arg7 : memref<!tpu.dma_semaphore, #tpu.memory_space<semaphore_mem>>)
    %dma_start3A_39 = arith.constant 35 : i32
    %dma_start3A_40 = arith.constant 4480 : i32
    %dma_start3A_41 = arith.constant 0 : i32
    %dma_start3A_42 = tpu.memref_slice %arg6[%dma_start3A_40, %dma_start3A_41] : memref<5120x16xf32, #tpu.memory_space<vmem>> -> memref<128x16xf32, #tpu.memory_space<vmem>>
    %dma_start3A_43 = arith.constant 0 : i32
    %dma_start3A_44 = tpu.memref_slice %arg5[%dma_start3A_39, %dma_start3A_43] : memref<40x128xi32, #tpu.memory_space<vmem>> -> memref<1x128xi32, #tpu.memory_space<vmem>>
    %dma_start3A_45 = tpu.memref_squeeze %dma_start3A_44 : memref<1x128xi32, #tpu.memory_space<vmem>> -> memref<128xi32, #tpu.memory_space<vmem>>
    %dma_start3A_46 = arith.constant 0 : i32
    %dma_start3A_47 = arith.constant 0 : i32
    %dma_start3A_48 = tpu.memref_slice %arg3[%dma_start3A_46, %dma_start3A_47] : memref<10000x16xf32, #tpu.memory_space<hbm>> -> memref<10000x16xf32, #tpu.memory_space<hbm>>
    tpu.enqueue_indirect_dma source(%dma_start3A_48 : memref<10000x16xf32, #tpu.memory_space<hbm>>) target(%dma_start3A_42 : memref<128x16xf32, #tpu.memory_space<vmem>>) offsets(%dma_start3A_45 : memref<128xi32, #tpu.memory_space<vmem>>) semaphore(%arg7 : memref<!tpu.dma_semaphore, #tpu.memory_space<semaphore_mem>>)
    %dma_start3A_49 = arith.constant 36 : i32
    %dma_start3A_50 = arith.constant 4608 : i32
    %dma_start3A_51 = arith.constant 0 : i32
    %dma_start3A_52 = tpu.memref_slice %arg6[%dma_start3A_50, %dma_start3A_51] : memref<5120x16xf32, #tpu.memory_space<vmem>> -> memref<128x16xf32, #tpu.memory_space<vmem>>
    %dma_start3A_53 = arith.constant 0 : i32
    %dma_start3A_54 = tpu.memref_slice %arg5[%dma_start3A_49, %dma_start3A_53] : memref<40x128xi32, #tpu.memory_space<vmem>> -> memref<1x128xi32, #tpu.memory_space<vmem>>
    %dma_start3A_55 = tpu.memref_squeeze %dma_start3A_54 : memref<1x128xi32, #tpu.memory_space<vmem>> -> memref<128xi32, #tpu.memory_space<vmem>>
    %dma_start3A_56 = arith.constant 0 : i32
    %dma_start3A_57 = arith.constant 0 : i32
    %dma_start3A_58 = tpu.memref_slice %arg3[%dma_start3A_56, %dma_start3A_57] : memref<10000x16xf32, #tpu.memory_space<hbm>> -> memref<10000x16xf32, #tpu.memory_space<hbm>>
    tpu.enqueue_indirect_dma source(%dma_start3A_58 : memref<10000x16xf32, #tpu.memory_space<hbm>>) target(%dma_start3A_52 : memref<128x16xf32, #tpu.memory_space<vmem>>) offsets(%dma_start3A_55 : memref<128xi32, #tpu.memory_space<vmem>>) semaphore(%arg7 : memref<!tpu.dma_semaphore, #tpu.memory_space<semaphore_mem>>)
    %dma_start3A_59 = arith.constant 37 : i32
    %dma_start3A_60 = arith.constant 4736 : i32
    %dma_start3A_61 = arith.constant 0 : i32
    %dma_start3A_62 = tpu.memref_slice %arg6[%dma_start3A_60, %dma_start3A_61] : memref<5120x16xf32, #tpu.memory_space<vmem>> -> memref<128x16xf32, #tpu.memory_space<vmem>>
    %dma_start3A_63 = arith.constant 0 : i32
    %dma_start3A_64 = tpu.memref_slice %arg5[%dma_start3A_59, %dma_start3A_63] : memref<40x128xi32, #tpu.memory_space<vmem>> -> memref<1x128xi32, #tpu.memory_space<vmem>>
    %dma_start3A_65 = tpu.memref_squeeze %dma_start3A_64 : memref<1x128xi32, #tpu.memory_space<vmem>> -> memref<128xi32, #tpu.memory_space<vmem>>
    %dma_start3A_66 = arith.constant 0 : i32
    %dma_start3A_67 = arith.constant 0 : i32
    %dma_start3A_68 = tpu.memref_slice %arg3[%dma_start3A_66, %dma_start3A_67] : memref<10000x16xf32, #tpu.memory_space<hbm>> -> memref<10000x16xf32, #tpu.memory_space<hbm>>
    tpu.enqueue_indirect_dma source(%dma_start3A_68 : memref<10000x16xf32, #tpu.memory_space<hbm>>) target(%dma_start3A_62 : memref<128x16xf32, #tpu.memory_space<vmem>>) offsets(%dma_start3A_65 : memref<128xi32, #tpu.memory_space<vmem>>) semaphore(%arg7 : memref<!tpu.dma_semaphore, #tpu.memory_space<semaphore_mem>>)
    %dma_start3A_69 = arith.constant 38 : i32
    %dma_start3A_70 = arith.constant 4864 : i32
    %dma_start3A_71 = arith.constant 0 : i32
    %dma_start3A_72 = tpu.memref_slice %arg6[%dma_start3A_70, %dma_start3A_71] : memref<5120x16xf32, #tpu.memory_space<vmem>> -> memref<128x16xf32, #tpu.memory_space<vmem>>
    %dma_start3A_73 = arith.constant 0 : i32
    %dma_start3A_74 = tpu.memref_slice %arg5[%dma_start3A_69, %dma_start3A_73] : memref<40x128xi32, #tpu.memory_space<vmem>> -> memref<1x128xi32, #tpu.memory_space<vmem>>
    %dma_start3A_75 = tpu.memref_squeeze %dma_start3A_74 : memref<1x128xi32, #tpu.memory_space<vmem>> -> memref<128xi32, #tpu.memory_space<vmem>>
    %dma_start3A_76 = arith.constant 0 : i32
    %dma_start3A_77 = arith.constant 0 : i32
    %dma_start3A_78 = tpu.memref_slice %arg3[%dma_start3A_76, %dma_start3A_77] : memref<10000x16xf32, #tpu.memory_space<hbm>> -> memref<10000x16xf32, #tpu.memory_space<hbm>>
    tpu.enqueue_indirect_dma source(%dma_start3A_78 : memref<10000x16xf32, #tpu.memory_space<hbm>>) target(%dma_start3A_72 : memref<128x16xf32, #tpu.memory_space<vmem>>) offsets(%dma_start3A_75 : memref<128xi32, #tpu.memory_space<vmem>>) semaphore(%arg7 : memref<!tpu.dma_semaphore, #tpu.memory_space<semaphore_mem>>)
    %dma_wait3A = arith.constant 32 : i32
    %dma_wait3A_79 = arith.constant 4096 : i32
    %dma_wait3A_80 = arith.constant 0 : i32
    %dma_wait3A_81 = tpu.memref_slice %arg6[%dma_wait3A_79, %dma_wait3A_80] : memref<5120x16xf32, #tpu.memory_space<vmem>> -> memref<128x16xf32, #tpu.memory_space<vmem>>
    %dma_wait3A_82 = arith.constant 0 : i32
    %dma_wait3A_83 = tpu.memref_slice %arg5[%dma_wait3A, %dma_wait3A_82] : memref<40x128xi32, #tpu.memory_space<vmem>> -> memref<1x128xi32, #tpu.memory_space<vmem>>
    %dma_wait3A_84 = tpu.memref_squeeze %dma_wait3A_83 : memref<1x128xi32, #tpu.memory_space<vmem>> -> memref<128xi32, #tpu.memory_space<vmem>>
    %dma_wait3A_85 = arith.constant 0 : i32
    %dma_wait3A_86 = arith.constant 0 : i32
    %dma_wait3A_87 = tpu.memref_slice %arg3[%dma_wait3A_85, %dma_wait3A_86] : memref<10000x16xf32, #tpu.memory_space<hbm>> -> memref<10000x16xf32, #tpu.memory_space<hbm>>
    tpu.wait_indirect_dma semaphore(%arg7 : memref<!tpu.dma_semaphore, #tpu.memory_space<semaphore_mem>>) src(%dma_wait3A_87 : memref<10000x16xf32, #tpu.memory_space<hbm>>) dst(%dma_wait3A_81 : memref<128x16xf32, #tpu.memory_space<vmem>>)
    %dma_wait3A_88 = arith.constant 33 : i32
    %dma_wait3A_89 = arith.constant 4224 : i32
    %dma_wait3A_90 = arith.constant 0 : i32
    %dma_wait3A_91 = tpu.memref_slice %arg6[%dma_wait3A_89, %dma_wait3A_90] : memref<5120x16xf32, #tpu.memory_space<vmem>> -> memref<128x16xf32, #tpu.memory_space<vmem>>
    %dma_wait3A_92 = arith.constant 0 : i32
    %dma_wait3A_93 = tpu.memref_slice %arg5[%dma_wait3A_88, %dma_wait3A_92] : memref<40x128xi32, #tpu.memory_space<vmem>> -> memref<1x128xi32, #tpu.memory_space<vmem>>
    %dma_wait3A_94 = tpu.memref_squeeze %dma_wait3A_93 : memref<1x128xi32, #tpu.memory_space<vmem>> -> memref<128xi32, #tpu.memory_space<vmem>>
    %dma_wait3A_95 = arith.constant 0 : i32
    %dma_wait3A_96 = arith.constant 0 : i32
    %dma_wait3A_97 = tpu.memref_slice %arg3[%dma_wait3A_95, %dma_wait3A_96] : memref<10000x16xf32, #tpu.memory_space<hbm>> -> memref<10000x16xf32, #tpu.memory_space<hbm>>
    tpu.wait_indirect_dma semaphore(%arg7 : memref<!tpu.dma_semaphore, #tpu.memory_space<semaphore_mem>>) src(%dma_wait3A_97 : memref<10000x16xf32, #tpu.memory_space<hbm>>) dst(%dma_wait3A_91 : memref<128x16xf32, #tpu.memory_space<vmem>>)
    %dma_wait3A_98 = arith.constant 34 : i32
    %dma_wait3A_99 = arith.constant 4352 : i32
    %dma_wait3A_100 = arith.constant 0 : i32
    %dma_wait3A_101 = tpu.memref_slice %arg6[%dma_wait3A_99, %dma_wait3A_100] : memref<5120x16xf32, #tpu.memory_space<vmem>> -> memref<128x16xf32, #tpu.memory_space<vmem>>
    %dma_wait3A_102 = arith.constant 0 : i32
    %dma_wait3A_103 = tpu.memref_slice %arg5[%dma_wait3A_98, %dma_wait3A_102] : memref<40x128xi32, #tpu.memory_space<vmem>> -> memref<1x128xi32, #tpu.memory_space<vmem>>
    %dma_wait3A_104 = tpu.memref_squeeze %dma_wait3A_103 : memref<1x128xi32, #tpu.memory_space<vmem>> -> memref<128xi32, #tpu.memory_space<vmem>>
    %dma_wait3A_105 = arith.constant 0 : i32
    %dma_wait3A_106 = arith.constant 0 : i32
    %dma_wait3A_107 = tpu.memref_slice %arg3[%dma_wait3A_105, %dma_wait3A_106] : memref<10000x16xf32, #tpu.memory_space<hbm>> -> memref<10000x16xf32, #tpu.memory_space<hbm>>
    tpu.wait_indirect_dma semaphore(%arg7 : memref<!tpu.dma_semaphore, #tpu.memory_space<semaphore_mem>>) src(%dma_wait3A_107 : memref<10000x16xf32, #tpu.memory_space<hbm>>) dst(%dma_wait3A_101 : memref<128x16xf32, #tpu.memory_space<vmem>>)
    %dma_wait3A_108 = arith.constant 35 : i32
    %dma_wait3A_109 = arith.constant 4480 : i32
    %dma_wait3A_110 = arith.constant 0 : i32
    %dma_wait3A_111 = tpu.memref_slice %arg6[%dma_wait3A_109, %dma_wait3A_110] : memref<5120x16xf32, #tpu.memory_space<vmem>> -> memref<128x16xf32, #tpu.memory_space<vmem>>
    %dma_wait3A_112 = arith.constant 0 : i32
    %dma_wait3A_113 = tpu.memref_slice %arg5[%dma_wait3A_108, %dma_wait3A_112] : memref<40x128xi32, #tpu.memory_space<vmem>> -> memref<1x128xi32, #tpu.memory_space<vmem>>
    %dma_wait3A_114 = tpu.memref_squeeze %dma_wait3A_113 : memref<1x128xi32, #tpu.memory_space<vmem>> -> memref<128xi32, #tpu.memory_space<vmem>>
    %dma_wait3A_115 = arith.constant 0 : i32
    %dma_wait3A_116 = arith.constant 0 : i32
    %dma_wait3A_117 = tpu.memref_slice %arg3[%dma_wait3A_115, %dma_wait3A_116] : memref<10000x16xf32, #tpu.memory_space<hbm>> -> memref<10000x16xf32, #tpu.memory_space<hbm>>
    tpu.wait_indirect_dma semaphore(%arg7 : memref<!tpu.dma_semaphore, #tpu.memory_space<semaphore_mem>>) src(%dma_wait3A_117 : memref<10000x16xf32, #tpu.memory_space<hbm>>) dst(%dma_wait3A_111 : memref<128x16xf32, #tpu.memory_space<vmem>>)
    %dma_wait3A_118 = arith.constant 36 : i32
    %dma_wait3A_119 = arith.constant 4608 : i32
    %dma_wait3A_120 = arith.constant 0 : i32
    %dma_wait3A_121 = tpu.memref_slice %arg6[%dma_wait3A_119, %dma_wait3A_120] : memref<5120x16xf32, #tpu.memory_space<vmem>> -> memref<128x16xf32, #tpu.memory_space<vmem>>
    %dma_wait3A_122 = arith.constant 0 : i32
    %dma_wait3A_123 = tpu.memref_slice %arg5[%dma_wait3A_118, %dma_wait3A_122] : memref<40x128xi32, #tpu.memory_space<vmem>> -> memref<1x128xi32, #tpu.memory_space<vmem>>
    %dma_wait3A_124 = tpu.memref_squeeze %dma_wait3A_123 : memref<1x128xi32, #tpu.memory_space<vmem>> -> memref<128xi32, #tpu.memory_space<vmem>>
    %dma_wait3A_125 = arith.constant 0 : i32
    %dma_wait3A_126 = arith.constant 0 : i32
    %dma_wait3A_127 = tpu.memref_slice %arg3[%dma_wait3A_125, %dma_wait3A_126] : memref<10000x16xf32, #tpu.memory_space<hbm>> -> memref<10000x16xf32, #tpu.memory_space<hbm>>
    tpu.wait_indirect_dma semaphore(%arg7 : memref<!tpu.dma_semaphore, #tpu.memory_space<semaphore_mem>>) src(%dma_wait3A_127 : memref<10000x16xf32, #tpu.memory_space<hbm>>) dst(%dma_wait3A_121 : memref<128x16xf32, #tpu.memory_space<vmem>>)
    %dma_wait3A_128 = arith.constant 37 : i32
    %dma_wait3A_129 = arith.constant 4736 : i32
    %dma_wait3A_130 = arith.constant 0 : i32
    %dma_wait3A_131 = tpu.memref_slice %arg6[%dma_wait3A_129, %dma_wait3A_130] : memref<5120x16xf32, #tpu.memory_space<vmem>> -> memref<128x16xf32, #tpu.memory_space<vmem>>
    %dma_wait3A_132 = arith.constant 0 : i32
    %dma_wait3A_133 = tpu.memref_slice %arg5[%dma_wait3A_128, %dma_wait3A_132] : memref<40x128xi32, #tpu.memory_space<vmem>> -> memref<1x128xi32, #tpu.memory_space<vmem>>
    %dma_wait3A_134 = tpu.memref_squeeze %dma_wait3A_133 : memref<1x128xi32, #tpu.memory_space<vmem>> -> memref<128xi32, #tpu.memory_space<vmem>>
    %dma_wait3A_135 = arith.constant 0 : i32
    %dma_wait3A_136 = arith.constant 0 : i32
    %dma_wait3A_137 = tpu.memref_slice %arg3[%dma_wait3A_135, %dma_wait3A_136] : memref<10000x16xf32, #tpu.memory_space<hbm>> -> memref<10000x16xf32, #tpu.memory_space<hbm>>
    tpu.wait_indirect_dma semaphore(%arg7 : memref<!tpu.dma_semaphore, #tpu.memory_space<semaphore_mem>>) src(%dma_wait3A_137 : memref<10000x16xf32, #tpu.memory_space<hbm>>) dst(%dma_wait3A_131 : memref<128x16xf32, #tpu.memory_space<vmem>>)
    %dma_wait3A_138 = arith.constant 38 : i32
    %dma_wait3A_139 = arith.constant 4864 : i32
    %dma_wait3A_140 = arith.constant 0 : i32
    %dma_wait3A_141 = tpu.memref_slice %arg6[%dma_wait3A_139, %dma_wait3A_140] : memref<5120x16xf32, #tpu.memory_space<vmem>> -> memref<128x16xf32, #tpu.memory_space<vmem>>
    %dma_wait3A_142 = arith.constant 0 : i32
    %dma_wait3A_143 = tpu.memref_slice %arg5[%dma_wait3A_138, %dma_wait3A_142] : memref<40x128xi32, #tpu.memory_space<vmem>> -> memref<1x128xi32, #tpu.memory_space<vmem>>
    %dma_wait3A_144 = tpu.memref_squeeze %dma_wait3A_143 : memref<1x128xi32, #tpu.memory_space<vmem>> -> memref<128xi32, #tpu.memory_space<vmem>>
    %dma_wait3A_145 = arith.constant 0 : i32
    %dma_wait3A_146 = arith.constant 0 : i32
    %dma_wait3A_147 = tpu.memref_slice %arg3[%dma_wait3A_145, %dma_wait3A_146] : memref<10000x16xf32, #tpu.memory_space<hbm>> -> memref<10000x16xf32, #tpu.memory_space<hbm>>
    tpu.wait_indirect_dma semaphore(%arg7 : memref<!tpu.dma_semaphore, #tpu.memory_space<semaphore_mem>>) src(%dma_wait3A_147 : memref<10000x16xf32, #tpu.memory_space<hbm>>) dst(%dma_wait3A_141 : memref<128x16xf32, #tpu.memory_space<vmem>>)
    %mul3A_148 = arith.constant 128 : i32
    %mul3A_149 = arith.muli %add3A_4, %mul3A_148 : i32
    "tpu.region"() ({
      %run_scoped3A_153 = tpu.sem_alloc : memref<!tpu.dma_semaphore, #tpu.memory_space<semaphore_mem>>
      %dma_start3A_154 = arith.constant 0 : i32
      %dma_start3A_155 = arith.constant 0 : i32
      %dma_start3A_156 = tpu.memref_slice %arg6[%dma_start3A_154, %dma_start3A_155] : memref<5120x16xf32, #tpu.memory_space<vmem>> -> memref<4992x16xf32, #tpu.memory_space<vmem>>
      %dma_start3A_157 = arith.constant 0 : i32
      %dma_start3A_158 = tpu.memref_slice %arg4[%mul3A_149, %dma_start3A_157] : memref<160000x16xf32, #tpu.memory_space<hbm>> -> memref<4992x16xf32, #tpu.memory_space<hbm>>
      %dma_start3A_159 = arith.constant 0 : i32
      %dma_start3A_160 = tpu.memref_slice %arg4[%mul3A_149, %dma_start3A_159] : memref<160000x16xf32, #tpu.memory_space<hbm>> -> memref<4992x16xf32, #tpu.memory_space<hbm>>
      %dma_start3A_161 = arith.constant 0 : i32
      %dma_start3A_162 = arith.constant 0 : i32
      %dma_start3A_163 = tpu.memref_slice %arg6[%dma_start3A_161, %dma_start3A_162] : memref<5120x16xf32, #tpu.memory_space<vmem>> -> memref<4992x16xf32, #tpu.memory_space<vmem>>
      tpu.enqueue_dma source(%dma_start3A_163 : memref<4992x16xf32, #tpu.memory_space<vmem>>) target(%dma_start3A_160 : memref<4992x16xf32, #tpu.memory_space<hbm>>) target_semaphore(%run_scoped3A_153 : memref<!tpu.dma_semaphore, #tpu.memory_space<semaphore_mem>>)
      %dma_wait3A_164 = arith.constant 0 : i32
      %dma_wait3A_165 = arith.constant 0 : i32
      %dma_wait3A_166 = tpu.memref_slice %arg6[%dma_wait3A_164, %dma_wait3A_165] : memref<5120x16xf32, #tpu.memory_space<vmem>> -> memref<4992x16xf32, #tpu.memory_space<vmem>>
      %dma_wait3A_167 = arith.constant 0 : i32
      %dma_wait3A_168 = tpu.memref_slice %arg4[%mul3A_149, %dma_wait3A_167] : memref<160000x16xf32, #tpu.memory_space<hbm>> -> memref<4992x16xf32, #tpu.memory_space<hbm>>
      %dma_wait3A_169 = arith.constant 0 : i32
      %dma_wait3A_170 = tpu.memref_slice %arg4[%mul3A_149, %dma_wait3A_169] : memref<160000x16xf32, #tpu.memory_space<hbm>> -> memref<4992x16xf32, #tpu.memory_space<hbm>>
      %dma_wait3A_171 = arith.constant 0 : i32
      %dma_wait3A_172 = arith.constant 0 : i32
      %dma_wait3A_173 = tpu.memref_slice %arg6[%dma_wait3A_171, %dma_wait3A_172] : memref<5120x16xf32, #tpu.memory_space<vmem>> -> memref<4992x16xf32, #tpu.memory_space<vmem>>
      tpu.wait_dma2 semaphore(%run_scoped3A_153 : memref<!tpu.dma_semaphore, #tpu.memory_space<semaphore_mem>>) src(%dma_wait3A_173 : memref<4992x16xf32, #tpu.memory_space<vmem>>) dst(%dma_wait3A_170 : memref<4992x16xf32, #tpu.memory_space<hbm>>)
      tpu.yield
    }) : () -> ()
    %lt3A = arith.constant 2 : i32
    %lt3A_150 = arith.cmpi slt, %add3A, %lt3A : i32
    %convert_element_type3A = arith.extui %lt3A_150 : i1 to i32
    %cond3A = arith.constant 0 : i32
    %cond3A_151 = arith.constant 0 : i32
    %cond3A_152 = arith.cmpi ne, %convert_element_type3A, %cond3A_151 : i32
    scf.if %cond3A_152 {
      %add3A_153 = arith.constant 39 : i32
      %add3A_154 = arith.addi %add3A_4, %add3A_153 : i32
      %run_scoped3A_155 = arith.constant 39 : i32
      "tpu.region"() ({
        %run_scoped3A_180 = tpu.sem_alloc : memref<!tpu.dma_semaphore, #tpu.memory_space<semaphore_mem>>
        %dma_start3A_181 = arith.constant 0 : i32
        %dma_start3A_182 = tpu.memref_slice %arg5[%run_scoped3A_155, %dma_start3A_181] : memref<40x128xi32, #tpu.memory_space<vmem>> -> memref<1x128xi32, #tpu.memory_space<vmem>>
        %dma_start3A_183 = tpu.memref_squeeze %dma_start3A_182 : memref<1x128xi32, #tpu.memory_space<vmem>> -> memref<128xi32, #tpu.memory_space<vmem>>
        %dma_start3A_184 = arith.constant 0 : i32
        %dma_start3A_185 = arith.constant 0 : i32
        %dma_start3A_186 = tpu.memref_slice %arg2[%cond3A, %dma_start3A_184, %dma_start3A_185] : memref<2x1250x128xi32, #tpu.memory_space<hbm>> -> memref<1x1250x128xi32, #tpu.memory_space<hbm>>
        %dma_start3A_187 = tpu.memref_squeeze %dma_start3A_186 : memref<1x1250x128xi32, #tpu.memory_space<hbm>> -> memref<1250x128xi32, #tpu.memory_space<hbm>>
        %dma_start3A_188 = arith.constant 0 : i32
        %dma_start3A_189 = tpu.memref_slice %dma_start3A_187[%add3A_154, %dma_start3A_188] : memref<1250x128xi32, #tpu.memory_space<hbm>> -> memref<1x128xi32, #tpu.memory_space<hbm>>
        %dma_start3A_190 = tpu.memref_squeeze %dma_start3A_189 : memref<1x128xi32, #tpu.memory_space<hbm>> -> memref<128xi32, #tpu.memory_space<hbm>>
        %dma_start3A_191 = arith.constant 0 : i32
        %dma_start3A_192 = tpu.memref_slice %arg5[%run_scoped3A_155, %dma_start3A_191] : memref<40x128xi32, #tpu.memory_space<vmem>> -> memref<1x128xi32, #tpu.memory_space<vmem>>
        %dma_start3A_193 = tpu.memref_squeeze %dma_start3A_192 : memref<1x128xi32, #tpu.memory_space<vmem>> -> memref<128xi32, #tpu.memory_space<vmem>>
        %dma_start3A_194 = arith.constant 0 : i32
        %dma_start3A_195 = arith.constant 0 : i32
        %dma_start3A_196 = tpu.memref_slice %arg2[%cond3A, %dma_start3A_194, %dma_start3A_195] : memref<2x1250x128xi32, #tpu.memory_space<hbm>> -> memref<1x1250x128xi32, #tpu.memory_space<hbm>>
        %dma_start3A_197 = tpu.memref_squeeze %dma_start3A_196 : memref<1x1250x128xi32, #tpu.memory_space<hbm>> -> memref<1250x128xi32, #tpu.memory_space<hbm>>
        %dma_start3A_198 = arith.constant 0 : i32
        %dma_start3A_199 = tpu.memref_slice %dma_start3A_197[%add3A_154, %dma_start3A_198] : memref<1250x128xi32, #tpu.memory_space<hbm>> -> memref<1x128xi32, #tpu.memory_space<hbm>>
        %dma_start3A_200 = tpu.memref_squeeze %dma_start3A_199 : memref<1x128xi32, #tpu.memory_space<hbm>> -> memref<128xi32, #tpu.memory_space<hbm>>
        tpu.enqueue_dma source(%dma_start3A_200 : memref<128xi32, #tpu.memory_space<hbm>>) target(%dma_start3A_193 : memref<128xi32, #tpu.memory_space<vmem>>) target_semaphore(%run_scoped3A_180 : memref<!tpu.dma_semaphore, #tpu.memory_space<semaphore_mem>>)
        %dma_wait3A_201 = arith.constant 0 : i32
        %dma_wait3A_202 = tpu.memref_slice %arg5[%run_scoped3A_155, %dma_wait3A_201] : memref<40x128xi32, #tpu.memory_space<vmem>> -> memref<1x128xi32, #tpu.memory_space<vmem>>
        %dma_wait3A_203 = tpu.memref_squeeze %dma_wait3A_202 : memref<1x128xi32, #tpu.memory_space<vmem>> -> memref<128xi32, #tpu.memory_space<vmem>>
        %dma_wait3A_204 = arith.constant 0 : i32
        %dma_wait3A_205 = arith.constant 0 : i32
        %dma_wait3A_206 = tpu.memref_slice %arg2[%cond3A, %dma_wait3A_204, %dma_wait3A_205] : memref<2x1250x128xi32, #tpu.memory_space<hbm>> -> memref<1x1250x128xi32, #tpu.memory_space<hbm>>
        %dma_wait3A_207 = tpu.memref_squeeze %dma_wait3A_206 : memref<1x1250x128xi32, #tpu.memory_space<hbm>> -> memref<1250x128xi32, #tpu.memory_space<hbm>>
        %dma_wait3A_208 = arith.constant 0 : i32
        %dma_wait3A_209 = tpu.memref_slice %dma_wait3A_207[%add3A_154, %dma_wait3A_208] : memref<1250x128xi32, #tpu.memory_space<hbm>> -> memref<1x128xi32, #tpu.memory_space<hbm>>
        %dma_wait3A_210 = tpu.memref_squeeze %dma_wait3A_209 : memref<1x128xi32, #tpu.memory_space<hbm>> -> memref<128xi32, #tpu.memory_space<hbm>>
        %dma_wait3A_211 = arith.constant 0 : i32
        %dma_wait3A_212 = tpu.memref_slice %arg5[%run_scoped3A_155, %dma_wait3A_211] : memref<40x128xi32, #tpu.memory_space<vmem>> -> memref<1x128xi32, #tpu.memory_space<vmem>>
        %dma_wait3A_213 = tpu.memref_squeeze %dma_wait3A_212 : memref<1x128xi32, #tpu.memory_space<vmem>> -> memref<128xi32, #tpu.memory_space<vmem>>
        %dma_wait3A_214 = arith.constant 0 : i32
        %dma_wait3A_215 = arith.constant 0 : i32
        %dma_wait3A_216 = tpu.memref_slice %arg2[%cond3A, %dma_wait3A_214, %dma_wait3A_215] : memref<2x1250x128xi32, #tpu.memory_space<hbm>> -> memref<1x1250x128xi32, #tpu.memory_space<hbm>>
        %dma_wait3A_217 = tpu.memref_squeeze %dma_wait3A_216 : memref<1x1250x128xi32, #tpu.memory_space<hbm>> -> memref<1250x128xi32, #tpu.memory_space<hbm>>
        %dma_wait3A_218 = arith.constant 0 : i32
        %dma_wait3A_219 = tpu.memref_slice %dma_wait3A_217[%add3A_154, %dma_wait3A_218] : memref<1250x128xi32, #tpu.memory_space<hbm>> -> memref<1x128xi32, #tpu.memory_space<hbm>>
        %dma_wait3A_220 = tpu.memref_squeeze %dma_wait3A_219 : memref<1x128xi32, #tpu.memory_space<hbm>> -> memref<128xi32, #tpu.memory_space<hbm>>
        tpu.wait_dma2 semaphore(%run_scoped3A_180 : memref<!tpu.dma_semaphore, #tpu.memory_space<semaphore_mem>>) src(%dma_wait3A_220 : memref<128xi32, #tpu.memory_space<hbm>>) dst(%dma_wait3A_213 : memref<128xi32, #tpu.memory_space<vmem>>)
        tpu.yield
      }) : () -> ()
      %dma_start3A_156 = arith.constant 39 : i32
      %dma_start3A_157 = arith.constant 4992 : i32
      %dma_start3A_158 = arith.constant 0 : i32
      %dma_start3A_159 = tpu.memref_slice %arg6[%dma_start3A_157, %dma_start3A_158] : memref<5120x16xf32, #tpu.memory_space<vmem>> -> memref<128x16xf32, #tpu.memory_space<vmem>>
      %dma_start3A_160 = arith.constant 0 : i32
      %dma_start3A_161 = tpu.memref_slice %arg5[%dma_start3A_156, %dma_start3A_160] : memref<40x128xi32, #tpu.memory_space<vmem>> -> memref<1x128xi32, #tpu.memory_space<vmem>>
      %dma_start3A_162 = tpu.memref_squeeze %dma_start3A_161 : memref<1x128xi32, #tpu.memory_space<vmem>> -> memref<128xi32, #tpu.memory_space<vmem>>
      %dma_start3A_163 = arith.constant 0 : i32
      %dma_start3A_164 = arith.constant 0 : i32
      %dma_start3A_165 = tpu.memref_slice %arg3[%dma_start3A_163, %dma_start3A_164] : memref<10000x16xf32, #tpu.memory_space<hbm>> -> memref<10000x16xf32, #tpu.memory_space<hbm>>
      tpu.enqueue_indirect_dma source(%dma_start3A_165 : memref<10000x16xf32, #tpu.memory_space<hbm>>) target(%dma_start3A_159 : memref<128x16xf32, #tpu.memory_space<vmem>>) offsets(%dma_start3A_162 : memref<128xi32, #tpu.memory_space<vmem>>) semaphore(%arg7 : memref<!tpu.dma_semaphore, #tpu.memory_space<semaphore_mem>>)
      %dma_wait3A_166 = arith.constant 39 : i32
      %dma_wait3A_167 = arith.constant 4992 : i32
      %dma_wait3A_168 = arith.constant 0 : i32
      %dma_wait3A_169 = tpu.memref_slice %arg6[%dma_wait3A_167, %dma_wait3A_168] : memref<5120x16xf32, #tpu.memory_space<vmem>> -> memref<128x16xf32, #tpu.memory_space<vmem>>
      %dma_wait3A_170 = arith.constant 0 : i32
      %dma_wait3A_171 = tpu.memref_slice %arg5[%dma_wait3A_166, %dma_wait3A_170] : memref<40x128xi32, #tpu.memory_space<vmem>> -> memref<1x128xi32, #tpu.memory_space<vmem>>
      %dma_wait3A_172 = tpu.memref_squeeze %dma_wait3A_171 : memref<1x128xi32, #tpu.memory_space<vmem>> -> memref<128xi32, #tpu.memory_space<vmem>>
      %dma_wait3A_173 = arith.constant 0 : i32
      %dma_wait3A_174 = arith.constant 0 : i32
      %dma_wait3A_175 = tpu.memref_slice %arg3[%dma_wait3A_173, %dma_wait3A_174] : memref<10000x16xf32, #tpu.memory_space<hbm>> -> memref<10000x16xf32, #tpu.memory_space<hbm>>
      tpu.wait_indirect_dma semaphore(%arg7 : memref<!tpu.dma_semaphore, #tpu.memory_space<semaphore_mem>>) src(%dma_wait3A_175 : memref<10000x16xf32, #tpu.memory_space<hbm>>) dst(%dma_wait3A_169 : memref<128x16xf32, #tpu.memory_space<vmem>>)
      %add3A_176 = arith.constant 39 : i32
      %add3A_177 = arith.addi %add3A_4, %add3A_176 : i32
      %mul3A_178 = arith.constant 128 : i32
      %mul3A_179 = arith.muli %add3A_177, %mul3A_178 : i32
      "tpu.region"() ({
        %run_scoped3A_180 = tpu.sem_alloc : memref<!tpu.dma_semaphore, #tpu.memory_space<semaphore_mem>>
        %dma_start3A_181 = arith.constant 4992 : i32
        %dma_start3A_182 = arith.constant 0 : i32
        %dma_start3A_183 = tpu.memref_slice %arg6[%dma_start3A_181, %dma_start3A_182] : memref<5120x16xf32, #tpu.memory_space<vmem>> -> memref<128x16xf32, #tpu.memory_space<vmem>>
        %dma_start3A_184 = arith.constant 0 : i32
        %dma_start3A_185 = tpu.memref_slice %arg4[%mul3A_179, %dma_start3A_184] : memref<160000x16xf32, #tpu.memory_space<hbm>> -> memref<128x16xf32, #tpu.memory_space<hbm>>
        %dma_start3A_186 = arith.constant 0 : i32
        %dma_start3A_187 = tpu.memref_slice %arg4[%mul3A_179, %dma_start3A_186] : memref<160000x16xf32, #tpu.memory_space<hbm>> -> memref<128x16xf32, #tpu.memory_space<hbm>>
        %dma_start3A_188 = arith.constant 4992 : i32
        %dma_start3A_189 = arith.constant 0 : i32
        %dma_start3A_190 = tpu.memref_slice %arg6[%dma_start3A_188, %dma_start3A_189] : memref<5120x16xf32, #tpu.memory_space<vmem>> -> memref<128x16xf32, #tpu.memory_space<vmem>>
        tpu.enqueue_dma source(%dma_start3A_190 : memref<128x16xf32, #tpu.memory_space<vmem>>) target(%dma_start3A_187 : memref<128x16xf32, #tpu.memory_space<hbm>>) target_semaphore(%run_scoped3A_180 : memref<!tpu.dma_semaphore, #tpu.memory_space<semaphore_mem>>)
        %dma_wait3A_191 = arith.constant 4992 : i32
        %dma_wait3A_192 = arith.constant 0 : i32
        %dma_wait3A_193 = tpu.memref_slice %arg6[%dma_wait3A_191, %dma_wait3A_192] : memref<5120x16xf32, #tpu.memory_space<vmem>> -> memref<128x16xf32, #tpu.memory_space<vmem>>
        %dma_wait3A_194 = arith.constant 0 : i32
        %dma_wait3A_195 = tpu.memref_slice %arg4[%mul3A_179, %dma_wait3A_194] : memref<160000x16xf32, #tpu.memory_space<hbm>> -> memref<128x16xf32, #tpu.memory_space<hbm>>
        %dma_wait3A_196 = arith.constant 0 : i32
        %dma_wait3A_197 = tpu.memref_slice %arg4[%mul3A_179, %dma_wait3A_196] : memref<160000x16xf32, #tpu.memory_space<hbm>> -> memref<128x16xf32, #tpu.memory_space<hbm>>
        %dma_wait3A_198 = arith.constant 4992 : i32
        %dma_wait3A_199 = arith.constant 0 : i32
        %dma_wait3A_200 = tpu.memref_slice %arg6[%dma_wait3A_198, %dma_wait3A_199] : memref<5120x16xf32, #tpu.memory_space<vmem>> -> memref<128x16xf32, #tpu.memory_space<vmem>>
        tpu.wait_dma2 semaphore(%run_scoped3A_180 : memref<!tpu.dma_semaphore, #tpu.memory_space<semaphore_mem>>) src(%dma_wait3A_200 : memref<128x16xf32, #tpu.memory_space<vmem>>) dst(%dma_wait3A_197 : memref<128x16xf32, #tpu.memory_space<hbm>>)
        tpu.yield
      }) : () -> ()
    } else {
    }
    return
  }
}

#map = affine_map<(d0, d1) -> (0, 0)>
#map1 = affine_map<(d0, d1) -> (0, 0, 0)>
module attributes {stable_mosaic.version = 14 : i64} {
  func.func @scatter_kernel(%arg0: i32, %arg1: i32, %arg2: memref<160000x16xf32, #tpu.memory_space<hbm>>, %arg3: memref<2x1250x128xi32, #tpu.memory_space<hbm>>, %arg4: memref<10240x16xf32, #tpu.memory_space<hbm>>, %arg5: memref<10240x16xf32, #tpu.memory_space<hbm>>, %arg6: memref<10240x16xf32, #tpu.memory_space<hbm>>, %arg7: memref<10240x16xf32, #tpu.memory_space<hbm>>, %arg8: memref<40x128xi32, #tpu.memory_space<vmem>>, %arg9: memref<5120x16xf32, #tpu.memory_space<vmem>>, %arg10: memref<128x16xf32, #tpu.memory_space<vmem>>, %arg11: memref<640x16xf32, #tpu.memory_space<vmem>>, %arg12: memref<10240x16xf32, #tpu.memory_space<vmem_shared>>, %arg13: memref<10240x16xf32, #tpu.memory_space<vmem_shared>>, %arg14: memref<!tpu.dma_semaphore, #tpu.memory_space<semaphore_mem>>) attributes {dimension_semantics = [#tpu.dimension_semantics<core_parallel>, #tpu.dimension_semantics<subcore_parallel>], iteration_bounds = array<i64: 2, 16>, scalar_prefetch = 0 : i64, scratch_operands = 7 : i64, tpu.core_type = #tpu.core_type<sc_vector_subcore>, window_params = [{transform_indices = #map}, {transform_indices = #map1}, {transform_indices = #map}, {transform_indices = #map}, {transform_indices = #map}, {transform_indices = #map}]} {
    %mul3A = arith.constant 2 : i32
    %mul3A_0 = arith.muli %arg1, %mul3A : i32
    %add3A = arith.addi %mul3A_0, %arg0 : i32
    %mul3A_1 = arith.constant 39 : i32
    %mul3A_2 = arith.muli %add3A, %mul3A_1 : i32
    %min3A = arith.constant 2 : i32
    %min3A_3 = arith.minsi %add3A, %min3A : i32
    %add3A_4 = arith.addi %mul3A_2, %min3A_3 : i32
    %broadcast_in_dim3A = arith.constant 0.000000e+00 : f32
    %broadcast_in_dim3A_5 = vector.broadcast %broadcast_in_dim3A : f32 to vector<16xf32>
    %scan3A = arith.constant 0 : i32
    %scan3A_6 = arith.constant 0 : i32
    %scan3A_7 = arith.constant 640 : i32
    %scan3A_8 = arith.addi %scan3A_6, %scan3A_7 : i32
    %scan3A_9 = arith.constant 1 : i32
    scf.for %scan3A_293 = %scan3A_6 to %scan3A_8 step %scan3A_9  : i32 {
      %swap3A = arith.index_cast %scan3A_293 : i32 to index
      %swap3A_294 = arith.constant 0 : index
      %swap3A_295 = tpu.vector_load %arg11[%swap3A, %swap3A_294] {strides = array<i32>} : memref<640x16xf32, #tpu.memory_space<vmem>>, vector<1x16xf32>,
      %swap3A_296 = vector.shape_cast %swap3A_295 : vector<1x16xf32> to vector<16xf32>
      %swap3A_297 = vector.shape_cast %broadcast_in_dim3A_5 : vector<16xf32> to vector<1x16xf32>
      tpu.vector_store %arg11[%swap3A, %swap3A_294], %swap3A_297 {strides = array<i32>} : memref<640x16xf32, #tpu.memory_space<vmem>>, vector<1x16xf32>,
    }
    %scan3A_10 = arith.constant 640 : i32
    %broadcast_in_dim3A_11 = arith.constant 1.000000e+00 : f32
    %broadcast_in_dim3A_12 = vector.broadcast %broadcast_in_dim3A_11 : f32 to vector<16xf32>
    %scan3A_13 = arith.constant 0 : i32
    %scan3A_14 = arith.constant 0 : i32
    %scan3A_15 = arith.constant 128 : i32
    %scan3A_16 = arith.addi %scan3A_14, %scan3A_15 : i32
    %scan3A_17 = arith.constant 1 : i32
    scf.for %scan3A_293 = %scan3A_14 to %scan3A_16 step %scan3A_17  : i32 {
      %swap3A = arith.index_cast %scan3A_293 : i32 to index
      %swap3A_294 = arith.constant 0 : index
      %swap3A_295 = tpu.vector_load %arg10[%swap3A, %swap3A_294] {strides = array<i32>} : memref<128x16xf32, #tpu.memory_space<vmem>>, vector<1x16xf32>,
      %swap3A_296 = vector.shape_cast %swap3A_295 : vector<1x16xf32> to vector<16xf32>
      %swap3A_297 = vector.shape_cast %broadcast_in_dim3A_12 : vector<16xf32> to vector<1x16xf32>
      tpu.vector_store %arg10[%swap3A, %swap3A_294], %swap3A_297 {strides = array<i32>} : memref<128x16xf32, #tpu.memory_space<vmem>>, vector<1x16xf32>,
    }
    %scan3A_18 = arith.constant 128 : i32
    %mul3A_19 = arith.constant 640 : i32
    %mul3A_20 = arith.muli %arg1, %mul3A_19 : i32
    "tpu.region"() ({
      %run_scoped3A_293 = tpu.sem_alloc : memref<!tpu.dma_semaphore, #tpu.memory_space<semaphore_mem>>
      %dma_start3A_294 = arith.constant 0 : i32
      %dma_start3A_295 = tpu.memref_slice %arg12[%mul3A_20, %dma_start3A_294] : memref<10240x16xf32, #tpu.memory_space<vmem_shared>> -> memref<640x16xf32, #tpu.memory_space<vmem_shared>>
      %dma_start3A_296 = arith.constant 0 : i32
      %dma_start3A_297 = tpu.memref_slice %arg12[%mul3A_20, %dma_start3A_296] : memref<10240x16xf32, #tpu.memory_space<vmem_shared>> -> memref<640x16xf32, #tpu.memory_space<vmem_shared>>
      tpu.enqueue_dma source(%arg11 : memref<640x16xf32, #tpu.memory_space<vmem>>) target(%dma_start3A_297 : memref<640x16xf32, #tpu.memory_space<vmem_shared>>) target_semaphore(%run_scoped3A_293 : memref<!tpu.dma_semaphore, #tpu.memory_space<semaphore_mem>>)
      %dma_wait3A_298 = arith.constant 0 : i32
      %dma_wait3A_299 = tpu.memref_slice %arg12[%mul3A_20, %dma_wait3A_298] : memref<10240x16xf32, #tpu.memory_space<vmem_shared>> -> memref<640x16xf32, #tpu.memory_space<vmem_shared>>
      %dma_wait3A_300 = arith.constant 0 : i32
      %dma_wait3A_301 = tpu.memref_slice %arg12[%mul3A_20, %dma_wait3A_300] : memref<10240x16xf32, #tpu.memory_space<vmem_shared>> -> memref<640x16xf32, #tpu.memory_space<vmem_shared>>
      tpu.wait_dma2 semaphore(%run_scoped3A_293 : memref<!tpu.dma_semaphore, #tpu.memory_space<semaphore_mem>>) src(%arg11 : memref<640x16xf32, #tpu.memory_space<vmem>>) dst(%dma_wait3A_301 : memref<640x16xf32, #tpu.memory_space<vmem_shared>>)
      tpu.yield
    }) : () -> ()
    "tpu.region"() ({
      %run_scoped3A_293 = tpu.sem_alloc : memref<!tpu.dma_semaphore, #tpu.memory_space<semaphore_mem>>
      %dma_start3A_294 = arith.constant 0 : i32
      %dma_start3A_295 = tpu.memref_slice %arg13[%mul3A_20, %dma_start3A_294] : memref<10240x16xf32, #tpu.memory_space<vmem_shared>> -> memref<640x16xf32, #tpu.memory_space<vmem_shared>>
      %dma_start3A_296 = arith.constant 0 : i32
      %dma_start3A_297 = tpu.memref_slice %arg13[%mul3A_20, %dma_start3A_296] : memref<10240x16xf32, #tpu.memory_space<vmem_shared>> -> memref<640x16xf32, #tpu.memory_space<vmem_shared>>
      tpu.enqueue_dma source(%arg11 : memref<640x16xf32, #tpu.memory_space<vmem>>) target(%dma_start3A_297 : memref<640x16xf32, #tpu.memory_space<vmem_shared>>) target_semaphore(%run_scoped3A_293 : memref<!tpu.dma_semaphore, #tpu.memory_space<semaphore_mem>>)
      %dma_wait3A_298 = arith.constant 0 : i32
      %dma_wait3A_299 = tpu.memref_slice %arg13[%mul3A_20, %dma_wait3A_298] : memref<10240x16xf32, #tpu.memory_space<vmem_shared>> -> memref<640x16xf32, #tpu.memory_space<vmem_shared>>
      %dma_wait3A_300 = arith.constant 0 : i32
      %dma_wait3A_301 = tpu.memref_slice %arg13[%mul3A_20, %dma_wait3A_300] : memref<10240x16xf32, #tpu.memory_space<vmem_shared>> -> memref<640x16xf32, #tpu.memory_space<vmem_shared>>
      tpu.wait_dma2 semaphore(%run_scoped3A_293 : memref<!tpu.dma_semaphore, #tpu.memory_space<semaphore_mem>>) src(%arg11 : memref<640x16xf32, #tpu.memory_space<vmem>>) dst(%dma_wait3A_301 : memref<640x16xf32, #tpu.memory_space<vmem_shared>>)
      tpu.yield
    }) : () -> ()
    %run_scoped3A = arith.constant 1 : i32
    "tpu.region"() ({
      %run_scoped3A_293 = tpu.sem_alloc : memref<!tpu.dma_semaphore, #tpu.memory_space<semaphore_mem>>
      %dma_start3A_294 = arith.constant 0 : i32
      %dma_start3A_295 = arith.constant 0 : i32
      %dma_start3A_296 = tpu.memref_slice %arg8[%dma_start3A_294, %dma_start3A_295] : memref<40x128xi32, #tpu.memory_space<vmem>> -> memref<39x128xi32, #tpu.memory_space<vmem>>
      %dma_start3A_297 = arith.constant 0 : i32
      %dma_start3A_298 = arith.constant 0 : i32
      %dma_start3A_299 = tpu.memref_slice %arg3[%run_scoped3A, %dma_start3A_297, %dma_start3A_298] : memref<2x1250x128xi32, #tpu.memory_space<hbm>> -> memref<1x1250x128xi32, #tpu.memory_space<hbm>>
      %dma_start3A_300 = tpu.memref_squeeze %dma_start3A_299 : memref<1x1250x128xi32, #tpu.memory_space<hbm>> -> memref<1250x128xi32, #tpu.memory_space<hbm>>
      %dma_start3A_301 = arith.constant 0 : i32
      %dma_start3A_302 = tpu.memref_slice %dma_start3A_300[%add3A_4, %dma_start3A_301] : memref<1250x128xi32, #tpu.memory_space<hbm>> -> memref<39x128xi32, #tpu.memory_space<hbm>>
      %dma_start3A_303 = arith.constant 0 : i32
      %dma_start3A_304 = arith.constant 0 : i32
      %dma_start3A_305 = tpu.memref_slice %arg8[%dma_start3A_303, %dma_start3A_304] : memref<40x128xi32, #tpu.memory_space<vmem>> -> memref<39x128xi32, #tpu.memory_space<vmem>>
      %dma_start3A_306 = arith.constant 0 : i32
      %dma_start3A_307 = arith.constant 0 : i32
      %dma_start3A_308 = tpu.memref_slice %arg3[%run_scoped3A, %dma_start3A_306, %dma_start3A_307] : memref<2x1250x128xi32, #tpu.memory_space<hbm>> -> memref<1x1250x128xi32, #tpu.memory_space<hbm>>
      %dma_start3A_309 = tpu.memref_squeeze %dma_start3A_308 : memref<1x1250x128xi32, #tpu.memory_space<hbm>> -> memref<1250x128xi32, #tpu.memory_space<hbm>>
      %dma_start3A_310 = arith.constant 0 : i32
      %dma_start3A_311 = tpu.memref_slice %dma_start3A_309[%add3A_4, %dma_start3A_310] : memref<1250x128xi32, #tpu.memory_space<hbm>> -> memref<39x128xi32, #tpu.memory_space<hbm>>
      tpu.enqueue_dma source(%dma_start3A_311 : memref<39x128xi32, #tpu.memory_space<hbm>>) target(%dma_start3A_305 : memref<39x128xi32, #tpu.memory_space<vmem>>) target_semaphore(%run_scoped3A_293 : memref<!tpu.dma_semaphore, #tpu.memory_space<semaphore_mem>>)
      %dma_wait3A_312 = arith.constant 0 : i32
      %dma_wait3A_313 = arith.constant 0 : i32
      %dma_wait3A_314 = tpu.memref_slice %arg8[%dma_wait3A_312, %dma_wait3A_313] : memref<40x128xi32, #tpu.memory_space<vmem>> -> memref<39x128xi32, #tpu.memory_space<vmem>>
      %dma_wait3A_315 = arith.constant 0 : i32
      %dma_wait3A_316 = arith.constant 0 : i32
      %dma_wait3A_317 = tpu.memref_slice %arg3[%run_scoped3A, %dma_wait3A_315, %dma_wait3A_316] : memref<2x1250x128xi32, #tpu.memory_space<hbm>> -> memref<1x1250x128xi32, #tpu.memory_space<hbm>>
      %dma_wait3A_318 = tpu.memref_squeeze %dma_wait3A_317 : memref<1x1250x128xi32, #tpu.memory_space<hbm>> -> memref<1250x128xi32, #tpu.memory_space<hbm>>
      %dma_wait3A_319 = arith.constant 0 : i32
      %dma_wait3A_320 = tpu.memref_slice %dma_wait3A_318[%add3A_4, %dma_wait3A_319] : memref<1250x128xi32, #tpu.memory_space<hbm>> -> memref<39x128xi32, #tpu.memory_space<hbm>>
      %dma_wait3A_321 = arith.constant 0 : i32
      %dma_wait3A_322 = arith.constant 0 : i32
      %dma_wait3A_323 = tpu.memref_slice %arg8[%dma_wait3A_321, %dma_wait3A_322] : memref<40x128xi32, #tpu.memory_space<vmem>> -> memref<39x128xi32, #tpu.memory_space<vmem>>
      %dma_wait3A_324 = arith.constant 0 : i32
      %dma_wait3A_325 = arith.constant 0 : i32
      %dma_wait3A_326 = tpu.memref_slice %arg3[%run_scoped3A, %dma_wait3A_324, %dma_wait3A_325] : memref<2x1250x128xi32, #tpu.memory_space<hbm>> -> memref<1x1250x128xi32, #tpu.memory_space<hbm>>
      %dma_wait3A_327 = tpu.memref_squeeze %dma_wait3A_326 : memref<1x1250x128xi32, #tpu.memory_space<hbm>> -> memref<1250x128xi32, #tpu.memory_space<hbm>>
      %dma_wait3A_328 = arith.constant 0 : i32
      %dma_wait3A_329 = tpu.memref_slice %dma_wait3A_327[%add3A_4, %dma_wait3A_328] : memref<1250x128xi32, #tpu.memory_space<hbm>> -> memref<39x128xi32, #tpu.memory_space<hbm>>
      tpu.wait_dma2 semaphore(%run_scoped3A_293 : memref<!tpu.dma_semaphore, #tpu.memory_space<semaphore_mem>>) src(%dma_wait3A_329 : memref<39x128xi32, #tpu.memory_space<hbm>>) dst(%dma_wait3A_323 : memref<39x128xi32, #tpu.memory_space<vmem>>)
      tpu.yield
    }) : () -> ()
    %mul3A_21 = arith.constant 128 : i32
    %mul3A_22 = arith.muli %add3A_4, %mul3A_21 : i32
    "tpu.region"() ({
      %run_scoped3A_293 = tpu.sem_alloc : memref<!tpu.dma_semaphore, #tpu.memory_space<semaphore_mem>>
      %dma_start3A_294 = arith.constant 0 : i32
      %dma_start3A_295 = arith.constant 0 : i32
      %dma_start3A_296 = tpu.memref_slice %arg9[%dma_start3A_294, %dma_start3A_295] : memref<5120x16xf32, #tpu.memory_space<vmem>> -> memref<4992x16xf32, #tpu.memory_space<vmem>>
      %dma_start3A_297 = arith.constant 0 : i32
      %dma_start3A_298 = tpu.memref_slice %arg2[%mul3A_22, %dma_start3A_297] : memref<160000x16xf32, #tpu.memory_space<hbm>> -> memref<4992x16xf32, #tpu.memory_space<hbm>>
      %dma_start3A_299 = arith.constant 0 : i32
      %dma_start3A_300 = arith.constant 0 : i32
      %dma_start3A_301 = tpu.memref_slice %arg9[%dma_start3A_299, %dma_start3A_300] : memref<5120x16xf32, #tpu.memory_space<vmem>> -> memref<4992x16xf32, #tpu.memory_space<vmem>>
      %dma_start3A_302 = arith.constant 0 : i32
      %dma_start3A_303 = tpu.memref_slice %arg2[%mul3A_22, %dma_start3A_302] : memref<160000x16xf32, #tpu.memory_space<hbm>> -> memref<4992x16xf32, #tpu.memory_space<hbm>>
      tpu.enqueue_dma source(%dma_start3A_303 : memref<4992x16xf32, #tpu.memory_space<hbm>>) target(%dma_start3A_301 : memref<4992x16xf32, #tpu.memory_space<vmem>>) target_semaphore(%run_scoped3A_293 : memref<!tpu.dma_semaphore, #tpu.memory_space<semaphore_mem>>)
      %dma_wait3A_304 = arith.constant 0 : i32
      %dma_wait3A_305 = arith.constant 0 : i32
      %dma_wait3A_306 = tpu.memref_slice %arg9[%dma_wait3A_304, %dma_wait3A_305] : memref<5120x16xf32, #tpu.memory_space<vmem>> -> memref<4992x16xf32, #tpu.memory_space<vmem>>
      %dma_wait3A_307 = arith.constant 0 : i32
      %dma_wait3A_308 = tpu.memref_slice %arg2[%mul3A_22, %dma_wait3A_307] : memref<160000x16xf32, #tpu.memory_space<hbm>> -> memref<4992x16xf32, #tpu.memory_space<hbm>>
      %dma_wait3A_309 = arith.constant 0 : i32
      %dma_wait3A_310 = arith.constant 0 : i32
      %dma_wait3A_311 = tpu.memref_slice %arg9[%dma_wait3A_309, %dma_wait3A_310] : memref<5120x16xf32, #tpu.memory_space<vmem>> -> memref<4992x16xf32, #tpu.memory_space<vmem>>
      %dma_wait3A_312 = arith.constant 0 : i32
      %dma_wait3A_313 = tpu.memref_slice %arg2[%mul3A_22, %dma_wait3A_312] : memref<160000x16xf32, #tpu.memory_space<hbm>> -> memref<4992x16xf32, #tpu.memory_space<hbm>>
      tpu.wait_dma2 semaphore(%run_scoped3A_293 : memref<!tpu.dma_semaphore, #tpu.memory_space<semaphore_mem>>) src(%dma_wait3A_313 : memref<4992x16xf32, #tpu.memory_space<hbm>>) dst(%dma_wait3A_311 : memref<4992x16xf32, #tpu.memory_space<vmem>>)
      tpu.yield
    }) : () -> ()
    %lt3A = arith.constant 2 : i32
    %lt3A_23 = arith.cmpi slt, %add3A, %lt3A : i32
    %convert_element_type3A = arith.extui %lt3A_23 : i1 to i32
    %cond3A = arith.constant 1 : i32
    %cond3A_24 = arith.constant 0 : i32
    %cond3A_25 = arith.cmpi ne, %convert_element_type3A, %cond3A_24 : i32
    scf.if %cond3A_25 {
      %add3A_293 = arith.constant 39 : i32
      %add3A_294 = arith.addi %add3A_4, %add3A_293 : i32
      %run_scoped3A_295 = arith.constant 39 : i32
      "tpu.region"() ({
        %run_scoped3A_300 = tpu.sem_alloc : memref<!tpu.dma_semaphore, #tpu.memory_space<semaphore_mem>>
        %dma_start3A_301 = arith.constant 0 : i32
        %dma_start3A_302 = tpu.memref_slice %arg8[%run_scoped3A_295, %dma_start3A_301] : memref<40x128xi32, #tpu.memory_space<vmem>> -> memref<1x128xi32, #tpu.memory_space<vmem>>
        %dma_start3A_303 = tpu.memref_squeeze %dma_start3A_302 : memref<1x128xi32, #tpu.memory_space<vmem>> -> memref<128xi32, #tpu.memory_space<vmem>>
        %dma_start3A_304 = arith.constant 0 : i32
        %dma_start3A_305 = arith.constant 0 : i32
        %dma_start3A_306 = tpu.memref_slice %arg3[%cond3A, %dma_start3A_304, %dma_start3A_305] : memref<2x1250x128xi32, #tpu.memory_space<hbm>> -> memref<1x1250x128xi32, #tpu.memory_space<hbm>>
        %dma_start3A_307 = tpu.memref_squeeze %dma_start3A_306 : memref<1x1250x128xi32, #tpu.memory_space<hbm>> -> memref<1250x128xi32, #tpu.memory_space<hbm>>
        %dma_start3A_308 = arith.constant 0 : i32
        %dma_start3A_309 = tpu.memref_slice %dma_start3A_307[%add3A_294, %dma_start3A_308] : memref<1250x128xi32, #tpu.memory_space<hbm>> -> memref<1x128xi32, #tpu.memory_space<hbm>>
        %dma_start3A_310 = tpu.memref_squeeze %dma_start3A_309 : memref<1x128xi32, #tpu.memory_space<hbm>> -> memref<128xi32, #tpu.memory_space<hbm>>
        %dma_start3A_311 = arith.constant 0 : i32
        %dma_start3A_312 = tpu.memref_slice %arg8[%run_scoped3A_295, %dma_start3A_311] : memref<40x128xi32, #tpu.memory_space<vmem>> -> memref<1x128xi32, #tpu.memory_space<vmem>>
        %dma_start3A_313 = tpu.memref_squeeze %dma_start3A_312 : memref<1x128xi32, #tpu.memory_space<vmem>> -> memref<128xi32, #tpu.memory_space<vmem>>
        %dma_start3A_314 = arith.constant 0 : i32
        %dma_start3A_315 = arith.constant 0 : i32
        %dma_start3A_316 = tpu.memref_slice %arg3[%cond3A, %dma_start3A_314, %dma_start3A_315] : memref<2x1250x128xi32, #tpu.memory_space<hbm>> -> memref<1x1250x128xi32, #tpu.memory_space<hbm>>
        %dma_start3A_317 = tpu.memref_squeeze %dma_start3A_316 : memref<1x1250x128xi32, #tpu.memory_space<hbm>> -> memref<1250x128xi32, #tpu.memory_space<hbm>>
        %dma_start3A_318 = arith.constant 0 : i32
        %dma_start3A_319 = tpu.memref_slice %dma_start3A_317[%add3A_294, %dma_start3A_318] : memref<1250x128xi32, #tpu.memory_space<hbm>> -> memref<1x128xi32, #tpu.memory_space<hbm>>
        %dma_start3A_320 = tpu.memref_squeeze %dma_start3A_319 : memref<1x128xi32, #tpu.memory_space<hbm>> -> memref<128xi32, #tpu.memory_space<hbm>>
        tpu.enqueue_dma source(%dma_start3A_320 : memref<128xi32, #tpu.memory_space<hbm>>) target(%dma_start3A_313 : memref<128xi32, #tpu.memory_space<vmem>>) target_semaphore(%run_scoped3A_300 : memref<!tpu.dma_semaphore, #tpu.memory_space<semaphore_mem>>)
        %dma_wait3A_321 = arith.constant 0 : i32
        %dma_wait3A_322 = tpu.memref_slice %arg8[%run_scoped3A_295, %dma_wait3A_321] : memref<40x128xi32, #tpu.memory_space<vmem>> -> memref<1x128xi32, #tpu.memory_space<vmem>>
        %dma_wait3A_323 = tpu.memref_squeeze %dma_wait3A_322 : memref<1x128xi32, #tpu.memory_space<vmem>> -> memref<128xi32, #tpu.memory_space<vmem>>
        %dma_wait3A_324 = arith.constant 0 : i32
        %dma_wait3A_325 = arith.constant 0 : i32
        %dma_wait3A_326 = tpu.memref_slice %arg3[%cond3A, %dma_wait3A_324, %dma_wait3A_325] : memref<2x1250x128xi32, #tpu.memory_space<hbm>> -> memref<1x1250x128xi32, #tpu.memory_space<hbm>>
        %dma_wait3A_327 = tpu.memref_squeeze %dma_wait3A_326 : memref<1x1250x128xi32, #tpu.memory_space<hbm>> -> memref<1250x128xi32, #tpu.memory_space<hbm>>
        %dma_wait3A_328 = arith.constant 0 : i32
        %dma_wait3A_329 = tpu.memref_slice %dma_wait3A_327[%add3A_294, %dma_wait3A_328] : memref<1250x128xi32, #tpu.memory_space<hbm>> -> memref<1x128xi32, #tpu.memory_space<hbm>>
        %dma_wait3A_330 = tpu.memref_squeeze %dma_wait3A_329 : memref<1x128xi32, #tpu.memory_space<hbm>> -> memref<128xi32, #tpu.memory_space<hbm>>
        %dma_wait3A_331 = arith.constant 0 : i32
        %dma_wait3A_332 = tpu.memref_slice %arg8[%run_scoped3A_295, %dma_wait3A_331] : memref<40x128xi32, #tpu.memory_space<vmem>> -> memref<1x128xi32, #tpu.memory_space<vmem>>
        %dma_wait3A_333 = tpu.memref_squeeze %dma_wait3A_332 : memref<1x128xi32, #tpu.memory_space<vmem>> -> memref<128xi32, #tpu.memory_space<vmem>>
        %dma_wait3A_334 = arith.constant 0 : i32
        %dma_wait3A_335 = arith.constant 0 : i32
        %dma_wait3A_336 = tpu.memref_slice %arg3[%cond3A, %dma_wait3A_334, %dma_wait3A_335] : memref<2x1250x128xi32, #tpu.memory_space<hbm>> -> memref<1x1250x128xi32, #tpu.memory_space<hbm>>
        %dma_wait3A_337 = tpu.memref_squeeze %dma_wait3A_336 : memref<1x1250x128xi32, #tpu.memory_space<hbm>> -> memref<1250x128xi32, #tpu.memory_space<hbm>>
        %dma_wait3A_338 = arith.constant 0 : i32
        %dma_wait3A_339 = tpu.memref_slice %dma_wait3A_337[%add3A_294, %dma_wait3A_338] : memref<1250x128xi32, #tpu.memory_space<hbm>> -> memref<1x128xi32, #tpu.memory_space<hbm>>
        %dma_wait3A_340 = tpu.memref_squeeze %dma_wait3A_339 : memref<1x128xi32, #tpu.memory_space<hbm>> -> memref<128xi32, #tpu.memory_space<hbm>>
        tpu.wait_dma2 semaphore(%run_scoped3A_300 : memref<!tpu.dma_semaphore, #tpu.memory_space<semaphore_mem>>) src(%dma_wait3A_340 : memref<128xi32, #tpu.memory_space<hbm>>) dst(%dma_wait3A_333 : memref<128xi32, #tpu.memory_space<vmem>>)
        tpu.yield
      }) : () -> ()
      %add3A_296 = arith.constant 39 : i32
      %add3A_297 = arith.addi %add3A_4, %add3A_296 : i32
      %mul3A_298 = arith.constant 128 : i32
      %mul3A_299 = arith.muli %add3A_297, %mul3A_298 : i32
      "tpu.region"() ({
        %run_scoped3A_300 = tpu.sem_alloc : memref<!tpu.dma_semaphore, #tpu.memory_space<semaphore_mem>>
        %dma_start3A_301 = arith.constant 4992 : i32
        %dma_start3A_302 = arith.constant 0 : i32
        %dma_start3A_303 = tpu.memref_slice %arg9[%dma_start3A_301, %dma_start3A_302] : memref<5120x16xf32, #tpu.memory_space<vmem>> -> memref<128x16xf32, #tpu.memory_space<vmem>>
        %dma_start3A_304 = arith.constant 0 : i32
        %dma_start3A_305 = tpu.memref_slice %arg2[%mul3A_299, %dma_start3A_304] : memref<160000x16xf32, #tpu.memory_space<hbm>> -> memref<128x16xf32, #tpu.memory_space<hbm>>
        %dma_start3A_306 = arith.constant 4992 : i32
        %dma_start3A_307 = arith.constant 0 : i32
        %dma_start3A_308 = tpu.memref_slice %arg9[%dma_start3A_306, %dma_start3A_307] : memref<5120x16xf32, #tpu.memory_space<vmem>> -> memref<128x16xf32, #tpu.memory_space<vmem>>
        %dma_start3A_309 = arith.constant 0 : i32
        %dma_start3A_310 = tpu.memref_slice %arg2[%mul3A_299, %dma_start3A_309] : memref<160000x16xf32, #tpu.memory_space<hbm>> -> memref<128x16xf32, #tpu.memory_space<hbm>>
        tpu.enqueue_dma source(%dma_start3A_310 : memref<128x16xf32, #tpu.memory_space<hbm>>) target(%dma_start3A_308 : memref<128x16xf32, #tpu.memory_space<vmem>>) target_semaphore(%run_scoped3A_300 : memref<!tpu.dma_semaphore, #tpu.memory_space<semaphore_mem>>)
        %dma_wait3A_311 = arith.constant 4992 : i32
        %dma_wait3A_312 = arith.constant 0 : i32
        %dma_wait3A_313 = tpu.memref_slice %arg9[%dma_wait3A_311, %dma_wait3A_312] : memref<5120x16xf32, #tpu.memory_space<vmem>> -> memref<128x16xf32, #tpu.memory_space<vmem>>
        %dma_wait3A_314 = arith.constant 0 : i32
        %dma_wait3A_315 = tpu.memref_slice %arg2[%mul3A_299, %dma_wait3A_314] : memref<160000x16xf32, #tpu.memory_space<hbm>> -> memref<128x16xf32, #tpu.memory_space<hbm>>
        %dma_wait3A_316 = arith.constant 4992 : i32
        %dma_wait3A_317 = arith.constant 0 : i32
        %dma_wait3A_318 = tpu.memref_slice %arg9[%dma_wait3A_316, %dma_wait3A_317] : memref<5120x16xf32, #tpu.memory_space<vmem>> -> memref<128x16xf32, #tpu.memory_space<vmem>>
        %dma_wait3A_319 = arith.constant 0 : i32
        %dma_wait3A_320 = tpu.memref_slice %arg2[%mul3A_299, %dma_wait3A_319] : memref<160000x16xf32, #tpu.memory_space<hbm>> -> memref<128x16xf32, #tpu.memory_space<hbm>>
        tpu.wait_dma2 semaphore(%run_scoped3A_300 : memref<!tpu.dma_semaphore, #tpu.memory_space<semaphore_mem>>) src(%dma_wait3A_320 : memref<128x16xf32, #tpu.memory_space<hbm>>) dst(%dma_wait3A_318 : memref<128x16xf32, #tpu.memory_space<vmem>>)
        tpu.yield
      }) : () -> ()
    } else {
    }
    %barrier3A = arith.constant 0 : index
    tpu.barrier barrier_id(%barrier3A)
    %scan3A_26 = arith.constant 0 : i32
    %scan3A_27 = arith.constant 0 : i32
    %scan3A_28 = arith.constant 4 : i32
    %scan3A_29 = arith.addi %scan3A_27, %scan3A_28 : i32
    %scan3A_30 = arith.constant 1 : i32
    scf.for %scan3A_293 = %scan3A_27 to %scan3A_29 step %scan3A_30  : i32 {
      %mul3A_294 = arith.constant 8 : i32
      %mul3A_295 = arith.muli %scan3A_293, %mul3A_294 : i32
      %add3A_296 = arith.constant 0 : i32
      %add3A_297 = arith.addi %mul3A_295, %add3A_296 : i32
      %mul3A_298 = arith.constant 128 : i32
      %mul3A_299 = arith.muli %add3A_297, %mul3A_298 : i32
      %dma_start3A_300 = arith.constant 0 : i32
      %dma_start3A_301 = tpu.memref_slice %arg9[%mul3A_299, %dma_start3A_300] : memref<5120x16xf32, #tpu.memory_space<vmem>> -> memref<128x16xf32, #tpu.memory_space<vmem>>
      %dma_start3A_302 = arith.constant 0 : i32
      %dma_start3A_303 = tpu.memref_slice %arg8[%add3A_297, %dma_start3A_302] : memref<40x128xi32, #tpu.memory_space<vmem>> -> memref<1x128xi32, #tpu.memory_space<vmem>>
      %dma_start3A_304 = tpu.memref_squeeze %dma_start3A_303 : memref<1x128xi32, #tpu.memory_space<vmem>> -> memref<128xi32, #tpu.memory_space<vmem>>
      %dma_start3A_305 = arith.constant 0 : i32
      %dma_start3A_306 = arith.constant 0 : i32
      %dma_start3A_307 = tpu.memref_slice %arg12[%dma_start3A_305, %dma_start3A_306] : memref<10240x16xf32, #tpu.memory_space<vmem_shared>> -> memref<10240x16xf32, #tpu.memory_space<vmem_shared>>
      tpu.enqueue_indirect_dma source(%dma_start3A_301 : memref<128x16xf32, #tpu.memory_space<vmem>>) target(%dma_start3A_307 : memref<10240x16xf32, #tpu.memory_space<vmem_shared>>) offsets(%dma_start3A_304 : memref<128xi32, #tpu.memory_space<vmem>>) semaphore(%arg14 : memref<!tpu.dma_semaphore, #tpu.memory_space<semaphore_mem>>) {add = true}
      %dma_start3A_308 = arith.constant 0 : i32
      %dma_start3A_309 = tpu.memref_slice %arg8[%add3A_297, %dma_start3A_308] : memref<40x128xi32, #tpu.memory_space<vmem>> -> memref<1x128xi32, #tpu.memory_space<vmem>>
      %dma_start3A_310 = tpu.memref_squeeze %dma_start3A_309 : memref<1x128xi32, #tpu.memory_space<vmem>> -> memref<128xi32, #tpu.memory_space<vmem>>
      %dma_start3A_311 = arith.constant 0 : i32
      %dma_start3A_312 = arith.constant 0 : i32
      %dma_start3A_313 = tpu.memref_slice %arg13[%dma_start3A_311, %dma_start3A_312] : memref<10240x16xf32, #tpu.memory_space<vmem_shared>> -> memref<10240x16xf32, #tpu.memory_space<vmem_shared>>
      tpu.enqueue_indirect_dma source(%arg10 : memref<128x16xf32, #tpu.memory_space<vmem>>) target(%dma_start3A_313 : memref<10240x16xf32, #tpu.memory_space<vmem_shared>>) offsets(%dma_start3A_310 : memref<128xi32, #tpu.memory_space<vmem>>) semaphore(%arg14 : memref<!tpu.dma_semaphore, #tpu.memory_space<semaphore_mem>>) {add = true}
      %add3A_314 = arith.constant 1 : i32
      %add3A_315 = arith.addi %mul3A_295, %add3A_314 : i32
      %mul3A_316 = arith.constant 128 : i32
      %mul3A_317 = arith.muli %add3A_315, %mul3A_316 : i32
      %dma_start3A_318 = arith.constant 0 : i32
      %dma_start3A_319 = tpu.memref_slice %arg9[%mul3A_317, %dma_start3A_318] : memref<5120x16xf32, #tpu.memory_space<vmem>> -> memref<128x16xf32, #tpu.memory_space<vmem>>
      %dma_start3A_320 = arith.constant 0 : i32
      %dma_start3A_321 = tpu.memref_slice %arg8[%add3A_315, %dma_start3A_320] : memref<40x128xi32, #tpu.memory_space<vmem>> -> memref<1x128xi32, #tpu.memory_space<vmem>>
      %dma_start3A_322 = tpu.memref_squeeze %dma_start3A_321 : memref<1x128xi32, #tpu.memory_space<vmem>> -> memref<128xi32, #tpu.memory_space<vmem>>
      %dma_start3A_323 = arith.constant 0 : i32
      %dma_start3A_324 = arith.constant 0 : i32
      %dma_start3A_325 = tpu.memref_slice %arg12[%dma_start3A_323, %dma_start3A_324] : memref<10240x16xf32, #tpu.memory_space<vmem_shared>> -> memref<10240x16xf32, #tpu.memory_space<vmem_shared>>
      tpu.enqueue_indirect_dma source(%dma_start3A_319 : memref<128x16xf32, #tpu.memory_space<vmem>>) target(%dma_start3A_325 : memref<10240x16xf32, #tpu.memory_space<vmem_shared>>) offsets(%dma_start3A_322 : memref<128xi32, #tpu.memory_space<vmem>>) semaphore(%arg14 : memref<!tpu.dma_semaphore, #tpu.memory_space<semaphore_mem>>) {add = true}
      %dma_start3A_326 = arith.constant 0 : i32
      %dma_start3A_327 = tpu.memref_slice %arg8[%add3A_315, %dma_start3A_326] : memref<40x128xi32, #tpu.memory_space<vmem>> -> memref<1x128xi32, #tpu.memory_space<vmem>>
      %dma_start3A_328 = tpu.memref_squeeze %dma_start3A_327 : memref<1x128xi32, #tpu.memory_space<vmem>> -> memref<128xi32, #tpu.memory_space<vmem>>
      %dma_start3A_329 = arith.constant 0 : i32
      %dma_start3A_330 = arith.constant 0 : i32
      %dma_start3A_331 = tpu.memref_slice %arg13[%dma_start3A_329, %dma_start3A_330] : memref<10240x16xf32, #tpu.memory_space<vmem_shared>> -> memref<10240x16xf32, #tpu.memory_space<vmem_shared>>
      tpu.enqueue_indirect_dma source(%arg10 : memref<128x16xf32, #tpu.memory_space<vmem>>) target(%dma_start3A_331 : memref<10240x16xf32, #tpu.memory_space<vmem_shared>>) offsets(%dma_start3A_328 : memref<128xi32, #tpu.memory_space<vmem>>) semaphore(%arg14 : memref<!tpu.dma_semaphore, #tpu.memory_space<semaphore_mem>>) {add = true}
      %add3A_332 = arith.constant 2 : i32
      %add3A_333 = arith.addi %mul3A_295, %add3A_332 : i32
      %mul3A_334 = arith.constant 128 : i32
      %mul3A_335 = arith.muli %add3A_333, %mul3A_334 : i32
      %dma_start3A_336 = arith.constant 0 : i32
      %dma_start3A_337 = tpu.memref_slice %arg9[%mul3A_335, %dma_start3A_336] : memref<5120x16xf32, #tpu.memory_space<vmem>> -> memref<128x16xf32, #tpu.memory_space<vmem>>
      %dma_start3A_338 = arith.constant 0 : i32
      %dma_start3A_339 = tpu.memref_slice %arg8[%add3A_333, %dma_start3A_338] : memref<40x128xi32, #tpu.memory_space<vmem>> -> memref<1x128xi32, #tpu.memory_space<vmem>>
      %dma_start3A_340 = tpu.memref_squeeze %dma_start3A_339 : memref<1x128xi32, #tpu.memory_space<vmem>> -> memref<128xi32, #tpu.memory_space<vmem>>
      %dma_start3A_341 = arith.constant 0 : i32
      %dma_start3A_342 = arith.constant 0 : i32
      %dma_start3A_343 = tpu.memref_slice %arg12[%dma_start3A_341, %dma_start3A_342] : memref<10240x16xf32, #tpu.memory_space<vmem_shared>> -> memref<10240x16xf32, #tpu.memory_space<vmem_shared>>
      tpu.enqueue_indirect_dma source(%dma_start3A_337 : memref<128x16xf32, #tpu.memory_space<vmem>>) target(%dma_start3A_343 : memref<10240x16xf32, #tpu.memory_space<vmem_shared>>) offsets(%dma_start3A_340 : memref<128xi32, #tpu.memory_space<vmem>>) semaphore(%arg14 : memref<!tpu.dma_semaphore, #tpu.memory_space<semaphore_mem>>) {add = true}
      %dma_start3A_344 = arith.constant 0 : i32
      %dma_start3A_345 = tpu.memref_slice %arg8[%add3A_333, %dma_start3A_344] : memref<40x128xi32, #tpu.memory_space<vmem>> -> memref<1x128xi32, #tpu.memory_space<vmem>>
      %dma_start3A_346 = tpu.memref_squeeze %dma_start3A_345 : memref<1x128xi32, #tpu.memory_space<vmem>> -> memref<128xi32, #tpu.memory_space<vmem>>
      %dma_start3A_347 = arith.constant 0 : i32
      %dma_start3A_348 = arith.constant 0 : i32
      %dma_start3A_349 = tpu.memref_slice %arg13[%dma_start3A_347, %dma_start3A_348] : memref<10240x16xf32, #tpu.memory_space<vmem_shared>> -> memref<10240x16xf32, #tpu.memory_space<vmem_shared>>
      tpu.enqueue_indirect_dma source(%arg10 : memref<128x16xf32, #tpu.memory_space<vmem>>) target(%dma_start3A_349 : memref<10240x16xf32, #tpu.memory_space<vmem_shared>>) offsets(%dma_start3A_346 : memref<128xi32, #tpu.memory_space<vmem>>) semaphore(%arg14 : memref<!tpu.dma_semaphore, #tpu.memory_space<semaphore_mem>>) {add = true}
      %add3A_350 = arith.constant 3 : i32
      %add3A_351 = arith.addi %mul3A_295, %add3A_350 : i32
      %mul3A_352 = arith.constant 128 : i32
      %mul3A_353 = arith.muli %add3A_351, %mul3A_352 : i32
      %dma_start3A_354 = arith.constant 0 : i32
      %dma_start3A_355 = tpu.memref_slice %arg9[%mul3A_353, %dma_start3A_354] : memref<5120x16xf32, #tpu.memory_space<vmem>> -> memref<128x16xf32, #tpu.memory_space<vmem>>
      %dma_start3A_356 = arith.constant 0 : i32
      %dma_start3A_357 = tpu.memref_slice %arg8[%add3A_351, %dma_start3A_356] : memref<40x128xi32, #tpu.memory_space<vmem>> -> memref<1x128xi32, #tpu.memory_space<vmem>>
      %dma_start3A_358 = tpu.memref_squeeze %dma_start3A_357 : memref<1x128xi32, #tpu.memory_space<vmem>> -> memref<128xi32, #tpu.memory_space<vmem>>
      %dma_start3A_359 = arith.constant 0 : i32
      %dma_start3A_360 = arith.constant 0 : i32
      %dma_start3A_361 = tpu.memref_slice %arg12[%dma_start3A_359, %dma_start3A_360] : memref<10240x16xf32, #tpu.memory_space<vmem_shared>> -> memref<10240x16xf32, #tpu.memory_space<vmem_shared>>
      tpu.enqueue_indirect_dma source(%dma_start3A_355 : memref<128x16xf32, #tpu.memory_space<vmem>>) target(%dma_start3A_361 : memref<10240x16xf32, #tpu.memory_space<vmem_shared>>) offsets(%dma_start3A_358 : memref<128xi32, #tpu.memory_space<vmem>>) semaphore(%arg14 : memref<!tpu.dma_semaphore, #tpu.memory_space<semaphore_mem>>) {add = true}
      %dma_start3A_362 = arith.constant 0 : i32
      %dma_start3A_363 = tpu.memref_slice %arg8[%add3A_351, %dma_start3A_362] : memref<40x128xi32, #tpu.memory_space<vmem>> -> memref<1x128xi32, #tpu.memory_space<vmem>>
      %dma_start3A_364 = tpu.memref_squeeze %dma_start3A_363 : memref<1x128xi32, #tpu.memory_space<vmem>> -> memref<128xi32, #tpu.memory_space<vmem>>
      %dma_start3A_365 = arith.constant 0 : i32
      %dma_start3A_366 = arith.constant 0 : i32
      %dma_start3A_367 = tpu.memref_slice %arg13[%dma_start3A_365, %dma_start3A_366] : memref<10240x16xf32, #tpu.memory_space<vmem_shared>> -> memref<10240x16xf32, #tpu.memory_space<vmem_shared>>
      tpu.enqueue_indirect_dma source(%arg10 : memref<128x16xf32, #tpu.memory_space<vmem>>) target(%dma_start3A_367 : memref<10240x16xf32, #tpu.memory_space<vmem_shared>>) offsets(%dma_start3A_364 : memref<128xi32, #tpu.memory_space<vmem>>) semaphore(%arg14 : memref<!tpu.dma_semaphore, #tpu.memory_space<semaphore_mem>>) {add = true}
      %add3A_368 = arith.constant 4 : i32
      %add3A_369 = arith.addi %mul3A_295, %add3A_368 : i32
      %mul3A_370 = arith.constant 128 : i32
      %mul3A_371 = arith.muli %add3A_369, %mul3A_370 : i32
      %dma_start3A_372 = arith.constant 0 : i32
      %dma_start3A_373 = tpu.memref_slice %arg9[%mul3A_371, %dma_start3A_372] : memref<5120x16xf32, #tpu.memory_space<vmem>> -> memref<128x16xf32, #tpu.memory_space<vmem>>
      %dma_start3A_374 = arith.constant 0 : i32
      %dma_start3A_375 = tpu.memref_slice %arg8[%add3A_369, %dma_start3A_374] : memref<40x128xi32, #tpu.memory_space<vmem>> -> memref<1x128xi32, #tpu.memory_space<vmem>>
      %dma_start3A_376 = tpu.memref_squeeze %dma_start3A_375 : memref<1x128xi32, #tpu.memory_space<vmem>> -> memref<128xi32, #tpu.memory_space<vmem>>
      %dma_start3A_377 = arith.constant 0 : i32
      %dma_start3A_378 = arith.constant 0 : i32
      %dma_start3A_379 = tpu.memref_slice %arg12[%dma_start3A_377, %dma_start3A_378] : memref<10240x16xf32, #tpu.memory_space<vmem_shared>> -> memref<10240x16xf32, #tpu.memory_space<vmem_shared>>
      tpu.enqueue_indirect_dma source(%dma_start3A_373 : memref<128x16xf32, #tpu.memory_space<vmem>>) target(%dma_start3A_379 : memref<10240x16xf32, #tpu.memory_space<vmem_shared>>) offsets(%dma_start3A_376 : memref<128xi32, #tpu.memory_space<vmem>>) semaphore(%arg14 : memref<!tpu.dma_semaphore, #tpu.memory_space<semaphore_mem>>) {add = true}
      %dma_start3A_380 = arith.constant 0 : i32
      %dma_start3A_381 = tpu.memref_slice %arg8[%add3A_369, %dma_start3A_380] : memref<40x128xi32, #tpu.memory_space<vmem>> -> memref<1x128xi32, #tpu.memory_space<vmem>>
      %dma_start3A_382 = tpu.memref_squeeze %dma_start3A_381 : memref<1x128xi32, #tpu.memory_space<vmem>> -> memref<128xi32, #tpu.memory_space<vmem>>
      %dma_start3A_383 = arith.constant 0 : i32
      %dma_start3A_384 = arith.constant 0 : i32
      %dma_start3A_385 = tpu.memref_slice %arg13[%dma_start3A_383, %dma_start3A_384] : memref<10240x16xf32, #tpu.memory_space<vmem_shared>> -> memref<10240x16xf32, #tpu.memory_space<vmem_shared>>
      tpu.enqueue_indirect_dma source(%arg10 : memref<128x16xf32, #tpu.memory_space<vmem>>) target(%dma_start3A_385 : memref<10240x16xf32, #tpu.memory_space<vmem_shared>>) offsets(%dma_start3A_382 : memref<128xi32, #tpu.memory_space<vmem>>) semaphore(%arg14 : memref<!tpu.dma_semaphore, #tpu.memory_space<semaphore_mem>>) {add = true}
      %add3A_386 = arith.constant 5 : i32
      %add3A_387 = arith.addi %mul3A_295, %add3A_386 : i32
      %mul3A_388 = arith.constant 128 : i32
      %mul3A_389 = arith.muli %add3A_387, %mul3A_388 : i32
      %dma_start3A_390 = arith.constant 0 : i32
      %dma_start3A_391 = tpu.memref_slice %arg9[%mul3A_389, %dma_start3A_390] : memref<5120x16xf32, #tpu.memory_space<vmem>> -> memref<128x16xf32, #tpu.memory_space<vmem>>
      %dma_start3A_392 = arith.constant 0 : i32
      %dma_start3A_393 = tpu.memref_slice %arg8[%add3A_387, %dma_start3A_392] : memref<40x128xi32, #tpu.memory_space<vmem>> -> memref<1x128xi32, #tpu.memory_space<vmem>>
      %dma_start3A_394 = tpu.memref_squeeze %dma_start3A_393 : memref<1x128xi32, #tpu.memory_space<vmem>> -> memref<128xi32, #tpu.memory_space<vmem>>
      %dma_start3A_395 = arith.constant 0 : i32
      %dma_start3A_396 = arith.constant 0 : i32
      %dma_start3A_397 = tpu.memref_slice %arg12[%dma_start3A_395, %dma_start3A_396] : memref<10240x16xf32, #tpu.memory_space<vmem_shared>> -> memref<10240x16xf32, #tpu.memory_space<vmem_shared>>
      tpu.enqueue_indirect_dma source(%dma_start3A_391 : memref<128x16xf32, #tpu.memory_space<vmem>>) target(%dma_start3A_397 : memref<10240x16xf32, #tpu.memory_space<vmem_shared>>) offsets(%dma_start3A_394 : memref<128xi32, #tpu.memory_space<vmem>>) semaphore(%arg14 : memref<!tpu.dma_semaphore, #tpu.memory_space<semaphore_mem>>) {add = true}
      %dma_start3A_398 = arith.constant 0 : i32
      %dma_start3A_399 = tpu.memref_slice %arg8[%add3A_387, %dma_start3A_398] : memref<40x128xi32, #tpu.memory_space<vmem>> -> memref<1x128xi32, #tpu.memory_space<vmem>>
      %dma_start3A_400 = tpu.memref_squeeze %dma_start3A_399 : memref<1x128xi32, #tpu.memory_space<vmem>> -> memref<128xi32, #tpu.memory_space<vmem>>
      %dma_start3A_401 = arith.constant 0 : i32
      %dma_start3A_402 = arith.constant 0 : i32
      %dma_start3A_403 = tpu.memref_slice %arg13[%dma_start3A_401, %dma_start3A_402] : memref<10240x16xf32, #tpu.memory_space<vmem_shared>> -> memref<10240x16xf32, #tpu.memory_space<vmem_shared>>
      tpu.enqueue_indirect_dma source(%arg10 : memref<128x16xf32, #tpu.memory_space<vmem>>) target(%dma_start3A_403 : memref<10240x16xf32, #tpu.memory_space<vmem_shared>>) offsets(%dma_start3A_400 : memref<128xi32, #tpu.memory_space<vmem>>) semaphore(%arg14 : memref<!tpu.dma_semaphore, #tpu.memory_space<semaphore_mem>>) {add = true}
      %add3A_404 = arith.constant 6 : i32
      %add3A_405 = arith.addi %mul3A_295, %add3A_404 : i32
      %mul3A_406 = arith.constant 128 : i32
      %mul3A_407 = arith.muli %add3A_405, %mul3A_406 : i32
      %dma_start3A_408 = arith.constant 0 : i32
      %dma_start3A_409 = tpu.memref_slice %arg9[%mul3A_407, %dma_start3A_408] : memref<5120x16xf32, #tpu.memory_space<vmem>> -> memref<128x16xf32, #tpu.memory_space<vmem>>
      %dma_start3A_410 = arith.constant 0 : i32
      %dma_start3A_411 = tpu.memref_slice %arg8[%add3A_405, %dma_start3A_410] : memref<40x128xi32, #tpu.memory_space<vmem>> -> memref<1x128xi32, #tpu.memory_space<vmem>>
      %dma_start3A_412 = tpu.memref_squeeze %dma_start3A_411 : memref<1x128xi32, #tpu.memory_space<vmem>> -> memref<128xi32, #tpu.memory_space<vmem>>
      %dma_start3A_413 = arith.constant 0 : i32
      %dma_start3A_414 = arith.constant 0 : i32
      %dma_start3A_415 = tpu.memref_slice %arg12[%dma_start3A_413, %dma_start3A_414] : memref<10240x16xf32, #tpu.memory_space<vmem_shared>> -> memref<10240x16xf32, #tpu.memory_space<vmem_shared>>
      tpu.enqueue_indirect_dma source(%dma_start3A_409 : memref<128x16xf32, #tpu.memory_space<vmem>>) target(%dma_start3A_415 : memref<10240x16xf32, #tpu.memory_space<vmem_shared>>) offsets(%dma_start3A_412 : memref<128xi32, #tpu.memory_space<vmem>>) semaphore(%arg14 : memref<!tpu.dma_semaphore, #tpu.memory_space<semaphore_mem>>) {add = true}
      %dma_start3A_416 = arith.constant 0 : i32
      %dma_start3A_417 = tpu.memref_slice %arg8[%add3A_405, %dma_start3A_416] : memref<40x128xi32, #tpu.memory_space<vmem>> -> memref<1x128xi32, #tpu.memory_space<vmem>>
      %dma_start3A_418 = tpu.memref_squeeze %dma_start3A_417 : memref<1x128xi32, #tpu.memory_space<vmem>> -> memref<128xi32, #tpu.memory_space<vmem>>
      %dma_start3A_419 = arith.constant 0 : i32
      %dma_start3A_420 = arith.constant 0 : i32
      %dma_start3A_421 = tpu.memref_slice %arg13[%dma_start3A_419, %dma_start3A_420] : memref<10240x16xf32, #tpu.memory_space<vmem_shared>> -> memref<10240x16xf32, #tpu.memory_space<vmem_shared>>
      tpu.enqueue_indirect_dma source(%arg10 : memref<128x16xf32, #tpu.memory_space<vmem>>) target(%dma_start3A_421 : memref<10240x16xf32, #tpu.memory_space<vmem_shared>>) offsets(%dma_start3A_418 : memref<128xi32, #tpu.memory_space<vmem>>) semaphore(%arg14 : memref<!tpu.dma_semaphore, #tpu.memory_space<semaphore_mem>>) {add = true}
      %add3A_422 = arith.constant 7 : i32
      %add3A_423 = arith.addi %mul3A_295, %add3A_422 : i32
      %mul3A_424 = arith.constant 128 : i32
      %mul3A_425 = arith.muli %add3A_423, %mul3A_424 : i32
      %dma_start3A_426 = arith.constant 0 : i32
      %dma_start3A_427 = tpu.memref_slice %arg9[%mul3A_425, %dma_start3A_426] : memref<5120x16xf32, #tpu.memory_space<vmem>> -> memref<128x16xf32, #tpu.memory_space<vmem>>
      %dma_start3A_428 = arith.constant 0 : i32
      %dma_start3A_429 = tpu.memref_slice %arg8[%add3A_423, %dma_start3A_428] : memref<40x128xi32, #tpu.memory_space<vmem>> -> memref<1x128xi32, #tpu.memory_space<vmem>>
      %dma_start3A_430 = tpu.memref_squeeze %dma_start3A_429 : memref<1x128xi32, #tpu.memory_space<vmem>> -> memref<128xi32, #tpu.memory_space<vmem>>
      %dma_start3A_431 = arith.constant 0 : i32
      %dma_start3A_432 = arith.constant 0 : i32
      %dma_start3A_433 = tpu.memref_slice %arg12[%dma_start3A_431, %dma_start3A_432] : memref<10240x16xf32, #tpu.memory_space<vmem_shared>> -> memref<10240x16xf32, #tpu.memory_space<vmem_shared>>
      tpu.enqueue_indirect_dma source(%dma_start3A_427 : memref<128x16xf32, #tpu.memory_space<vmem>>) target(%dma_start3A_433 : memref<10240x16xf32, #tpu.memory_space<vmem_shared>>) offsets(%dma_start3A_430 : memref<128xi32, #tpu.memory_space<vmem>>) semaphore(%arg14 : memref<!tpu.dma_semaphore, #tpu.memory_space<semaphore_mem>>) {add = true}
      %dma_start3A_434 = arith.constant 0 : i32
      %dma_start3A_435 = tpu.memref_slice %arg8[%add3A_423, %dma_start3A_434] : memref<40x128xi32, #tpu.memory_space<vmem>> -> memref<1x128xi32, #tpu.memory_space<vmem>>
      %dma_start3A_436 = tpu.memref_squeeze %dma_start3A_435 : memref<1x128xi32, #tpu.memory_space<vmem>> -> memref<128xi32, #tpu.memory_space<vmem>>
      %dma_start3A_437 = arith.constant 0 : i32
      %dma_start3A_438 = arith.constant 0 : i32
      %dma_start3A_439 = tpu.memref_slice %arg13[%dma_start3A_437, %dma_start3A_438] : memref<10240x16xf32, #tpu.memory_space<vmem_shared>> -> memref<10240x16xf32, #tpu.memory_space<vmem_shared>>
      tpu.enqueue_indirect_dma source(%arg10 : memref<128x16xf32, #tpu.memory_space<vmem>>) target(%dma_start3A_439 : memref<10240x16xf32, #tpu.memory_space<vmem_shared>>) offsets(%dma_start3A_436 : memref<128xi32, #tpu.memory_space<vmem>>) semaphore(%arg14 : memref<!tpu.dma_semaphore, #tpu.memory_space<semaphore_mem>>) {add = true}
      %dma_wait3A_440 = arith.constant 0 : i32
      %dma_wait3A_441 = tpu.memref_slice %arg9[%mul3A_299, %dma_wait3A_440] : memref<5120x16xf32, #tpu.memory_space<vmem>> -> memref<128x16xf32, #tpu.memory_space<vmem>>
      %dma_wait3A_442 = arith.constant 0 : i32
      %dma_wait3A_443 = tpu.memref_slice %arg8[%add3A_297, %dma_wait3A_442] : memref<40x128xi32, #tpu.memory_space<vmem>> -> memref<1x128xi32, #tpu.memory_space<vmem>>
      %dma_wait3A_444 = tpu.memref_squeeze %dma_wait3A_443 : memref<1x128xi32, #tpu.memory_space<vmem>> -> memref<128xi32, #tpu.memory_space<vmem>>
      %dma_wait3A_445 = arith.constant 0 : i32
      %dma_wait3A_446 = arith.constant 0 : i32
      %dma_wait3A_447 = tpu.memref_slice %arg12[%dma_wait3A_445, %dma_wait3A_446] : memref<10240x16xf32, #tpu.memory_space<vmem_shared>> -> memref<10240x16xf32, #tpu.memory_space<vmem_shared>>
      tpu.wait_indirect_dma semaphore(%arg14 : memref<!tpu.dma_semaphore, #tpu.memory_space<semaphore_mem>>) src(%dma_wait3A_441 : memref<128x16xf32, #tpu.memory_space<vmem>>) dst(%dma_wait3A_447 : memref<10240x16xf32, #tpu.memory_space<vmem_shared>>)
      %dma_wait3A_448 = arith.constant 0 : i32
      %dma_wait3A_449 = tpu.memref_slice %arg8[%add3A_297, %dma_wait3A_448] : memref<40x128xi32, #tpu.memory_space<vmem>> -> memref<1x128xi32, #tpu.memory_space<vmem>>
      %dma_wait3A_450 = tpu.memref_squeeze %dma_wait3A_449 : memref<1x128xi32, #tpu.memory_space<vmem>> -> memref<128xi32, #tpu.memory_space<vmem>>
      %dma_wait3A_451 = arith.constant 0 : i32
      %dma_wait3A_452 = arith.constant 0 : i32
      %dma_wait3A_453 = tpu.memref_slice %arg13[%dma_wait3A_451, %dma_wait3A_452] : memref<10240x16xf32, #tpu.memory_space<vmem_shared>> -> memref<10240x16xf32, #tpu.memory_space<vmem_shared>>
      tpu.wait_indirect_dma semaphore(%arg14 : memref<!tpu.dma_semaphore, #tpu.memory_space<semaphore_mem>>) src(%arg10 : memref<128x16xf32, #tpu.memory_space<vmem>>) dst(%dma_wait3A_453 : memref<10240x16xf32, #tpu.memory_space<vmem_shared>>)
      %dma_wait3A_454 = arith.constant 0 : i32
      %dma_wait3A_455 = tpu.memref_slice %arg9[%mul3A_317, %dma_wait3A_454] : memref<5120x16xf32, #tpu.memory_space<vmem>> -> memref<128x16xf32, #tpu.memory_space<vmem>>
      %dma_wait3A_456 = arith.constant 0 : i32
      %dma_wait3A_457 = tpu.memref_slice %arg8[%add3A_315, %dma_wait3A_456] : memref<40x128xi32, #tpu.memory_space<vmem>> -> memref<1x128xi32, #tpu.memory_space<vmem>>
      %dma_wait3A_458 = tpu.memref_squeeze %dma_wait3A_457 : memref<1x128xi32, #tpu.memory_space<vmem>> -> memref<128xi32, #tpu.memory_space<vmem>>
      %dma_wait3A_459 = arith.constant 0 : i32
      %dma_wait3A_460 = arith.constant 0 : i32
      %dma_wait3A_461 = tpu.memref_slice %arg12[%dma_wait3A_459, %dma_wait3A_460] : memref<10240x16xf32, #tpu.memory_space<vmem_shared>> -> memref<10240x16xf32, #tpu.memory_space<vmem_shared>>
      tpu.wait_indirect_dma semaphore(%arg14 : memref<!tpu.dma_semaphore, #tpu.memory_space<semaphore_mem>>) src(%dma_wait3A_455 : memref<128x16xf32, #tpu.memory_space<vmem>>) dst(%dma_wait3A_461 : memref<10240x16xf32, #tpu.memory_space<vmem_shared>>)
      %dma_wait3A_462 = arith.constant 0 : i32
      %dma_wait3A_463 = tpu.memref_slice %arg8[%add3A_315, %dma_wait3A_462] : memref<40x128xi32, #tpu.memory_space<vmem>> -> memref<1x128xi32, #tpu.memory_space<vmem>>
      %dma_wait3A_464 = tpu.memref_squeeze %dma_wait3A_463 : memref<1x128xi32, #tpu.memory_space<vmem>> -> memref<128xi32, #tpu.memory_space<vmem>>
      %dma_wait3A_465 = arith.constant 0 : i32
      %dma_wait3A_466 = arith.constant 0 : i32
      %dma_wait3A_467 = tpu.memref_slice %arg13[%dma_wait3A_465, %dma_wait3A_466] : memref<10240x16xf32, #tpu.memory_space<vmem_shared>> -> memref<10240x16xf32, #tpu.memory_space<vmem_shared>>
      tpu.wait_indirect_dma semaphore(%arg14 : memref<!tpu.dma_semaphore, #tpu.memory_space<semaphore_mem>>) src(%arg10 : memref<128x16xf32, #tpu.memory_space<vmem>>) dst(%dma_wait3A_467 : memref<10240x16xf32, #tpu.memory_space<vmem_shared>>)
      %dma_wait3A_468 = arith.constant 0 : i32
      %dma_wait3A_469 = tpu.memref_slice %arg9[%mul3A_335, %dma_wait3A_468] : memref<5120x16xf32, #tpu.memory_space<vmem>> -> memref<128x16xf32, #tpu.memory_space<vmem>>
      %dma_wait3A_470 = arith.constant 0 : i32
      %dma_wait3A_471 = tpu.memref_slice %arg8[%add3A_333, %dma_wait3A_470] : memref<40x128xi32, #tpu.memory_space<vmem>> -> memref<1x128xi32, #tpu.memory_space<vmem>>
      %dma_wait3A_472 = tpu.memref_squeeze %dma_wait3A_471 : memref<1x128xi32, #tpu.memory_space<vmem>> -> memref<128xi32, #tpu.memory_space<vmem>>
      %dma_wait3A_473 = arith.constant 0 : i32
      %dma_wait3A_474 = arith.constant 0 : i32
      %dma_wait3A_475 = tpu.memref_slice %arg12[%dma_wait3A_473, %dma_wait3A_474] : memref<10240x16xf32, #tpu.memory_space<vmem_shared>> -> memref<10240x16xf32, #tpu.memory_space<vmem_shared>>
      tpu.wait_indirect_dma semaphore(%arg14 : memref<!tpu.dma_semaphore, #tpu.memory_space<semaphore_mem>>) src(%dma_wait3A_469 : memref<128x16xf32, #tpu.memory_space<vmem>>) dst(%dma_wait3A_475 : memref<10240x16xf32, #tpu.memory_space<vmem_shared>>)
      %dma_wait3A_476 = arith.constant 0 : i32
      %dma_wait3A_477 = tpu.memref_slice %arg8[%add3A_333, %dma_wait3A_476] : memref<40x128xi32, #tpu.memory_space<vmem>> -> memref<1x128xi32, #tpu.memory_space<vmem>>
      %dma_wait3A_478 = tpu.memref_squeeze %dma_wait3A_477 : memref<1x128xi32, #tpu.memory_space<vmem>> -> memref<128xi32, #tpu.memory_space<vmem>>
      %dma_wait3A_479 = arith.constant 0 : i32
      %dma_wait3A_480 = arith.constant 0 : i32
      %dma_wait3A_481 = tpu.memref_slice %arg13[%dma_wait3A_479, %dma_wait3A_480] : memref<10240x16xf32, #tpu.memory_space<vmem_shared>> -> memref<10240x16xf32, #tpu.memory_space<vmem_shared>>
      tpu.wait_indirect_dma semaphore(%arg14 : memref<!tpu.dma_semaphore, #tpu.memory_space<semaphore_mem>>) src(%arg10 : memref<128x16xf32, #tpu.memory_space<vmem>>) dst(%dma_wait3A_481 : memref<10240x16xf32, #tpu.memory_space<vmem_shared>>)
      %dma_wait3A_482 = arith.constant 0 : i32
      %dma_wait3A_483 = tpu.memref_slice %arg9[%mul3A_353, %dma_wait3A_482] : memref<5120x16xf32, #tpu.memory_space<vmem>> -> memref<128x16xf32, #tpu.memory_space<vmem>>
      %dma_wait3A_484 = arith.constant 0 : i32
      %dma_wait3A_485 = tpu.memref_slice %arg8[%add3A_351, %dma_wait3A_484] : memref<40x128xi32, #tpu.memory_space<vmem>> -> memref<1x128xi32, #tpu.memory_space<vmem>>
      %dma_wait3A_486 = tpu.memref_squeeze %dma_wait3A_485 : memref<1x128xi32, #tpu.memory_space<vmem>> -> memref<128xi32, #tpu.memory_space<vmem>>
      %dma_wait3A_487 = arith.constant 0 : i32
      %dma_wait3A_488 = arith.constant 0 : i32
      %dma_wait3A_489 = tpu.memref_slice %arg12[%dma_wait3A_487, %dma_wait3A_488] : memref<10240x16xf32, #tpu.memory_space<vmem_shared>> -> memref<10240x16xf32, #tpu.memory_space<vmem_shared>>
      tpu.wait_indirect_dma semaphore(%arg14 : memref<!tpu.dma_semaphore, #tpu.memory_space<semaphore_mem>>) src(%dma_wait3A_483 : memref<128x16xf32, #tpu.memory_space<vmem>>) dst(%dma_wait3A_489 : memref<10240x16xf32, #tpu.memory_space<vmem_shared>>)
      %dma_wait3A_490 = arith.constant 0 : i32
      %dma_wait3A_491 = tpu.memref_slice %arg8[%add3A_351, %dma_wait3A_490] : memref<40x128xi32, #tpu.memory_space<vmem>> -> memref<1x128xi32, #tpu.memory_space<vmem>>
      %dma_wait3A_492 = tpu.memref_squeeze %dma_wait3A_491 : memref<1x128xi32, #tpu.memory_space<vmem>> -> memref<128xi32, #tpu.memory_space<vmem>>
      %dma_wait3A_493 = arith.constant 0 : i32
      %dma_wait3A_494 = arith.constant 0 : i32
      %dma_wait3A_495 = tpu.memref_slice %arg13[%dma_wait3A_493, %dma_wait3A_494] : memref<10240x16xf32, #tpu.memory_space<vmem_shared>> -> memref<10240x16xf32, #tpu.memory_space<vmem_shared>>
      tpu.wait_indirect_dma semaphore(%arg14 : memref<!tpu.dma_semaphore, #tpu.memory_space<semaphore_mem>>) src(%arg10 : memref<128x16xf32, #tpu.memory_space<vmem>>) dst(%dma_wait3A_495 : memref<10240x16xf32, #tpu.memory_space<vmem_shared>>)
      %dma_wait3A_496 = arith.constant 0 : i32
      %dma_wait3A_497 = tpu.memref_slice %arg9[%mul3A_371, %dma_wait3A_496] : memref<5120x16xf32, #tpu.memory_space<vmem>> -> memref<128x16xf32, #tpu.memory_space<vmem>>
      %dma_wait3A_498 = arith.constant 0 : i32
      %dma_wait3A_499 = tpu.memref_slice %arg8[%add3A_369, %dma_wait3A_498] : memref<40x128xi32, #tpu.memory_space<vmem>> -> memref<1x128xi32, #tpu.memory_space<vmem>>
      %dma_wait3A_500 = tpu.memref_squeeze %dma_wait3A_499 : memref<1x128xi32, #tpu.memory_space<vmem>> -> memref<128xi32, #tpu.memory_space<vmem>>
      %dma_wait3A_501 = arith.constant 0 : i32
      %dma_wait3A_502 = arith.constant 0 : i32
      %dma_wait3A_503 = tpu.memref_slice %arg12[%dma_wait3A_501, %dma_wait3A_502] : memref<10240x16xf32, #tpu.memory_space<vmem_shared>> -> memref<10240x16xf32, #tpu.memory_space<vmem_shared>>
      tpu.wait_indirect_dma semaphore(%arg14 : memref<!tpu.dma_semaphore, #tpu.memory_space<semaphore_mem>>) src(%dma_wait3A_497 : memref<128x16xf32, #tpu.memory_space<vmem>>) dst(%dma_wait3A_503 : memref<10240x16xf32, #tpu.memory_space<vmem_shared>>)
      %dma_wait3A_504 = arith.constant 0 : i32
      %dma_wait3A_505 = tpu.memref_slice %arg8[%add3A_369, %dma_wait3A_504] : memref<40x128xi32, #tpu.memory_space<vmem>> -> memref<1x128xi32, #tpu.memory_space<vmem>>
      %dma_wait3A_506 = tpu.memref_squeeze %dma_wait3A_505 : memref<1x128xi32, #tpu.memory_space<vmem>> -> memref<128xi32, #tpu.memory_space<vmem>>
      %dma_wait3A_507 = arith.constant 0 : i32
      %dma_wait3A_508 = arith.constant 0 : i32
      %dma_wait3A_509 = tpu.memref_slice %arg13[%dma_wait3A_507, %dma_wait3A_508] : memref<10240x16xf32, #tpu.memory_space<vmem_shared>> -> memref<10240x16xf32, #tpu.memory_space<vmem_shared>>
      tpu.wait_indirect_dma semaphore(%arg14 : memref<!tpu.dma_semaphore, #tpu.memory_space<semaphore_mem>>) src(%arg10 : memref<128x16xf32, #tpu.memory_space<vmem>>) dst(%dma_wait3A_509 : memref<10240x16xf32, #tpu.memory_space<vmem_shared>>)
      %dma_wait3A_510 = arith.constant 0 : i32
      %dma_wait3A_511 = tpu.memref_slice %arg9[%mul3A_389, %dma_wait3A_510] : memref<5120x16xf32, #tpu.memory_space<vmem>> -> memref<128x16xf32, #tpu.memory_space<vmem>>
      %dma_wait3A_512 = arith.constant 0 : i32
      %dma_wait3A_513 = tpu.memref_slice %arg8[%add3A_387, %dma_wait3A_512] : memref<40x128xi32, #tpu.memory_space<vmem>> -> memref<1x128xi32, #tpu.memory_space<vmem>>
      %dma_wait3A_514 = tpu.memref_squeeze %dma_wait3A_513 : memref<1x128xi32, #tpu.memory_space<vmem>> -> memref<128xi32, #tpu.memory_space<vmem>>
      %dma_wait3A_515 = arith.constant 0 : i32
      %dma_wait3A_516 = arith.constant 0 : i32
      %dma_wait3A_517 = tpu.memref_slice %arg12[%dma_wait3A_515, %dma_wait3A_516] : memref<10240x16xf32, #tpu.memory_space<vmem_shared>> -> memref<10240x16xf32, #tpu.memory_space<vmem_shared>>
      tpu.wait_indirect_dma semaphore(%arg14 : memref<!tpu.dma_semaphore, #tpu.memory_space<semaphore_mem>>) src(%dma_wait3A_511 : memref<128x16xf32, #tpu.memory_space<vmem>>) dst(%dma_wait3A_517 : memref<10240x16xf32, #tpu.memory_space<vmem_shared>>)
      %dma_wait3A_518 = arith.constant 0 : i32
      %dma_wait3A_519 = tpu.memref_slice %arg8[%add3A_387, %dma_wait3A_518] : memref<40x128xi32, #tpu.memory_space<vmem>> -> memref<1x128xi32, #tpu.memory_space<vmem>>
      %dma_wait3A_520 = tpu.memref_squeeze %dma_wait3A_519 : memref<1x128xi32, #tpu.memory_space<vmem>> -> memref<128xi32, #tpu.memory_space<vmem>>
      %dma_wait3A_521 = arith.constant 0 : i32
      %dma_wait3A_522 = arith.constant 0 : i32
      %dma_wait3A_523 = tpu.memref_slice %arg13[%dma_wait3A_521, %dma_wait3A_522] : memref<10240x16xf32, #tpu.memory_space<vmem_shared>> -> memref<10240x16xf32, #tpu.memory_space<vmem_shared>>
      tpu.wait_indirect_dma semaphore(%arg14 : memref<!tpu.dma_semaphore, #tpu.memory_space<semaphore_mem>>) src(%arg10 : memref<128x16xf32, #tpu.memory_space<vmem>>) dst(%dma_wait3A_523 : memref<10240x16xf32, #tpu.memory_space<vmem_shared>>)
      %dma_wait3A_524 = arith.constant 0 : i32
      %dma_wait3A_525 = tpu.memref_slice %arg9[%mul3A_407, %dma_wait3A_524] : memref<5120x16xf32, #tpu.memory_space<vmem>> -> memref<128x16xf32, #tpu.memory_space<vmem>>
      %dma_wait3A_526 = arith.constant 0 : i32
      %dma_wait3A_527 = tpu.memref_slice %arg8[%add3A_405, %dma_wait3A_526] : memref<40x128xi32, #tpu.memory_space<vmem>> -> memref<1x128xi32, #tpu.memory_space<vmem>>
      %dma_wait3A_528 = tpu.memref_squeeze %dma_wait3A_527 : memref<1x128xi32, #tpu.memory_space<vmem>> -> memref<128xi32, #tpu.memory_space<vmem>>
      %dma_wait3A_529 = arith.constant 0 : i32
      %dma_wait3A_530 = arith.constant 0 : i32
      %dma_wait3A_531 = tpu.memref_slice %arg12[%dma_wait3A_529, %dma_wait3A_530] : memref<10240x16xf32, #tpu.memory_space<vmem_shared>> -> memref<10240x16xf32, #tpu.memory_space<vmem_shared>>
      tpu.wait_indirect_dma semaphore(%arg14 : memref<!tpu.dma_semaphore, #tpu.memory_space<semaphore_mem>>) src(%dma_wait3A_525 : memref<128x16xf32, #tpu.memory_space<vmem>>) dst(%dma_wait3A_531 : memref<10240x16xf32, #tpu.memory_space<vmem_shared>>)
      %dma_wait3A_532 = arith.constant 0 : i32
      %dma_wait3A_533 = tpu.memref_slice %arg8[%add3A_405, %dma_wait3A_532] : memref<40x128xi32, #tpu.memory_space<vmem>> -> memref<1x128xi32, #tpu.memory_space<vmem>>
      %dma_wait3A_534 = tpu.memref_squeeze %dma_wait3A_533 : memref<1x128xi32, #tpu.memory_space<vmem>> -> memref<128xi32, #tpu.memory_space<vmem>>
      %dma_wait3A_535 = arith.constant 0 : i32
      %dma_wait3A_536 = arith.constant 0 : i32
      %dma_wait3A_537 = tpu.memref_slice %arg13[%dma_wait3A_535, %dma_wait3A_536] : memref<10240x16xf32, #tpu.memory_space<vmem_shared>> -> memref<10240x16xf32, #tpu.memory_space<vmem_shared>>
      tpu.wait_indirect_dma semaphore(%arg14 : memref<!tpu.dma_semaphore, #tpu.memory_space<semaphore_mem>>) src(%arg10 : memref<128x16xf32, #tpu.memory_space<vmem>>) dst(%dma_wait3A_537 : memref<10240x16xf32, #tpu.memory_space<vmem_shared>>)
      %dma_wait3A_538 = arith.constant 0 : i32
      %dma_wait3A_539 = tpu.memref_slice %arg9[%mul3A_425, %dma_wait3A_538] : memref<5120x16xf32, #tpu.memory_space<vmem>> -> memref<128x16xf32, #tpu.memory_space<vmem>>
      %dma_wait3A_540 = arith.constant 0 : i32
      %dma_wait3A_541 = tpu.memref_slice %arg8[%add3A_423, %dma_wait3A_540] : memref<40x128xi32, #tpu.memory_space<vmem>> -> memref<1x128xi32, #tpu.memory_space<vmem>>
      %dma_wait3A_542 = tpu.memref_squeeze %dma_wait3A_541 : memref<1x128xi32, #tpu.memory_space<vmem>> -> memref<128xi32, #tpu.memory_space<vmem>>
      %dma_wait3A_543 = arith.constant 0 : i32
      %dma_wait3A_544 = arith.constant 0 : i32
      %dma_wait3A_545 = tpu.memref_slice %arg12[%dma_wait3A_543, %dma_wait3A_544] : memref<10240x16xf32, #tpu.memory_space<vmem_shared>> -> memref<10240x16xf32, #tpu.memory_space<vmem_shared>>
      tpu.wait_indirect_dma semaphore(%arg14 : memref<!tpu.dma_semaphore, #tpu.memory_space<semaphore_mem>>) src(%dma_wait3A_539 : memref<128x16xf32, #tpu.memory_space<vmem>>) dst(%dma_wait3A_545 : memref<10240x16xf32, #tpu.memory_space<vmem_shared>>)
      %dma_wait3A_546 = arith.constant 0 : i32
      %dma_wait3A_547 = tpu.memref_slice %arg8[%add3A_423, %dma_wait3A_546] : memref<40x128xi32, #tpu.memory_space<vmem>> -> memref<1x128xi32, #tpu.memory_space<vmem>>
      %dma_wait3A_548 = tpu.memref_squeeze %dma_wait3A_547 : memref<1x128xi32, #tpu.memory_space<vmem>> -> memref<128xi32, #tpu.memory_space<vmem>>
      %dma_wait3A_549 = arith.constant 0 : i32
      %dma_wait3A_550 = arith.constant 0 : i32
      %dma_wait3A_551 = tpu.memref_slice %arg13[%dma_wait3A_549, %dma_wait3A_550] : memref<10240x16xf32, #tpu.memory_space<vmem_shared>> -> memref<10240x16xf32, #tpu.memory_space<vmem_shared>>
      tpu.wait_indirect_dma semaphore(%arg14 : memref<!tpu.dma_semaphore, #tpu.memory_space<semaphore_mem>>) src(%arg10 : memref<128x16xf32, #tpu.memory_space<vmem>>) dst(%dma_wait3A_551 : memref<10240x16xf32, #tpu.memory_space<vmem_shared>>)
    }
    %scan3A_31 = arith.constant 4 : i32
    %dma_start3A = arith.constant 32 : i32
    %dma_start3A_32 = arith.constant 4096 : i32
    %dma_start3A_33 = arith.constant 0 : i32
    %dma_start3A_34 = tpu.memref_slice %arg9[%dma_start3A_32, %dma_start3A_33] : memref<5120x16xf32, #tpu.memory_space<vmem>> -> memref<128x16xf32, #tpu.memory_space<vmem>>
    %dma_start3A_35 = arith.constant 0 : i32
    %dma_start3A_36 = tpu.memref_slice %arg8[%dma_start3A, %dma_start3A_35] : memref<40x128xi32, #tpu.memory_space<vmem>> -> memref<1x128xi32, #tpu.memory_space<vmem>>
    %dma_start3A_37 = tpu.memref_squeeze %dma_start3A_36 : memref<1x128xi32, #tpu.memory_space<vmem>> -> memref<128xi32, #tpu.memory_space<vmem>>
    %dma_start3A_38 = arith.constant 0 : i32
    %dma_start3A_39 = arith.constant 0 : i32
    %dma_start3A_40 = tpu.memref_slice %arg12[%dma_start3A_38, %dma_start3A_39] : memref<10240x16xf32, #tpu.memory_space<vmem_shared>> -> memref<10240x16xf32, #tpu.memory_space<vmem_shared>>
    tpu.enqueue_indirect_dma source(%dma_start3A_34 : memref<128x16xf32, #tpu.memory_space<vmem>>) target(%dma_start3A_40 : memref<10240x16xf32, #tpu.memory_space<vmem_shared>>) offsets(%dma_start3A_37 : memref<128xi32, #tpu.memory_space<vmem>>) semaphore(%arg14 : memref<!tpu.dma_semaphore, #tpu.memory_space<semaphore_mem>>) {add = true}
    %dma_start3A_41 = arith.constant 32 : i32
    %dma_start3A_42 = arith.constant 0 : i32
    %dma_start3A_43 = tpu.memref_slice %arg8[%dma_start3A_41, %dma_start3A_42] : memref<40x128xi32, #tpu.memory_space<vmem>> -> memref<1x128xi32, #tpu.memory_space<vmem>>
    %dma_start3A_44 = tpu.memref_squeeze %dma_start3A_43 : memref<1x128xi32, #tpu.memory_space<vmem>> -> memref<128xi32, #tpu.memory_space<vmem>>
    %dma_start3A_45 = arith.constant 0 : i32
    %dma_start3A_46 = arith.constant 0 : i32
    %dma_start3A_47 = tpu.memref_slice %arg13[%dma_start3A_45, %dma_start3A_46] : memref<10240x16xf32, #tpu.memory_space<vmem_shared>> -> memref<10240x16xf32, #tpu.memory_space<vmem_shared>>
    tpu.enqueue_indirect_dma source(%arg10 : memref<128x16xf32, #tpu.memory_space<vmem>>) target(%dma_start3A_47 : memref<10240x16xf32, #tpu.memory_space<vmem_shared>>) offsets(%dma_start3A_44 : memref<128xi32, #tpu.memory_space<vmem>>) semaphore(%arg14 : memref<!tpu.dma_semaphore, #tpu.memory_space<semaphore_mem>>) {add = true}
    %dma_start3A_48 = arith.constant 33 : i32
    %dma_start3A_49 = arith.constant 4224 : i32
    %dma_start3A_50 = arith.constant 0 : i32
    %dma_start3A_51 = tpu.memref_slice %arg9[%dma_start3A_49, %dma_start3A_50] : memref<5120x16xf32, #tpu.memory_space<vmem>> -> memref<128x16xf32, #tpu.memory_space<vmem>>
    %dma_start3A_52 = arith.constant 0 : i32
    %dma_start3A_53 = tpu.memref_slice %arg8[%dma_start3A_48, %dma_start3A_52] : memref<40x128xi32, #tpu.memory_space<vmem>> -> memref<1x128xi32, #tpu.memory_space<vmem>>
    %dma_start3A_54 = tpu.memref_squeeze %dma_start3A_53 : memref<1x128xi32, #tpu.memory_space<vmem>> -> memref<128xi32, #tpu.memory_space<vmem>>
    %dma_start3A_55 = arith.constant 0 : i32
    %dma_start3A_56 = arith.constant 0 : i32
    %dma_start3A_57 = tpu.memref_slice %arg12[%dma_start3A_55, %dma_start3A_56] : memref<10240x16xf32, #tpu.memory_space<vmem_shared>> -> memref<10240x16xf32, #tpu.memory_space<vmem_shared>>
    tpu.enqueue_indirect_dma source(%dma_start3A_51 : memref<128x16xf32, #tpu.memory_space<vmem>>) target(%dma_start3A_57 : memref<10240x16xf32, #tpu.memory_space<vmem_shared>>) offsets(%dma_start3A_54 : memref<128xi32, #tpu.memory_space<vmem>>) semaphore(%arg14 : memref<!tpu.dma_semaphore, #tpu.memory_space<semaphore_mem>>) {add = true}
    %dma_start3A_58 = arith.constant 33 : i32
    %dma_start3A_59 = arith.constant 0 : i32
    %dma_start3A_60 = tpu.memref_slice %arg8[%dma_start3A_58, %dma_start3A_59] : memref<40x128xi32, #tpu.memory_space<vmem>> -> memref<1x128xi32, #tpu.memory_space<vmem>>
    %dma_start3A_61 = tpu.memref_squeeze %dma_start3A_60 : memref<1x128xi32, #tpu.memory_space<vmem>> -> memref<128xi32, #tpu.memory_space<vmem>>
    %dma_start3A_62 = arith.constant 0 : i32
    %dma_start3A_63 = arith.constant 0 : i32
    %dma_start3A_64 = tpu.memref_slice %arg13[%dma_start3A_62, %dma_start3A_63] : memref<10240x16xf32, #tpu.memory_space<vmem_shared>> -> memref<10240x16xf32, #tpu.memory_space<vmem_shared>>
    tpu.enqueue_indirect_dma source(%arg10 : memref<128x16xf32, #tpu.memory_space<vmem>>) target(%dma_start3A_64 : memref<10240x16xf32, #tpu.memory_space<vmem_shared>>) offsets(%dma_start3A_61 : memref<128xi32, #tpu.memory_space<vmem>>) semaphore(%arg14 : memref<!tpu.dma_semaphore, #tpu.memory_space<semaphore_mem>>) {add = true}
    %dma_start3A_65 = arith.constant 34 : i32
    %dma_start3A_66 = arith.constant 4352 : i32
    %dma_start3A_67 = arith.constant 0 : i32
    %dma_start3A_68 = tpu.memref_slice %arg9[%dma_start3A_66, %dma_start3A_67] : memref<5120x16xf32, #tpu.memory_space<vmem>> -> memref<128x16xf32, #tpu.memory_space<vmem>>
    %dma_start3A_69 = arith.constant 0 : i32
    %dma_start3A_70 = tpu.memref_slice %arg8[%dma_start3A_65, %dma_start3A_69] : memref<40x128xi32, #tpu.memory_space<vmem>> -> memref<1x128xi32, #tpu.memory_space<vmem>>
    %dma_start3A_71 = tpu.memref_squeeze %dma_start3A_70 : memref<1x128xi32, #tpu.memory_space<vmem>> -> memref<128xi32, #tpu.memory_space<vmem>>
    %dma_start3A_72 = arith.constant 0 : i32
    %dma_start3A_73 = arith.constant 0 : i32
    %dma_start3A_74 = tpu.memref_slice %arg12[%dma_start3A_72, %dma_start3A_73] : memref<10240x16xf32, #tpu.memory_space<vmem_shared>> -> memref<10240x16xf32, #tpu.memory_space<vmem_shared>>
    tpu.enqueue_indirect_dma source(%dma_start3A_68 : memref<128x16xf32, #tpu.memory_space<vmem>>) target(%dma_start3A_74 : memref<10240x16xf32, #tpu.memory_space<vmem_shared>>) offsets(%dma_start3A_71 : memref<128xi32, #tpu.memory_space<vmem>>) semaphore(%arg14 : memref<!tpu.dma_semaphore, #tpu.memory_space<semaphore_mem>>) {add = true}
    %dma_start3A_75 = arith.constant 34 : i32
    %dma_start3A_76 = arith.constant 0 : i32
    %dma_start3A_77 = tpu.memref_slice %arg8[%dma_start3A_75, %dma_start3A_76] : memref<40x128xi32, #tpu.memory_space<vmem>> -> memref<1x128xi32, #tpu.memory_space<vmem>>
    %dma_start3A_78 = tpu.memref_squeeze %dma_start3A_77 : memref<1x128xi32, #tpu.memory_space<vmem>> -> memref<128xi32, #tpu.memory_space<vmem>>
    %dma_start3A_79 = arith.constant 0 : i32
    %dma_start3A_80 = arith.constant 0 : i32
    %dma_start3A_81 = tpu.memref_slice %arg13[%dma_start3A_79, %dma_start3A_80] : memref<10240x16xf32, #tpu.memory_space<vmem_shared>> -> memref<10240x16xf32, #tpu.memory_space<vmem_shared>>
    tpu.enqueue_indirect_dma source(%arg10 : memref<128x16xf32, #tpu.memory_space<vmem>>) target(%dma_start3A_81 : memref<10240x16xf32, #tpu.memory_space<vmem_shared>>) offsets(%dma_start3A_78 : memref<128xi32, #tpu.memory_space<vmem>>) semaphore(%arg14 : memref<!tpu.dma_semaphore, #tpu.memory_space<semaphore_mem>>) {add = true}
    %dma_start3A_82 = arith.constant 35 : i32
    %dma_start3A_83 = arith.constant 4480 : i32
    %dma_start3A_84 = arith.constant 0 : i32
    %dma_start3A_85 = tpu.memref_slice %arg9[%dma_start3A_83, %dma_start3A_84] : memref<5120x16xf32, #tpu.memory_space<vmem>> -> memref<128x16xf32, #tpu.memory_space<vmem>>
    %dma_start3A_86 = arith.constant 0 : i32
    %dma_start3A_87 = tpu.memref_slice %arg8[%dma_start3A_82, %dma_start3A_86] : memref<40x128xi32, #tpu.memory_space<vmem>> -> memref<1x128xi32, #tpu.memory_space<vmem>>
    %dma_start3A_88 = tpu.memref_squeeze %dma_start3A_87 : memref<1x128xi32, #tpu.memory_space<vmem>> -> memref<128xi32, #tpu.memory_space<vmem>>
    %dma_start3A_89 = arith.constant 0 : i32
    %dma_start3A_90 = arith.constant 0 : i32
    %dma_start3A_91 = tpu.memref_slice %arg12[%dma_start3A_89, %dma_start3A_90] : memref<10240x16xf32, #tpu.memory_space<vmem_shared>> -> memref<10240x16xf32, #tpu.memory_space<vmem_shared>>
    tpu.enqueue_indirect_dma source(%dma_start3A_85 : memref<128x16xf32, #tpu.memory_space<vmem>>) target(%dma_start3A_91 : memref<10240x16xf32, #tpu.memory_space<vmem_shared>>) offsets(%dma_start3A_88 : memref<128xi32, #tpu.memory_space<vmem>>) semaphore(%arg14 : memref<!tpu.dma_semaphore, #tpu.memory_space<semaphore_mem>>) {add = true}
    %dma_start3A_92 = arith.constant 35 : i32
    %dma_start3A_93 = arith.constant 0 : i32
    %dma_start3A_94 = tpu.memref_slice %arg8[%dma_start3A_92, %dma_start3A_93] : memref<40x128xi32, #tpu.memory_space<vmem>> -> memref<1x128xi32, #tpu.memory_space<vmem>>
    %dma_start3A_95 = tpu.memref_squeeze %dma_start3A_94 : memref<1x128xi32, #tpu.memory_space<vmem>> -> memref<128xi32, #tpu.memory_space<vmem>>
    %dma_start3A_96 = arith.constant 0 : i32
    %dma_start3A_97 = arith.constant 0 : i32
    %dma_start3A_98 = tpu.memref_slice %arg13[%dma_start3A_96, %dma_start3A_97] : memref<10240x16xf32, #tpu.memory_space<vmem_shared>> -> memref<10240x16xf32, #tpu.memory_space<vmem_shared>>
    tpu.enqueue_indirect_dma source(%arg10 : memref<128x16xf32, #tpu.memory_space<vmem>>) target(%dma_start3A_98 : memref<10240x16xf32, #tpu.memory_space<vmem_shared>>) offsets(%dma_start3A_95 : memref<128xi32, #tpu.memory_space<vmem>>) semaphore(%arg14 : memref<!tpu.dma_semaphore, #tpu.memory_space<semaphore_mem>>) {add = true}
    %dma_start3A_99 = arith.constant 36 : i32
    %dma_start3A_100 = arith.constant 4608 : i32
    %dma_start3A_101 = arith.constant 0 : i32
    %dma_start3A_102 = tpu.memref_slice %arg9[%dma_start3A_100, %dma_start3A_101] : memref<5120x16xf32, #tpu.memory_space<vmem>> -> memref<128x16xf32, #tpu.memory_space<vmem>>
    %dma_start3A_103 = arith.constant 0 : i32
    %dma_start3A_104 = tpu.memref_slice %arg8[%dma_start3A_99, %dma_start3A_103] : memref<40x128xi32, #tpu.memory_space<vmem>> -> memref<1x128xi32, #tpu.memory_space<vmem>>
    %dma_start3A_105 = tpu.memref_squeeze %dma_start3A_104 : memref<1x128xi32, #tpu.memory_space<vmem>> -> memref<128xi32, #tpu.memory_space<vmem>>
    %dma_start3A_106 = arith.constant 0 : i32
    %dma_start3A_107 = arith.constant 0 : i32
    %dma_start3A_108 = tpu.memref_slice %arg12[%dma_start3A_106, %dma_start3A_107] : memref<10240x16xf32, #tpu.memory_space<vmem_shared>> -> memref<10240x16xf32, #tpu.memory_space<vmem_shared>>
    tpu.enqueue_indirect_dma source(%dma_start3A_102 : memref<128x16xf32, #tpu.memory_space<vmem>>) target(%dma_start3A_108 : memref<10240x16xf32, #tpu.memory_space<vmem_shared>>) offsets(%dma_start3A_105 : memref<128xi32, #tpu.memory_space<vmem>>) semaphore(%arg14 : memref<!tpu.dma_semaphore, #tpu.memory_space<semaphore_mem>>) {add = true}
    %dma_start3A_109 = arith.constant 36 : i32
    %dma_start3A_110 = arith.constant 0 : i32
    %dma_start3A_111 = tpu.memref_slice %arg8[%dma_start3A_109, %dma_start3A_110] : memref<40x128xi32, #tpu.memory_space<vmem>> -> memref<1x128xi32, #tpu.memory_space<vmem>>
    %dma_start3A_112 = tpu.memref_squeeze %dma_start3A_111 : memref<1x128xi32, #tpu.memory_space<vmem>> -> memref<128xi32, #tpu.memory_space<vmem>>
    %dma_start3A_113 = arith.constant 0 : i32
    %dma_start3A_114 = arith.constant 0 : i32
    %dma_start3A_115 = tpu.memref_slice %arg13[%dma_start3A_113, %dma_start3A_114] : memref<10240x16xf32, #tpu.memory_space<vmem_shared>> -> memref<10240x16xf32, #tpu.memory_space<vmem_shared>>
    tpu.enqueue_indirect_dma source(%arg10 : memref<128x16xf32, #tpu.memory_space<vmem>>) target(%dma_start3A_115 : memref<10240x16xf32, #tpu.memory_space<vmem_shared>>) offsets(%dma_start3A_112 : memref<128xi32, #tpu.memory_space<vmem>>) semaphore(%arg14 : memref<!tpu.dma_semaphore, #tpu.memory_space<semaphore_mem>>) {add = true}
    %dma_start3A_116 = arith.constant 37 : i32
    %dma_start3A_117 = arith.constant 4736 : i32
    %dma_start3A_118 = arith.constant 0 : i32
    %dma_start3A_119 = tpu.memref_slice %arg9[%dma_start3A_117, %dma_start3A_118] : memref<5120x16xf32, #tpu.memory_space<vmem>> -> memref<128x16xf32, #tpu.memory_space<vmem>>
    %dma_start3A_120 = arith.constant 0 : i32
    %dma_start3A_121 = tpu.memref_slice %arg8[%dma_start3A_116, %dma_start3A_120] : memref<40x128xi32, #tpu.memory_space<vmem>> -> memref<1x128xi32, #tpu.memory_space<vmem>>
    %dma_start3A_122 = tpu.memref_squeeze %dma_start3A_121 : memref<1x128xi32, #tpu.memory_space<vmem>> -> memref<128xi32, #tpu.memory_space<vmem>>
    %dma_start3A_123 = arith.constant 0 : i32
    %dma_start3A_124 = arith.constant 0 : i32
    %dma_start3A_125 = tpu.memref_slice %arg12[%dma_start3A_123, %dma_start3A_124] : memref<10240x16xf32, #tpu.memory_space<vmem_shared>> -> memref<10240x16xf32, #tpu.memory_space<vmem_shared>>
    tpu.enqueue_indirect_dma source(%dma_start3A_119 : memref<128x16xf32, #tpu.memory_space<vmem>>) target(%dma_start3A_125 : memref<10240x16xf32, #tpu.memory_space<vmem_shared>>) offsets(%dma_start3A_122 : memref<128xi32, #tpu.memory_space<vmem>>) semaphore(%arg14 : memref<!tpu.dma_semaphore, #tpu.memory_space<semaphore_mem>>) {add = true}
    %dma_start3A_126 = arith.constant 37 : i32
    %dma_start3A_127 = arith.constant 0 : i32
    %dma_start3A_128 = tpu.memref_slice %arg8[%dma_start3A_126, %dma_start3A_127] : memref<40x128xi32, #tpu.memory_space<vmem>> -> memref<1x128xi32, #tpu.memory_space<vmem>>
    %dma_start3A_129 = tpu.memref_squeeze %dma_start3A_128 : memref<1x128xi32, #tpu.memory_space<vmem>> -> memref<128xi32, #tpu.memory_space<vmem>>
    %dma_start3A_130 = arith.constant 0 : i32
    %dma_start3A_131 = arith.constant 0 : i32
    %dma_start3A_132 = tpu.memref_slice %arg13[%dma_start3A_130, %dma_start3A_131] : memref<10240x16xf32, #tpu.memory_space<vmem_shared>> -> memref<10240x16xf32, #tpu.memory_space<vmem_shared>>
    tpu.enqueue_indirect_dma source(%arg10 : memref<128x16xf32, #tpu.memory_space<vmem>>) target(%dma_start3A_132 : memref<10240x16xf32, #tpu.memory_space<vmem_shared>>) offsets(%dma_start3A_129 : memref<128xi32, #tpu.memory_space<vmem>>) semaphore(%arg14 : memref<!tpu.dma_semaphore, #tpu.memory_space<semaphore_mem>>) {add = true}
    %dma_start3A_133 = arith.constant 38 : i32
    %dma_start3A_134 = arith.constant 4864 : i32
    %dma_start3A_135 = arith.constant 0 : i32
    %dma_start3A_136 = tpu.memref_slice %arg9[%dma_start3A_134, %dma_start3A_135] : memref<5120x16xf32, #tpu.memory_space<vmem>> -> memref<128x16xf32, #tpu.memory_space<vmem>>
    %dma_start3A_137 = arith.constant 0 : i32
    %dma_start3A_138 = tpu.memref_slice %arg8[%dma_start3A_133, %dma_start3A_137] : memref<40x128xi32, #tpu.memory_space<vmem>> -> memref<1x128xi32, #tpu.memory_space<vmem>>
    %dma_start3A_139 = tpu.memref_squeeze %dma_start3A_138 : memref<1x128xi32, #tpu.memory_space<vmem>> -> memref<128xi32, #tpu.memory_space<vmem>>
    %dma_start3A_140 = arith.constant 0 : i32
    %dma_start3A_141 = arith.constant 0 : i32
    %dma_start3A_142 = tpu.memref_slice %arg12[%dma_start3A_140, %dma_start3A_141] : memref<10240x16xf32, #tpu.memory_space<vmem_shared>> -> memref<10240x16xf32, #tpu.memory_space<vmem_shared>>
    tpu.enqueue_indirect_dma source(%dma_start3A_136 : memref<128x16xf32, #tpu.memory_space<vmem>>) target(%dma_start3A_142 : memref<10240x16xf32, #tpu.memory_space<vmem_shared>>) offsets(%dma_start3A_139 : memref<128xi32, #tpu.memory_space<vmem>>) semaphore(%arg14 : memref<!tpu.dma_semaphore, #tpu.memory_space<semaphore_mem>>) {add = true}
    %dma_start3A_143 = arith.constant 38 : i32
    %dma_start3A_144 = arith.constant 0 : i32
    %dma_start3A_145 = tpu.memref_slice %arg8[%dma_start3A_143, %dma_start3A_144] : memref<40x128xi32, #tpu.memory_space<vmem>> -> memref<1x128xi32, #tpu.memory_space<vmem>>
    %dma_start3A_146 = tpu.memref_squeeze %dma_start3A_145 : memref<1x128xi32, #tpu.memory_space<vmem>> -> memref<128xi32, #tpu.memory_space<vmem>>
    %dma_start3A_147 = arith.constant 0 : i32
    %dma_start3A_148 = arith.constant 0 : i32
    %dma_start3A_149 = tpu.memref_slice %arg13[%dma_start3A_147, %dma_start3A_148] : memref<10240x16xf32, #tpu.memory_space<vmem_shared>> -> memref<10240x16xf32, #tpu.memory_space<vmem_shared>>
    tpu.enqueue_indirect_dma source(%arg10 : memref<128x16xf32, #tpu.memory_space<vmem>>) target(%dma_start3A_149 : memref<10240x16xf32, #tpu.memory_space<vmem_shared>>) offsets(%dma_start3A_146 : memref<128xi32, #tpu.memory_space<vmem>>) semaphore(%arg14 : memref<!tpu.dma_semaphore, #tpu.memory_space<semaphore_mem>>) {add = true}
    %dma_wait3A = arith.constant 32 : i32
    %dma_wait3A_150 = arith.constant 4096 : i32
    %dma_wait3A_151 = arith.constant 0 : i32
    %dma_wait3A_152 = tpu.memref_slice %arg9[%dma_wait3A_150, %dma_wait3A_151] : memref<5120x16xf32, #tpu.memory_space<vmem>> -> memref<128x16xf32, #tpu.memory_space<vmem>>
    %dma_wait3A_153 = arith.constant 0 : i32
    %dma_wait3A_154 = tpu.memref_slice %arg8[%dma_wait3A, %dma_wait3A_153] : memref<40x128xi32, #tpu.memory_space<vmem>> -> memref<1x128xi32, #tpu.memory_space<vmem>>
    %dma_wait3A_155 = tpu.memref_squeeze %dma_wait3A_154 : memref<1x128xi32, #tpu.memory_space<vmem>> -> memref<128xi32, #tpu.memory_space<vmem>>
    %dma_wait3A_156 = arith.constant 0 : i32
    %dma_wait3A_157 = arith.constant 0 : i32
    %dma_wait3A_158 = tpu.memref_slice %arg12[%dma_wait3A_156, %dma_wait3A_157] : memref<10240x16xf32, #tpu.memory_space<vmem_shared>> -> memref<10240x16xf32, #tpu.memory_space<vmem_shared>>
    tpu.wait_indirect_dma semaphore(%arg14 : memref<!tpu.dma_semaphore, #tpu.memory_space<semaphore_mem>>) src(%dma_wait3A_152 : memref<128x16xf32, #tpu.memory_space<vmem>>) dst(%dma_wait3A_158 : memref<10240x16xf32, #tpu.memory_space<vmem_shared>>)
    %dma_wait3A_159 = arith.constant 32 : i32
    %dma_wait3A_160 = arith.constant 0 : i32
    %dma_wait3A_161 = tpu.memref_slice %arg8[%dma_wait3A_159, %dma_wait3A_160] : memref<40x128xi32, #tpu.memory_space<vmem>> -> memref<1x128xi32, #tpu.memory_space<vmem>>
    %dma_wait3A_162 = tpu.memref_squeeze %dma_wait3A_161 : memref<1x128xi32, #tpu.memory_space<vmem>> -> memref<128xi32, #tpu.memory_space<vmem>>
    %dma_wait3A_163 = arith.constant 0 : i32
    %dma_wait3A_164 = arith.constant 0 : i32
    %dma_wait3A_165 = tpu.memref_slice %arg13[%dma_wait3A_163, %dma_wait3A_164] : memref<10240x16xf32, #tpu.memory_space<vmem_shared>> -> memref<10240x16xf32, #tpu.memory_space<vmem_shared>>
    tpu.wait_indirect_dma semaphore(%arg14 : memref<!tpu.dma_semaphore, #tpu.memory_space<semaphore_mem>>) src(%arg10 : memref<128x16xf32, #tpu.memory_space<vmem>>) dst(%dma_wait3A_165 : memref<10240x16xf32, #tpu.memory_space<vmem_shared>>)
    %dma_wait3A_166 = arith.constant 33 : i32
    %dma_wait3A_167 = arith.constant 4224 : i32
    %dma_wait3A_168 = arith.constant 0 : i32
    %dma_wait3A_169 = tpu.memref_slice %arg9[%dma_wait3A_167, %dma_wait3A_168] : memref<5120x16xf32, #tpu.memory_space<vmem>> -> memref<128x16xf32, #tpu.memory_space<vmem>>
    %dma_wait3A_170 = arith.constant 0 : i32
    %dma_wait3A_171 = tpu.memref_slice %arg8[%dma_wait3A_166, %dma_wait3A_170] : memref<40x128xi32, #tpu.memory_space<vmem>> -> memref<1x128xi32, #tpu.memory_space<vmem>>
    %dma_wait3A_172 = tpu.memref_squeeze %dma_wait3A_171 : memref<1x128xi32, #tpu.memory_space<vmem>> -> memref<128xi32, #tpu.memory_space<vmem>>
    %dma_wait3A_173 = arith.constant 0 : i32
    %dma_wait3A_174 = arith.constant 0 : i32
    %dma_wait3A_175 = tpu.memref_slice %arg12[%dma_wait3A_173, %dma_wait3A_174] : memref<10240x16xf32, #tpu.memory_space<vmem_shared>> -> memref<10240x16xf32, #tpu.memory_space<vmem_shared>>
    tpu.wait_indirect_dma semaphore(%arg14 : memref<!tpu.dma_semaphore, #tpu.memory_space<semaphore_mem>>) src(%dma_wait3A_169 : memref<128x16xf32, #tpu.memory_space<vmem>>) dst(%dma_wait3A_175 : memref<10240x16xf32, #tpu.memory_space<vmem_shared>>)
    %dma_wait3A_176 = arith.constant 33 : i32
    %dma_wait3A_177 = arith.constant 0 : i32
    %dma_wait3A_178 = tpu.memref_slice %arg8[%dma_wait3A_176, %dma_wait3A_177] : memref<40x128xi32, #tpu.memory_space<vmem>> -> memref<1x128xi32, #tpu.memory_space<vmem>>
    %dma_wait3A_179 = tpu.memref_squeeze %dma_wait3A_178 : memref<1x128xi32, #tpu.memory_space<vmem>> -> memref<128xi32, #tpu.memory_space<vmem>>
    %dma_wait3A_180 = arith.constant 0 : i32
    %dma_wait3A_181 = arith.constant 0 : i32
    %dma_wait3A_182 = tpu.memref_slice %arg13[%dma_wait3A_180, %dma_wait3A_181] : memref<10240x16xf32, #tpu.memory_space<vmem_shared>> -> memref<10240x16xf32, #tpu.memory_space<vmem_shared>>
    tpu.wait_indirect_dma semaphore(%arg14 : memref<!tpu.dma_semaphore, #tpu.memory_space<semaphore_mem>>) src(%arg10 : memref<128x16xf32, #tpu.memory_space<vmem>>) dst(%dma_wait3A_182 : memref<10240x16xf32, #tpu.memory_space<vmem_shared>>)
    %dma_wait3A_183 = arith.constant 34 : i32
    %dma_wait3A_184 = arith.constant 4352 : i32
    %dma_wait3A_185 = arith.constant 0 : i32
    %dma_wait3A_186 = tpu.memref_slice %arg9[%dma_wait3A_184, %dma_wait3A_185] : memref<5120x16xf32, #tpu.memory_space<vmem>> -> memref<128x16xf32, #tpu.memory_space<vmem>>
    %dma_wait3A_187 = arith.constant 0 : i32
    %dma_wait3A_188 = tpu.memref_slice %arg8[%dma_wait3A_183, %dma_wait3A_187] : memref<40x128xi32, #tpu.memory_space<vmem>> -> memref<1x128xi32, #tpu.memory_space<vmem>>
    %dma_wait3A_189 = tpu.memref_squeeze %dma_wait3A_188 : memref<1x128xi32, #tpu.memory_space<vmem>> -> memref<128xi32, #tpu.memory_space<vmem>>
    %dma_wait3A_190 = arith.constant 0 : i32
    %dma_wait3A_191 = arith.constant 0 : i32
    %dma_wait3A_192 = tpu.memref_slice %arg12[%dma_wait3A_190, %dma_wait3A_191] : memref<10240x16xf32, #tpu.memory_space<vmem_shared>> -> memref<10240x16xf32, #tpu.memory_space<vmem_shared>>
    tpu.wait_indirect_dma semaphore(%arg14 : memref<!tpu.dma_semaphore, #tpu.memory_space<semaphore_mem>>) src(%dma_wait3A_186 : memref<128x16xf32, #tpu.memory_space<vmem>>) dst(%dma_wait3A_192 : memref<10240x16xf32, #tpu.memory_space<vmem_shared>>)
    %dma_wait3A_193 = arith.constant 34 : i32
    %dma_wait3A_194 = arith.constant 0 : i32
    %dma_wait3A_195 = tpu.memref_slice %arg8[%dma_wait3A_193, %dma_wait3A_194] : memref<40x128xi32, #tpu.memory_space<vmem>> -> memref<1x128xi32, #tpu.memory_space<vmem>>
    %dma_wait3A_196 = tpu.memref_squeeze %dma_wait3A_195 : memref<1x128xi32, #tpu.memory_space<vmem>> -> memref<128xi32, #tpu.memory_space<vmem>>
    %dma_wait3A_197 = arith.constant 0 : i32
    %dma_wait3A_198 = arith.constant 0 : i32
    %dma_wait3A_199 = tpu.memref_slice %arg13[%dma_wait3A_197, %dma_wait3A_198] : memref<10240x16xf32, #tpu.memory_space<vmem_shared>> -> memref<10240x16xf32, #tpu.memory_space<vmem_shared>>
    tpu.wait_indirect_dma semaphore(%arg14 : memref<!tpu.dma_semaphore, #tpu.memory_space<semaphore_mem>>) src(%arg10 : memref<128x16xf32, #tpu.memory_space<vmem>>) dst(%dma_wait3A_199 : memref<10240x16xf32, #tpu.memory_space<vmem_shared>>)
    %dma_wait3A_200 = arith.constant 35 : i32
    %dma_wait3A_201 = arith.constant 4480 : i32
    %dma_wait3A_202 = arith.constant 0 : i32
    %dma_wait3A_203 = tpu.memref_slice %arg9[%dma_wait3A_201, %dma_wait3A_202] : memref<5120x16xf32, #tpu.memory_space<vmem>> -> memref<128x16xf32, #tpu.memory_space<vmem>>
    %dma_wait3A_204 = arith.constant 0 : i32
    %dma_wait3A_205 = tpu.memref_slice %arg8[%dma_wait3A_200, %dma_wait3A_204] : memref<40x128xi32, #tpu.memory_space<vmem>> -> memref<1x128xi32, #tpu.memory_space<vmem>>
    %dma_wait3A_206 = tpu.memref_squeeze %dma_wait3A_205 : memref<1x128xi32, #tpu.memory_space<vmem>> -> memref<128xi32, #tpu.memory_space<vmem>>
    %dma_wait3A_207 = arith.constant 0 : i32
    %dma_wait3A_208 = arith.constant 0 : i32
    %dma_wait3A_209 = tpu.memref_slice %arg12[%dma_wait3A_207, %dma_wait3A_208] : memref<10240x16xf32, #tpu.memory_space<vmem_shared>> -> memref<10240x16xf32, #tpu.memory_space<vmem_shared>>
    tpu.wait_indirect_dma semaphore(%arg14 : memref<!tpu.dma_semaphore, #tpu.memory_space<semaphore_mem>>) src(%dma_wait3A_203 : memref<128x16xf32, #tpu.memory_space<vmem>>) dst(%dma_wait3A_209 : memref<10240x16xf32, #tpu.memory_space<vmem_shared>>)
    %dma_wait3A_210 = arith.constant 35 : i32
    %dma_wait3A_211 = arith.constant 0 : i32
    %dma_wait3A_212 = tpu.memref_slice %arg8[%dma_wait3A_210, %dma_wait3A_211] : memref<40x128xi32, #tpu.memory_space<vmem>> -> memref<1x128xi32, #tpu.memory_space<vmem>>
    %dma_wait3A_213 = tpu.memref_squeeze %dma_wait3A_212 : memref<1x128xi32, #tpu.memory_space<vmem>> -> memref<128xi32, #tpu.memory_space<vmem>>
    %dma_wait3A_214 = arith.constant 0 : i32
    %dma_wait3A_215 = arith.constant 0 : i32
    %dma_wait3A_216 = tpu.memref_slice %arg13[%dma_wait3A_214, %dma_wait3A_215] : memref<10240x16xf32, #tpu.memory_space<vmem_shared>> -> memref<10240x16xf32, #tpu.memory_space<vmem_shared>>
    tpu.wait_indirect_dma semaphore(%arg14 : memref<!tpu.dma_semaphore, #tpu.memory_space<semaphore_mem>>) src(%arg10 : memref<128x16xf32, #tpu.memory_space<vmem>>) dst(%dma_wait3A_216 : memref<10240x16xf32, #tpu.memory_space<vmem_shared>>)
    %dma_wait3A_217 = arith.constant 36 : i32
    %dma_wait3A_218 = arith.constant 4608 : i32
    %dma_wait3A_219 = arith.constant 0 : i32
    %dma_wait3A_220 = tpu.memref_slice %arg9[%dma_wait3A_218, %dma_wait3A_219] : memref<5120x16xf32, #tpu.memory_space<vmem>> -> memref<128x16xf32, #tpu.memory_space<vmem>>
    %dma_wait3A_221 = arith.constant 0 : i32
    %dma_wait3A_222 = tpu.memref_slice %arg8[%dma_wait3A_217, %dma_wait3A_221] : memref<40x128xi32, #tpu.memory_space<vmem>> -> memref<1x128xi32, #tpu.memory_space<vmem>>
    %dma_wait3A_223 = tpu.memref_squeeze %dma_wait3A_222 : memref<1x128xi32, #tpu.memory_space<vmem>> -> memref<128xi32, #tpu.memory_space<vmem>>
    %dma_wait3A_224 = arith.constant 0 : i32
    %dma_wait3A_225 = arith.constant 0 : i32
    %dma_wait3A_226 = tpu.memref_slice %arg12[%dma_wait3A_224, %dma_wait3A_225] : memref<10240x16xf32, #tpu.memory_space<vmem_shared>> -> memref<10240x16xf32, #tpu.memory_space<vmem_shared>>
    tpu.wait_indirect_dma semaphore(%arg14 : memref<!tpu.dma_semaphore, #tpu.memory_space<semaphore_mem>>) src(%dma_wait3A_220 : memref<128x16xf32, #tpu.memory_space<vmem>>) dst(%dma_wait3A_226 : memref<10240x16xf32, #tpu.memory_space<vmem_shared>>)
    %dma_wait3A_227 = arith.constant 36 : i32
    %dma_wait3A_228 = arith.constant 0 : i32
    %dma_wait3A_229 = tpu.memref_slice %arg8[%dma_wait3A_227, %dma_wait3A_228] : memref<40x128xi32, #tpu.memory_space<vmem>> -> memref<1x128xi32, #tpu.memory_space<vmem>>
    %dma_wait3A_230 = tpu.memref_squeeze %dma_wait3A_229 : memref<1x128xi32, #tpu.memory_space<vmem>> -> memref<128xi32, #tpu.memory_space<vmem>>
    %dma_wait3A_231 = arith.constant 0 : i32
    %dma_wait3A_232 = arith.constant 0 : i32
    %dma_wait3A_233 = tpu.memref_slice %arg13[%dma_wait3A_231, %dma_wait3A_232] : memref<10240x16xf32, #tpu.memory_space<vmem_shared>> -> memref<10240x16xf32, #tpu.memory_space<vmem_shared>>
    tpu.wait_indirect_dma semaphore(%arg14 : memref<!tpu.dma_semaphore, #tpu.memory_space<semaphore_mem>>) src(%arg10 : memref<128x16xf32, #tpu.memory_space<vmem>>) dst(%dma_wait3A_233 : memref<10240x16xf32, #tpu.memory_space<vmem_shared>>)
    %dma_wait3A_234 = arith.constant 37 : i32
    %dma_wait3A_235 = arith.constant 4736 : i32
    %dma_wait3A_236 = arith.constant 0 : i32
    %dma_wait3A_237 = tpu.memref_slice %arg9[%dma_wait3A_235, %dma_wait3A_236] : memref<5120x16xf32, #tpu.memory_space<vmem>> -> memref<128x16xf32, #tpu.memory_space<vmem>>
    %dma_wait3A_238 = arith.constant 0 : i32
    %dma_wait3A_239 = tpu.memref_slice %arg8[%dma_wait3A_234, %dma_wait3A_238] : memref<40x128xi32, #tpu.memory_space<vmem>> -> memref<1x128xi32, #tpu.memory_space<vmem>>
    %dma_wait3A_240 = tpu.memref_squeeze %dma_wait3A_239 : memref<1x128xi32, #tpu.memory_space<vmem>> -> memref<128xi32, #tpu.memory_space<vmem>>
    %dma_wait3A_241 = arith.constant 0 : i32
    %dma_wait3A_242 = arith.constant 0 : i32
    %dma_wait3A_243 = tpu.memref_slice %arg12[%dma_wait3A_241, %dma_wait3A_242] : memref<10240x16xf32, #tpu.memory_space<vmem_shared>> -> memref<10240x16xf32, #tpu.memory_space<vmem_shared>>
    tpu.wait_indirect_dma semaphore(%arg14 : memref<!tpu.dma_semaphore, #tpu.memory_space<semaphore_mem>>) src(%dma_wait3A_237 : memref<128x16xf32, #tpu.memory_space<vmem>>) dst(%dma_wait3A_243 : memref<10240x16xf32, #tpu.memory_space<vmem_shared>>)
    %dma_wait3A_244 = arith.constant 37 : i32
    %dma_wait3A_245 = arith.constant 0 : i32
    %dma_wait3A_246 = tpu.memref_slice %arg8[%dma_wait3A_244, %dma_wait3A_245] : memref<40x128xi32, #tpu.memory_space<vmem>> -> memref<1x128xi32, #tpu.memory_space<vmem>>
    %dma_wait3A_247 = tpu.memref_squeeze %dma_wait3A_246 : memref<1x128xi32, #tpu.memory_space<vmem>> -> memref<128xi32, #tpu.memory_space<vmem>>
    %dma_wait3A_248 = arith.constant 0 : i32
    %dma_wait3A_249 = arith.constant 0 : i32
    %dma_wait3A_250 = tpu.memref_slice %arg13[%dma_wait3A_248, %dma_wait3A_249] : memref<10240x16xf32, #tpu.memory_space<vmem_shared>> -> memref<10240x16xf32, #tpu.memory_space<vmem_shared>>
    tpu.wait_indirect_dma semaphore(%arg14 : memref<!tpu.dma_semaphore, #tpu.memory_space<semaphore_mem>>) src(%arg10 : memref<128x16xf32, #tpu.memory_space<vmem>>) dst(%dma_wait3A_250 : memref<10240x16xf32, #tpu.memory_space<vmem_shared>>)
    %dma_wait3A_251 = arith.constant 38 : i32
    %dma_wait3A_252 = arith.constant 4864 : i32
    %dma_wait3A_253 = arith.constant 0 : i32
    %dma_wait3A_254 = tpu.memref_slice %arg9[%dma_wait3A_252, %dma_wait3A_253] : memref<5120x16xf32, #tpu.memory_space<vmem>> -> memref<128x16xf32, #tpu.memory_space<vmem>>
    %dma_wait3A_255 = arith.constant 0 : i32
    %dma_wait3A_256 = tpu.memref_slice %arg8[%dma_wait3A_251, %dma_wait3A_255] : memref<40x128xi32, #tpu.memory_space<vmem>> -> memref<1x128xi32, #tpu.memory_space<vmem>>
    %dma_wait3A_257 = tpu.memref_squeeze %dma_wait3A_256 : memref<1x128xi32, #tpu.memory_space<vmem>> -> memref<128xi32, #tpu.memory_space<vmem>>
    %dma_wait3A_258 = arith.constant 0 : i32
    %dma_wait3A_259 = arith.constant 0 : i32
    %dma_wait3A_260 = tpu.memref_slice %arg12[%dma_wait3A_258, %dma_wait3A_259] : memref<10240x16xf32, #tpu.memory_space<vmem_shared>> -> memref<10240x16xf32, #tpu.memory_space<vmem_shared>>
    tpu.wait_indirect_dma semaphore(%arg14 : memref<!tpu.dma_semaphore, #tpu.memory_space<semaphore_mem>>) src(%dma_wait3A_254 : memref<128x16xf32, #tpu.memory_space<vmem>>) dst(%dma_wait3A_260 : memref<10240x16xf32, #tpu.memory_space<vmem_shared>>)
    %dma_wait3A_261 = arith.constant 38 : i32
    %dma_wait3A_262 = arith.constant 0 : i32
    %dma_wait3A_263 = tpu.memref_slice %arg8[%dma_wait3A_261, %dma_wait3A_262] : memref<40x128xi32, #tpu.memory_space<vmem>> -> memref<1x128xi32, #tpu.memory_space<vmem>>
    %dma_wait3A_264 = tpu.memref_squeeze %dma_wait3A_263 : memref<1x128xi32, #tpu.memory_space<vmem>> -> memref<128xi32, #tpu.memory_space<vmem>>
    %dma_wait3A_265 = arith.constant 0 : i32
    %dma_wait3A_266 = arith.constant 0 : i32
    %dma_wait3A_267 = tpu.memref_slice %arg13[%dma_wait3A_265, %dma_wait3A_266] : memref<10240x16xf32, #tpu.memory_space<vmem_shared>> -> memref<10240x16xf32, #tpu.memory_space<vmem_shared>>
    tpu.wait_indirect_dma semaphore(%arg14 : memref<!tpu.dma_semaphore, #tpu.memory_space<semaphore_mem>>) src(%arg10 : memref<128x16xf32, #tpu.memory_space<vmem>>) dst(%dma_wait3A_267 : memref<10240x16xf32, #tpu.memory_space<vmem_shared>>)
    %lt3A_268 = arith.constant 2 : i32
    %lt3A_269 = arith.cmpi slt, %add3A, %lt3A_268 : i32
    %convert_element_type3A_270 = arith.extui %lt3A_269 : i1 to i32
    %cond3A_271 = arith.constant 0 : i32
    %cond3A_272 = arith.cmpi ne, %convert_element_type3A_270, %cond3A_271 : i32
    scf.if %cond3A_272 {
      %dma_start3A_293 = arith.constant 39 : i32
      %dma_start3A_294 = arith.constant 4992 : i32
      %dma_start3A_295 = arith.constant 0 : i32
      %dma_start3A_296 = tpu.memref_slice %arg9[%dma_start3A_294, %dma_start3A_295] : memref<5120x16xf32, #tpu.memory_space<vmem>> -> memref<128x16xf32, #tpu.memory_space<vmem>>
      %dma_start3A_297 = arith.constant 0 : i32
      %dma_start3A_298 = tpu.memref_slice %arg8[%dma_start3A_293, %dma_start3A_297] : memref<40x128xi32, #tpu.memory_space<vmem>> -> memref<1x128xi32, #tpu.memory_space<vmem>>
      %dma_start3A_299 = tpu.memref_squeeze %dma_start3A_298 : memref<1x128xi32, #tpu.memory_space<vmem>> -> memref<128xi32, #tpu.memory_space<vmem>>
      %dma_start3A_300 = arith.constant 0 : i32
      %dma_start3A_301 = arith.constant 0 : i32
      %dma_start3A_302 = tpu.memref_slice %arg12[%dma_start3A_300, %dma_start3A_301] : memref<10240x16xf32, #tpu.memory_space<vmem_shared>> -> memref<10240x16xf32, #tpu.memory_space<vmem_shared>>
      tpu.enqueue_indirect_dma source(%dma_start3A_296 : memref<128x16xf32, #tpu.memory_space<vmem>>) target(%dma_start3A_302 : memref<10240x16xf32, #tpu.memory_space<vmem_shared>>) offsets(%dma_start3A_299 : memref<128xi32, #tpu.memory_space<vmem>>) semaphore(%arg14 : memref<!tpu.dma_semaphore, #tpu.memory_space<semaphore_mem>>) {add = true}
      %dma_wait3A_303 = arith.constant 39 : i32
      %dma_wait3A_304 = arith.constant 4992 : i32
      %dma_wait3A_305 = arith.constant 0 : i32
      %dma_wait3A_306 = tpu.memref_slice %arg9[%dma_wait3A_304, %dma_wait3A_305] : memref<5120x16xf32, #tpu.memory_space<vmem>> -> memref<128x16xf32, #tpu.memory_space<vmem>>
      %dma_wait3A_307 = arith.constant 0 : i32
      %dma_wait3A_308 = tpu.memref_slice %arg8[%dma_wait3A_303, %dma_wait3A_307] : memref<40x128xi32, #tpu.memory_space<vmem>> -> memref<1x128xi32, #tpu.memory_space<vmem>>
      %dma_wait3A_309 = tpu.memref_squeeze %dma_wait3A_308 : memref<1x128xi32, #tpu.memory_space<vmem>> -> memref<128xi32, #tpu.memory_space<vmem>>
      %dma_wait3A_310 = arith.constant 0 : i32
      %dma_wait3A_311 = arith.constant 0 : i32
      %dma_wait3A_312 = tpu.memref_slice %arg12[%dma_wait3A_310, %dma_wait3A_311] : memref<10240x16xf32, #tpu.memory_space<vmem_shared>> -> memref<10240x16xf32, #tpu.memory_space<vmem_shared>>
      tpu.wait_indirect_dma semaphore(%arg14 : memref<!tpu.dma_semaphore, #tpu.memory_space<semaphore_mem>>) src(%dma_wait3A_306 : memref<128x16xf32, #tpu.memory_space<vmem>>) dst(%dma_wait3A_312 : memref<10240x16xf32, #tpu.memory_space<vmem_shared>>)
      %dma_start3A_313 = arith.constant 39 : i32
      %dma_start3A_314 = arith.constant 0 : i32
      %dma_start3A_315 = tpu.memref_slice %arg8[%dma_start3A_313, %dma_start3A_314] : memref<40x128xi32, #tpu.memory_space<vmem>> -> memref<1x128xi32, #tpu.memory_space<vmem>>
      %dma_start3A_316 = tpu.memref_squeeze %dma_start3A_315 : memref<1x128xi32, #tpu.memory_space<vmem>> -> memref<128xi32, #tpu.memory_space<vmem>>
      %dma_start3A_317 = arith.constant 0 : i32
      %dma_start3A_318 = arith.constant 0 : i32
      %dma_start3A_319 = tpu.memref_slice %arg13[%dma_start3A_317, %dma_start3A_318] : memref<10240x16xf32, #tpu.memory_space<vmem_shared>> -> memref<10240x16xf32, #tpu.memory_space<vmem_shared>>
      tpu.enqueue_indirect_dma source(%arg10 : memref<128x16xf32, #tpu.memory_space<vmem>>) target(%dma_start3A_319 : memref<10240x16xf32, #tpu.memory_space<vmem_shared>>) offsets(%dma_start3A_316 : memref<128xi32, #tpu.memory_space<vmem>>) semaphore(%arg14 : memref<!tpu.dma_semaphore, #tpu.memory_space<semaphore_mem>>) {add = true}
      %dma_wait3A_320 = arith.constant 39 : i32
      %dma_wait3A_321 = arith.constant 0 : i32
      %dma_wait3A_322 = tpu.memref_slice %arg8[%dma_wait3A_320, %dma_wait3A_321] : memref<40x128xi32, #tpu.memory_space<vmem>> -> memref<1x128xi32, #tpu.memory_space<vmem>>
      %dma_wait3A_323 = tpu.memref_squeeze %dma_wait3A_322 : memref<1x128xi32, #tpu.memory_space<vmem>> -> memref<128xi32, #tpu.memory_space<vmem>>
      %dma_wait3A_324 = arith.constant 0 : i32
      %dma_wait3A_325 = arith.constant 0 : i32
      %dma_wait3A_326 = tpu.memref_slice %arg13[%dma_wait3A_324, %dma_wait3A_325] : memref<10240x16xf32, #tpu.memory_space<vmem_shared>> -> memref<10240x16xf32, #tpu.memory_space<vmem_shared>>
      tpu.wait_indirect_dma semaphore(%arg14 : memref<!tpu.dma_semaphore, #tpu.memory_space<semaphore_mem>>) src(%arg10 : memref<128x16xf32, #tpu.memory_space<vmem>>) dst(%dma_wait3A_326 : memref<10240x16xf32, #tpu.memory_space<vmem_shared>>)
    } else {
    }
    %barrier3A_273 = arith.constant 0 : index
    tpu.barrier barrier_id(%barrier3A_273)
    "tpu.region"() ({
      %run_scoped3A_293 = tpu.sem_alloc : memref<!tpu.dma_semaphore, #tpu.memory_space<semaphore_mem>>
      %dma_start3A_294 = arith.constant 0 : i32
      %dma_start3A_295 = tpu.memref_slice %arg12[%mul3A_20, %dma_start3A_294] : memref<10240x16xf32, #tpu.memory_space<vmem_shared>> -> memref<640x16xf32, #tpu.memory_space<vmem_shared>>
      %dma_start3A_296 = arith.constant 0 : i32
      %dma_start3A_297 = tpu.memref_slice %arg12[%mul3A_20, %dma_start3A_296] : memref<10240x16xf32, #tpu.memory_space<vmem_shared>> -> memref<640x16xf32, #tpu.memory_space<vmem_shared>>
      tpu.enqueue_dma source(%dma_start3A_297 : memref<640x16xf32, #tpu.memory_space<vmem_shared>>) target(%arg11 : memref<640x16xf32, #tpu.memory_space<vmem>>) target_semaphore(%run_scoped3A_293 : memref<!tpu.dma_semaphore, #tpu.memory_space<semaphore_mem>>)
      %dma_wait3A_298 = arith.constant 0 : i32
      %dma_wait3A_299 = tpu.memref_slice %arg12[%mul3A_20, %dma_wait3A_298] : memref<10240x16xf32, #tpu.memory_space<vmem_shared>> -> memref<640x16xf32, #tpu.memory_space<vmem_shared>>
      %dma_wait3A_300 = arith.constant 0 : i32
      %dma_wait3A_301 = tpu.memref_slice %arg12[%mul3A_20, %dma_wait3A_300] : memref<10240x16xf32, #tpu.memory_space<vmem_shared>> -> memref<640x16xf32, #tpu.memory_space<vmem_shared>>
      tpu.wait_dma2 semaphore(%run_scoped3A_293 : memref<!tpu.dma_semaphore, #tpu.memory_space<semaphore_mem>>) src(%dma_wait3A_301 : memref<640x16xf32, #tpu.memory_space<vmem_shared>>) dst(%arg11 : memref<640x16xf32, #tpu.memory_space<vmem>>)
      tpu.yield
    }) : () -> ()
    %eq3A = arith.constant 0 : i32
    %eq3A_274 = arith.cmpi eq, %arg0, %eq3A : i32
    %convert_element_type3A_275 = arith.extui %eq3A_274 : i1 to i32
    %cond3A_276 = arith.constant 0 : i32
    %cond3A_277 = arith.cmpi ne, %convert_element_type3A_275, %cond3A_276 : i32
    scf.if %cond3A_277 {
      "tpu.region"() ({
        %run_scoped3A_293 = tpu.sem_alloc : memref<!tpu.dma_semaphore, #tpu.memory_space<semaphore_mem>>
        %dma_start3A_294 = arith.constant 0 : i32
        %dma_start3A_295 = tpu.memref_slice %arg4[%mul3A_20, %dma_start3A_294] : memref<10240x16xf32, #tpu.memory_space<hbm>> -> memref<640x16xf32, #tpu.memory_space<hbm>>
        %dma_start3A_296 = arith.constant 0 : i32
        %dma_start3A_297 = tpu.memref_slice %arg4[%mul3A_20, %dma_start3A_296] : memref<10240x16xf32, #tpu.memory_space<hbm>> -> memref<640x16xf32, #tpu.memory_space<hbm>>
        tpu.enqueue_dma source(%arg11 : memref<640x16xf32, #tpu.memory_space<vmem>>) target(%dma_start3A_297 : memref<640x16xf32, #tpu.memory_space<hbm>>) target_semaphore(%run_scoped3A_293 : memref<!tpu.dma_semaphore, #tpu.memory_space<semaphore_mem>>)
        %dma_wait3A_298 = arith.constant 0 : i32
        %dma_wait3A_299 = tpu.memref_slice %arg4[%mul3A_20, %dma_wait3A_298] : memref<10240x16xf32, #tpu.memory_space<hbm>> -> memref<640x16xf32, #tpu.memory_space<hbm>>
        %dma_wait3A_300 = arith.constant 0 : i32
        %dma_wait3A_301 = tpu.memref_slice %arg4[%mul3A_20, %dma_wait3A_300] : memref<10240x16xf32, #tpu.memory_space<hbm>> -> memref<640x16xf32, #tpu.memory_space<hbm>>
        tpu.wait_dma2 semaphore(%run_scoped3A_293 : memref<!tpu.dma_semaphore, #tpu.memory_space<semaphore_mem>>) src(%arg11 : memref<640x16xf32, #tpu.memory_space<vmem>>) dst(%dma_wait3A_301 : memref<640x16xf32, #tpu.memory_space<hbm>>)
        tpu.yield
      }) : () -> ()
    } else {
    }
    %eq3A_278 = arith.constant 1 : i32
    %eq3A_279 = arith.cmpi eq, %arg0, %eq3A_278 : i32
    %convert_element_type3A_280 = arith.extui %eq3A_279 : i1 to i32
    %cond3A_281 = arith.constant 0 : i32
    %cond3A_282 = arith.cmpi ne, %convert_element_type3A_280, %cond3A_281 : i32
    scf.if %cond3A_282 {
      "tpu.region"() ({
        %run_scoped3A_293 = tpu.sem_alloc : memref<!tpu.dma_semaphore, #tpu.memory_space<semaphore_mem>>
        %dma_start3A_294 = arith.constant 0 : i32
        %dma_start3A_295 = tpu.memref_slice %arg5[%mul3A_20, %dma_start3A_294] : memref<10240x16xf32, #tpu.memory_space<hbm>> -> memref<640x16xf32, #tpu.memory_space<hbm>>
        %dma_start3A_296 = arith.constant 0 : i32
        %dma_start3A_297 = tpu.memref_slice %arg5[%mul3A_20, %dma_start3A_296] : memref<10240x16xf32, #tpu.memory_space<hbm>> -> memref<640x16xf32, #tpu.memory_space<hbm>>
        tpu.enqueue_dma source(%arg11 : memref<640x16xf32, #tpu.memory_space<vmem>>) target(%dma_start3A_297 : memref<640x16xf32, #tpu.memory_space<hbm>>) target_semaphore(%run_scoped3A_293 : memref<!tpu.dma_semaphore, #tpu.memory_space<semaphore_mem>>)
        %dma_wait3A_298 = arith.constant 0 : i32
        %dma_wait3A_299 = tpu.memref_slice %arg5[%mul3A_20, %dma_wait3A_298] : memref<10240x16xf32, #tpu.memory_space<hbm>> -> memref<640x16xf32, #tpu.memory_space<hbm>>
        %dma_wait3A_300 = arith.constant 0 : i32
        %dma_wait3A_301 = tpu.memref_slice %arg5[%mul3A_20, %dma_wait3A_300] : memref<10240x16xf32, #tpu.memory_space<hbm>> -> memref<640x16xf32, #tpu.memory_space<hbm>>
        tpu.wait_dma2 semaphore(%run_scoped3A_293 : memref<!tpu.dma_semaphore, #tpu.memory_space<semaphore_mem>>) src(%arg11 : memref<640x16xf32, #tpu.memory_space<vmem>>) dst(%dma_wait3A_301 : memref<640x16xf32, #tpu.memory_space<hbm>>)
        tpu.yield
      }) : () -> ()
    } else {
    }
    "tpu.region"() ({
      %run_scoped3A_293 = tpu.sem_alloc : memref<!tpu.dma_semaphore, #tpu.memory_space<semaphore_mem>>
      %dma_start3A_294 = arith.constant 0 : i32
      %dma_start3A_295 = tpu.memref_slice %arg13[%mul3A_20, %dma_start3A_294] : memref<10240x16xf32, #tpu.memory_space<vmem_shared>> -> memref<640x16xf32, #tpu.memory_space<vmem_shared>>
      %dma_start3A_296 = arith.constant 0 : i32
      %dma_start3A_297 = tpu.memref_slice %arg13[%mul3A_20, %dma_start3A_296] : memref<10240x16xf32, #tpu.memory_space<vmem_shared>> -> memref<640x16xf32, #tpu.memory_space<vmem_shared>>
      tpu.enqueue_dma source(%dma_start3A_297 : memref<640x16xf32, #tpu.memory_space<vmem_shared>>) target(%arg11 : memref<640x16xf32, #tpu.memory_space<vmem>>) target_semaphore(%run_scoped3A_293 : memref<!tpu.dma_semaphore, #tpu.memory_space<semaphore_mem>>)
      %dma_wait3A_298 = arith.constant 0 : i32
      %dma_wait3A_299 = tpu.memref_slice %arg13[%mul3A_20, %dma_wait3A_298] : memref<10240x16xf32, #tpu.memory_space<vmem_shared>> -> memref<640x16xf32, #tpu.memory_space<vmem_shared>>
      %dma_wait3A_300 = arith.constant 0 : i32
      %dma_wait3A_301 = tpu.memref_slice %arg13[%mul3A_20, %dma_wait3A_300] : memref<10240x16xf32, #tpu.memory_space<vmem_shared>> -> memref<640x16xf32, #tpu.memory_space<vmem_shared>>
      tpu.wait_dma2 semaphore(%run_scoped3A_293 : memref<!tpu.dma_semaphore, #tpu.memory_space<semaphore_mem>>) src(%dma_wait3A_301 : memref<640x16xf32, #tpu.memory_space<vmem_shared>>) dst(%arg11 : memref<640x16xf32, #tpu.memory_space<vmem>>)
      tpu.yield
    }) : () -> ()
    %eq3A_283 = arith.constant 0 : i32
    %eq3A_284 = arith.cmpi eq, %arg0, %eq3A_283 : i32
    %convert_element_type3A_285 = arith.extui %eq3A_284 : i1 to i32
    %cond3A_286 = arith.constant 0 : i32
    %cond3A_287 = arith.cmpi ne, %convert_element_type3A_285, %cond3A_286 : i32
    scf.if %cond3A_287 {
      "tpu.region"() ({
        %run_scoped3A_293 = tpu.sem_alloc : memref<!tpu.dma_semaphore, #tpu.memory_space<semaphore_mem>>
        %dma_start3A_294 = arith.constant 0 : i32
        %dma_start3A_295 = tpu.memref_slice %arg6[%mul3A_20, %dma_start3A_294] : memref<10240x16xf32, #tpu.memory_space<hbm>> -> memref<640x16xf32, #tpu.memory_space<hbm>>
        %dma_start3A_296 = arith.constant 0 : i32
        %dma_start3A_297 = tpu.memref_slice %arg6[%mul3A_20, %dma_start3A_296] : memref<10240x16xf32, #tpu.memory_space<hbm>> -> memref<640x16xf32, #tpu.memory_space<hbm>>
        tpu.enqueue_dma source(%arg11 : memref<640x16xf32, #tpu.memory_space<vmem>>) target(%dma_start3A_297 : memref<640x16xf32, #tpu.memory_space<hbm>>) target_semaphore(%run_scoped3A_293 : memref<!tpu.dma_semaphore, #tpu.memory_space<semaphore_mem>>)
        %dma_wait3A_298 = arith.constant 0 : i32
        %dma_wait3A_299 = tpu.memref_slice %arg6[%mul3A_20, %dma_wait3A_298] : memref<10240x16xf32, #tpu.memory_space<hbm>> -> memref<640x16xf32, #tpu.memory_space<hbm>>
        %dma_wait3A_300 = arith.constant 0 : i32
        %dma_wait3A_301 = tpu.memref_slice %arg6[%mul3A_20, %dma_wait3A_300] : memref<10240x16xf32, #tpu.memory_space<hbm>> -> memref<640x16xf32, #tpu.memory_space<hbm>>
        tpu.wait_dma2 semaphore(%run_scoped3A_293 : memref<!tpu.dma_semaphore, #tpu.memory_space<semaphore_mem>>) src(%arg11 : memref<640x16xf32, #tpu.memory_space<vmem>>) dst(%dma_wait3A_301 : memref<640x16xf32, #tpu.memory_space<hbm>>)
        tpu.yield
      }) : () -> ()
    } else {
    }
    %eq3A_288 = arith.constant 1 : i32
    %eq3A_289 = arith.cmpi eq, %arg0, %eq3A_288 : i32
    %convert_element_type3A_290 = arith.extui %eq3A_289 : i1 to i32
    %cond3A_291 = arith.constant 0 : i32
    %cond3A_292 = arith.cmpi ne, %convert_element_type3A_290, %cond3A_291 : i32
    scf.if %cond3A_292 {
      "tpu.region"() ({
        %run_scoped3A_293 = tpu.sem_alloc : memref<!tpu.dma_semaphore, #tpu.memory_space<semaphore_mem>>
        %dma_start3A_294 = arith.constant 0 : i32
        %dma_start3A_295 = tpu.memref_slice %arg7[%mul3A_20, %dma_start3A_294] : memref<10240x16xf32, #tpu.memory_space<hbm>> -> memref<640x16xf32, #tpu.memory_space<hbm>>
        %dma_start3A_296 = arith.constant 0 : i32
        %dma_start3A_297 = tpu.memref_slice %arg7[%mul3A_20, %dma_start3A_296] : memref<10240x16xf32, #tpu.memory_space<hbm>> -> memref<640x16xf32, #tpu.memory_space<hbm>>
        tpu.enqueue_dma source(%arg11 : memref<640x16xf32, #tpu.memory_space<vmem>>) target(%dma_start3A_297 : memref<640x16xf32, #tpu.memory_space<hbm>>) target_semaphore(%run_scoped3A_293 : memref<!tpu.dma_semaphore, #tpu.memory_space<semaphore_mem>>)
        %dma_wait3A_298 = arith.constant 0 : i32
        %dma_wait3A_299 = tpu.memref_slice %arg7[%mul3A_20, %dma_wait3A_298] : memref<10240x16xf32, #tpu.memory_space<hbm>> -> memref<640x16xf32, #tpu.memory_space<hbm>>
        %dma_wait3A_300 = arith.constant 0 : i32
        %dma_wait3A_301 = tpu.memref_slice %arg7[%mul3A_20, %dma_wait3A_300] : memref<10240x16xf32, #tpu.memory_space<hbm>> -> memref<640x16xf32, #tpu.memory_space<hbm>>
        tpu.wait_dma2 semaphore(%run_scoped3A_293 : memref<!tpu.dma_semaphore, #tpu.memory_space<semaphore_mem>>) src(%arg11 : memref<640x16xf32, #tpu.memory_space<vmem>>) dst(%dma_wait3A_301 : memref<640x16xf32, #tpu.memory_space<hbm>>)
        tpu.yield
      }) : () -> ()
    } else {
    }
    return
  }
}

module attributes {stable_mosaic.version = 14 : i64} {
  func.func @body(%arg0: i32, %arg1: memref<2000x128xf32, #tpu.memory_space<vmem>>, %arg2: memref<2000x16xf32, #tpu.memory_space<vmem>>, %arg3: memref<2000x128xf32, #tpu.memory_space<vmem>>, %arg4: memref<128x256xf32, #tpu.memory_space<vmem>>, %arg5: memref<16x256xf32, #tpu.memory_space<vmem>>, %arg6: memref<1x256xf32, #tpu.memory_space<vmem>>, %arg7: memref<1x256xf32, #tpu.memory_space<vmem>>, %arg8: memref<1x256xf32, #tpu.memory_space<vmem>>, %arg9: memref<256x256xf32, #tpu.memory_space<vmem>>, %arg10: memref<1x256xf32, #tpu.memory_space<vmem>>, %arg11: memref<1x256xf32, #tpu.memory_space<vmem>>, %arg12: memref<1x256xf32, #tpu.memory_space<vmem>>, %arg13: memref<256x2048xf32, #tpu.memory_space<vmem>>, %arg14: memref<1x2048xf32, #tpu.memory_space<vmem>>, %arg15: memref<128x2048xf32, #tpu.memory_space<vmem>>, %arg16: memref<256x16xf32, #tpu.memory_space<vmem>>, %arg17: memref<256x8xf32, #tpu.memory_space<vmem>>, %arg18: memref<8x256xf32, #tpu.memory_space<vmem>>, %arg19: memref<16x128xf32, #tpu.memory_space<vmem>>, %arg20: memref<2000x128xf32, #tpu.memory_space<vmem>>) attributes {dimension_semantics = [#tpu.dimension_semantics<arbitrary>], iteration_bounds = array<i64: 10>, scalar_prefetch = 0 : i64, scratch_operands = 0 : i64, tpu.core_type = #tpu.core_type<tc>, window_params = [{transform_indices = @transform_0, window_bounds = array<i64: 2000, 128>}, {transform_indices = @transform_1, window_bounds = array<i64: 2000, 16>}, {transform_indices = @transform_2, window_bounds = array<i64: 2000, 128>}, {pipeline_mode = #tpu.pipeline_mode<synchronous>, transform_indices = @transform_3, window_bounds = array<i64: 128, 256>}, {pipeline_mode = #tpu.pipeline_mode<synchronous>, transform_indices = @transform_4, window_bounds = array<i64: 16, 256>}, {pipeline_mode = #tpu.pipeline_mode<synchronous>, transform_indices = @transform_5, window_bounds = array<i64: 1, 256>}, {pipeline_mode = #tpu.pipeline_mode<synchronous>, transform_indices = @transform_6, window_bounds = array<i64: 1, 256>}, {pipeline_mode = #tpu.pipeline_mode<synchronous>, transform_indices = @transform_7, window_bounds = array<i64: 1, 256>}, {pipeline_mode = #tpu.pipeline_mode<synchronous>, transform_indices = @transform_8, window_bounds = array<i64: 256, 256>}, {pipeline_mode = #tpu.pipeline_mode<synchronous>, transform_indices = @transform_9, window_bounds = array<i64: 1, 256>}, {pipeline_mode = #tpu.pipeline_mode<synchronous>, transform_indices = @transform_10, window_bounds = array<i64: 1, 256>}, {pipeline_mode = #tpu.pipeline_mode<synchronous>, transform_indices = @transform_11, window_bounds = array<i64: 1, 256>}, {pipeline_mode = #tpu.pipeline_mode<synchronous>, transform_indices = @transform_12, window_bounds = array<i64: 256, 2048>}, {pipeline_mode = #tpu.pipeline_mode<synchronous>, transform_indices = @transform_13, window_bounds = array<i64: 1, 2048>}, {pipeline_mode = #tpu.pipeline_mode<synchronous>, transform_indices = @transform_14, window_bounds = array<i64: 128, 2048>}, {pipeline_mode = #tpu.pipeline_mode<synchronous>, transform_indices = @transform_15, window_bounds = array<i64: 256, 16>}, {pipeline_mode = #tpu.pipeline_mode<synchronous>, transform_indices = @transform_16, window_bounds = array<i64: 256, 8>}, {pipeline_mode = #tpu.pipeline_mode<synchronous>, transform_indices = @transform_17, window_bounds = array<i64: 8, 256>}, {pipeline_mode = #tpu.pipeline_mode<synchronous>, transform_indices = @transform_18, window_bounds = array<i64: 16, 128>}, {transform_indices = @transform_19, window_bounds = array<i64: 2000, 128>}]} {
    %get3A = arith.constant 0 : index
    %get3A_0 = arith.constant 0 : index
    %get3A_1 = vector.load %arg1[%get3A, %get3A_0] : memref<2000x128xf32, #tpu.memory_space<vmem>>, vector<2000x128xf32>
    %get3A_2 = arith.constant 0 : index
    %get3A_3 = arith.constant 0 : index
    %get3A_4 = vector.load %arg4[%get3A_2, %get3A_3] : memref<128x256xf32, #tpu.memory_space<vmem>>, vector<128x256xf32>
    %dot_general3A = arith.constant dense<0.000000e+00> : vector<2000x256xf32>
    %dot_general3A_5 = tpu.matmul %get3A_1, %get3A_4, %dot_general3A {dimension_numbers = #tpu.dot_dimension_numbers<[1], [0], [0], [1], [0, 0, 1, 1], [], []>, transpose_lhs_hint = false} : vector<2000x128xf32>, vector<128x256xf32>, vector<2000x256xf32> -> vector<2000x256xf32>
    %get3A_6 = arith.constant 0 : index
    %get3A_7 = arith.constant 0 : index
    %get3A_8 = vector.load %arg2[%get3A_6, %get3A_7] : memref<2000x16xf32, #tpu.memory_space<vmem>>, vector<2000x16xf32>
    %get3A_9 = arith.constant 0 : index
    %get3A_10 = arith.constant 0 : index
    %get3A_11 = vector.load %arg5[%get3A_9, %get3A_10] : memref<16x256xf32, #tpu.memory_space<vmem>>, vector<16x256xf32>
    %dot_general3A_12 = arith.constant dense<0.000000e+00> : vector<2000x256xf32>
    %dot_general3A_13 = tpu.matmul %get3A_8, %get3A_11, %dot_general3A_12 {dimension_numbers = #tpu.dot_dimension_numbers<[1], [0], [0], [1], [0, 0, 1, 1], [], []>, transpose_lhs_hint = false} : vector<2000x16xf32>, vector<16x256xf32>, vector<2000x256xf32> -> vector<2000x256xf32>
    %add3A = arith.addf %dot_general3A_5, %dot_general3A_13 : vector<2000x256xf32>
    %get3A_14 = arith.constant 0 : index
    %get3A_15 = arith.constant 0 : index
    %get3A_16 = vector.load %arg6[%get3A_14, %get3A_15] : memref<1x256xf32, #tpu.memory_space<vmem>>, vector<1x256xf32>
    %add3A_17 = vector.broadcast %get3A_16 : vector<1x256xf32> to vector<2000x256xf32>
    %add3A_18 = arith.addf %add3A, %add3A_17 : vector<2000x256xf32>
    %get3A_19 = arith.constant 0 : index
    %get3A_20 = arith.constant 0 : index
    %get3A_21 = vector.load %arg7[%get3A_19, %get3A_20] : memref<1x256xf32, #tpu.memory_space<vmem>>, vector<1x256xf32>
    %get3A_22 = arith.constant 0 : index
    %get3A_23 = arith.constant 0 : index
    %get3A_24 = vector.load %arg8[%get3A_22, %get3A_23] : memref<1x256xf32, #tpu.memory_space<vmem>>, vector<1x256xf32>
    %get3A_25 = arith.constant 0 : index
    %get3A_26 = arith.constant 0 : index
    %get3A_27 = vector.load %arg17[%get3A_25, %get3A_26] : memref<256x8xf32, #tpu.memory_space<vmem>>, vector<256x8xf32>
    %get3A_28 = arith.constant 0 : index
    %get3A_29 = arith.constant 0 : index
    %get3A_30 = vector.load %arg18[%get3A_28, %get3A_29] : memref<8x256xf32, #tpu.memory_space<vmem>>, vector<8x256xf32>
    %dot_general3A_31 = arith.constant dense<0.000000e+00> : vector<2000x8xf32>
    %dot_general3A_32 = tpu.matmul %add3A_18, %get3A_27, %dot_general3A_31 {dimension_numbers = #tpu.dot_dimension_numbers<[1], [0], [0], [1], [0, 0, 1, 1], [], []>, transpose_lhs_hint = false} : vector<2000x256xf32>, vector<256x8xf32>, vector<2000x8xf32> -> vector<2000x8xf32>
    %mul3A = arith.mulf %add3A_18, %add3A_18 : vector<2000x256xf32>
    %dot_general3A_33 = arith.constant dense<0.000000e+00> : vector<2000x8xf32>
    %dot_general3A_34 = tpu.matmul %mul3A, %get3A_27, %dot_general3A_33 {dimension_numbers = #tpu.dot_dimension_numbers<[1], [0], [0], [1], [0, 0, 1, 1], [], []>, transpose_lhs_hint = false} : vector<2000x256xf32>, vector<256x8xf32>, vector<2000x8xf32> -> vector<2000x8xf32>
    %mul3A_35 = arith.mulf %dot_general3A_32, %dot_general3A_32 : vector<2000x8xf32>
    %sub3A = arith.subf %dot_general3A_34, %mul3A_35 : vector<2000x8xf32>
    %add3A_36 = arith.constant 9.99999974E-6 : f32
    %add3A_37 = vector.broadcast %add3A_36 : f32 to vector<2000x8xf32>
    %add3A_38 = arith.addf %sub3A, %add3A_37 : vector<2000x8xf32>
    %rsqrt3A = math.rsqrt %add3A_38 : vector<2000x8xf32>
    %dot_general3A_39 = arith.constant dense<0.000000e+00> : vector<2000x256xf32>
    %dot_general3A_40 = tpu.matmul %rsqrt3A, %get3A_30, %dot_general3A_39 {dimension_numbers = #tpu.dot_dimension_numbers<[1], [0], [0], [1], [0, 0, 1, 1], [], []>, transpose_lhs_hint = false} : vector<2000x8xf32>, vector<8x256xf32>, vector<2000x256xf32> -> vector<2000x256xf32>
    %mul3A_41 = arith.mulf %dot_general3A_32, %rsqrt3A : vector<2000x8xf32>
    %dot_general3A_42 = arith.constant dense<0.000000e+00> : vector<2000x256xf32>
    %dot_general3A_43 = tpu.matmul %mul3A_41, %get3A_30, %dot_general3A_42 {dimension_numbers = #tpu.dot_dimension_numbers<[1], [0], [0], [1], [0, 0, 1, 1], [], []>, transpose_lhs_hint = false} : vector<2000x8xf32>, vector<8x256xf32>, vector<2000x256xf32> -> vector<2000x256xf32>
    %mul3A_44 = arith.mulf %add3A_18, %dot_general3A_40 : vector<2000x256xf32>
    %sub3A_45 = arith.subf %mul3A_44, %dot_general3A_43 : vector<2000x256xf32>
    %mul3A_46 = vector.broadcast %get3A_21 : vector<1x256xf32> to vector<2000x256xf32>
    %mul3A_47 = arith.mulf %sub3A_45, %mul3A_46 : vector<2000x256xf32>
    %add3A_48 = vector.broadcast %get3A_24 : vector<1x256xf32> to vector<2000x256xf32>
    %add3A_49 = arith.addf %mul3A_47, %add3A_48 : vector<2000x256xf32>
    %max3A = arith.constant 0.000000e+00 : f32
    %max3A_50 = vector.broadcast %max3A : f32 to vector<2000x256xf32>
    %max3A_51 = arith.maximumf %add3A_49, %max3A_50 : vector<2000x256xf32>
    %get3A_52 = arith.constant 0 : index
    %get3A_53 = arith.constant 0 : index
    %get3A_54 = vector.load %arg9[%get3A_52, %get3A_53] : memref<256x256xf32, #tpu.memory_space<vmem>>, vector<256x256xf32>
    %dot_general3A_55 = arith.constant dense<0.000000e+00> : vector<2000x256xf32>
    %dot_general3A_56 = tpu.matmul %max3A_51, %get3A_54, %dot_general3A_55 {dimension_numbers = #tpu.dot_dimension_numbers<[1], [0], [0], [1], [0, 0, 1, 1], [], []>, transpose_lhs_hint = false} : vector<2000x256xf32>, vector<256x256xf32>, vector<2000x256xf32> -> vector<2000x256xf32>
    %get3A_57 = arith.constant 0 : index
    %get3A_58 = arith.constant 0 : index
    %get3A_59 = vector.load %arg10[%get3A_57, %get3A_58] : memref<1x256xf32, #tpu.memory_space<vmem>>, vector<1x256xf32>
    %add3A_60 = vector.broadcast %get3A_59 : vector<1x256xf32> to vector<2000x256xf32>
    %add3A_61 = arith.addf %dot_general3A_56, %add3A_60 : vector<2000x256xf32>
    %get3A_62 = arith.constant 0 : index
    %get3A_63 = arith.constant 0 : index
    %get3A_64 = vector.load %arg11[%get3A_62, %get3A_63] : memref<1x256xf32, #tpu.memory_space<vmem>>, vector<1x256xf32>
    %get3A_65 = arith.constant 0 : index
    %get3A_66 = arith.constant 0 : index
    %get3A_67 = vector.load %arg12[%get3A_65, %get3A_66] : memref<1x256xf32, #tpu.memory_space<vmem>>, vector<1x256xf32>
    %get3A_68 = arith.constant 0 : index
    %get3A_69 = arith.constant 0 : index
    %get3A_70 = vector.load %arg17[%get3A_68, %get3A_69] : memref<256x8xf32, #tpu.memory_space<vmem>>, vector<256x8xf32>
    %get3A_71 = arith.constant 0 : index
    %get3A_72 = arith.constant 0 : index
    %get3A_73 = vector.load %arg18[%get3A_71, %get3A_72] : memref<8x256xf32, #tpu.memory_space<vmem>>, vector<8x256xf32>
    %dot_general3A_74 = arith.constant dense<0.000000e+00> : vector<2000x8xf32>
    %dot_general3A_75 = tpu.matmul %add3A_61, %get3A_70, %dot_general3A_74 {dimension_numbers = #tpu.dot_dimension_numbers<[1], [0], [0], [1], [0, 0, 1, 1], [], []>, transpose_lhs_hint = false} : vector<2000x256xf32>, vector<256x8xf32>, vector<2000x8xf32> -> vector<2000x8xf32>
    %mul3A_76 = arith.mulf %add3A_61, %add3A_61 : vector<2000x256xf32>
    %dot_general3A_77 = arith.constant dense<0.000000e+00> : vector<2000x8xf32>
    %dot_general3A_78 = tpu.matmul %mul3A_76, %get3A_70, %dot_general3A_77 {dimension_numbers = #tpu.dot_dimension_numbers<[1], [0], [0], [1], [0, 0, 1, 1], [], []>, transpose_lhs_hint = false} : vector<2000x256xf32>, vector<256x8xf32>, vector<2000x8xf32> -> vector<2000x8xf32>
    %mul3A_79 = arith.mulf %dot_general3A_75, %dot_general3A_75 : vector<2000x8xf32>
    %sub3A_80 = arith.subf %dot_general3A_78, %mul3A_79 : vector<2000x8xf32>
    %add3A_81 = arith.constant 9.99999974E-6 : f32
    %add3A_82 = vector.broadcast %add3A_81 : f32 to vector<2000x8xf32>
    %add3A_83 = arith.addf %sub3A_80, %add3A_82 : vector<2000x8xf32>
    %rsqrt3A_84 = math.rsqrt %add3A_83 : vector<2000x8xf32>
    %dot_general3A_85 = arith.constant dense<0.000000e+00> : vector<2000x256xf32>
    %dot_general3A_86 = tpu.matmul %rsqrt3A_84, %get3A_73, %dot_general3A_85 {dimension_numbers = #tpu.dot_dimension_numbers<[1], [0], [0], [1], [0, 0, 1, 1], [], []>, transpose_lhs_hint = false} : vector<2000x8xf32>, vector<8x256xf32>, vector<2000x256xf32> -> vector<2000x256xf32>
    %mul3A_87 = arith.mulf %dot_general3A_75, %rsqrt3A_84 : vector<2000x8xf32>
    %dot_general3A_88 = arith.constant dense<0.000000e+00> : vector<2000x256xf32>
    %dot_general3A_89 = tpu.matmul %mul3A_87, %get3A_73, %dot_general3A_88 {dimension_numbers = #tpu.dot_dimension_numbers<[1], [0], [0], [1], [0, 0, 1, 1], [], []>, transpose_lhs_hint = false} : vector<2000x8xf32>, vector<8x256xf32>, vector<2000x256xf32> -> vector<2000x256xf32>
    %mul3A_90 = arith.mulf %add3A_61, %dot_general3A_86 : vector<2000x256xf32>
    %sub3A_91 = arith.subf %mul3A_90, %dot_general3A_89 : vector<2000x256xf32>
    %mul3A_92 = vector.broadcast %get3A_64 : vector<1x256xf32> to vector<2000x256xf32>
    %mul3A_93 = arith.mulf %sub3A_91, %mul3A_92 : vector<2000x256xf32>
    %add3A_94 = vector.broadcast %get3A_67 : vector<1x256xf32> to vector<2000x256xf32>
    %add3A_95 = arith.addf %mul3A_93, %add3A_94 : vector<2000x256xf32>
    %max3A_96 = arith.constant 0.000000e+00 : f32
    %max3A_97 = vector.broadcast %max3A_96 : f32 to vector<2000x256xf32>
    %max3A_98 = arith.maximumf %add3A_95, %max3A_97 : vector<2000x256xf32>
    %get3A_99 = arith.constant 0 : index
    %get3A_100 = arith.constant 0 : index
    %get3A_101 = vector.load %arg3[%get3A_99, %get3A_100] : memref<2000x128xf32, #tpu.memory_space<vmem>>, vector<2000x128xf32>
    %get3A_102 = arith.constant 0 : index
    %get3A_103 = arith.constant 0 : index
    %get3A_104 = vector.load %arg16[%get3A_102, %get3A_103] : memref<256x16xf32, #tpu.memory_space<vmem>>, vector<256x16xf32>
    %get3A_105 = arith.constant 0 : index
    %get3A_106 = arith.constant 0 : index
    %get3A_107 = vector.load %arg13[%get3A_105, %get3A_106] : memref<256x2048xf32, #tpu.memory_space<vmem>>, vector<256x256xf32>
    %dot_general3A_108 = arith.constant dense<0.000000e+00> : vector<2000x256xf32>
    %dot_general3A_109 = tpu.matmul %max3A_98, %get3A_107, %dot_general3A_108 {dimension_numbers = #tpu.dot_dimension_numbers<[1], [0], [0], [1], [0, 0, 1, 1], [], []>, transpose_lhs_hint = false} : vector<2000x256xf32>, vector<256x256xf32>, vector<2000x256xf32> -> vector<2000x256xf32>
    %get3A_110 = arith.constant 0 : index
    %get3A_111 = arith.constant 0 : index
    %get3A_112 = vector.load %arg14[%get3A_110, %get3A_111] : memref<1x2048xf32, #tpu.memory_space<vmem>>, vector<1x256xf32>
    %add3A_113 = vector.broadcast %get3A_112 : vector<1x256xf32> to vector<2000x256xf32>
    %add3A_114 = arith.addf %dot_general3A_109, %add3A_113 : vector<2000x256xf32>
    %get3A_115 = arith.constant 0 : index
    %get3A_116 = arith.constant 0 : index
    %get3A_117 = vector.load %arg15[%get3A_115, %get3A_116] : memref<128x2048xf32, #tpu.memory_space<vmem>>, vector<128x256xf32>
    %dot_general3A_118 = arith.constant dense<0.000000e+00> : vector<2000x256xf32>
    %dot_general3A_119 = tpu.matmul %get3A_101, %get3A_117, %dot_general3A_118 {dimension_numbers = #tpu.dot_dimension_numbers<[1], [0], [0], [1], [0, 0, 1, 1], [], []>, transpose_lhs_hint = false} : vector<2000x128xf32>, vector<128x256xf32>, vector<2000x256xf32> -> vector<2000x256xf32>
    %mul3A_120 = arith.mulf %add3A_114, %dot_general3A_119 : vector<2000x256xf32>
    %dot_general3A_121 = arith.constant dense<0.000000e+00> : vector<2000x16xf32>
    %dot_general3A_122 = tpu.matmul %mul3A_120, %get3A_104, %dot_general3A_121 {dimension_numbers = #tpu.dot_dimension_numbers<[1], [0], [0], [1], [0, 0, 1, 1], [], []>, transpose_lhs_hint = false} : vector<2000x256xf32>, vector<256x16xf32>, vector<2000x16xf32> -> vector<2000x16xf32>
    %get3A_123 = arith.constant 0 : index
    %get3A_124 = arith.constant 256 : index
    %get3A_125 = vector.load %arg13[%get3A_123, %get3A_124] : memref<256x2048xf32, #tpu.memory_space<vmem>>, vector<256x256xf32>
    %dot_general3A_126 = arith.constant dense<0.000000e+00> : vector<2000x256xf32>
    %dot_general3A_127 = tpu.matmul %max3A_98, %get3A_125, %dot_general3A_126 {dimension_numbers = #tpu.dot_dimension_numbers<[1], [0], [0], [1], [0, 0, 1, 1], [], []>, transpose_lhs_hint = false} : vector<2000x256xf32>, vector<256x256xf32>, vector<2000x256xf32> -> vector<2000x256xf32>
    %get3A_128 = arith.constant 0 : index
    %get3A_129 = arith.constant 256 : index
    %get3A_130 = vector.load %arg14[%get3A_128, %get3A_129] : memref<1x2048xf32, #tpu.memory_space<vmem>>, vector<1x256xf32>
    %add3A_131 = vector.broadcast %get3A_130 : vector<1x256xf32> to vector<2000x256xf32>
    %add3A_132 = arith.addf %dot_general3A_127, %add3A_131 : vector<2000x256xf32>
    %get3A_133 = arith.constant 0 : index
    %get3A_134 = arith.constant 256 : index
    %get3A_135 = vector.load %arg15[%get3A_133, %get3A_134] : memref<128x2048xf32, #tpu.memory_space<vmem>>, vector<128x256xf32>
    %dot_general3A_136 = arith.constant dense<0.000000e+00> : vector<2000x256xf32>
    %dot_general3A_137 = tpu.matmul %get3A_101, %get3A_135, %dot_general3A_136 {dimension_numbers = #tpu.dot_dimension_numbers<[1], [0], [0], [1], [0, 0, 1, 1], [], []>, transpose_lhs_hint = false} : vector<2000x128xf32>, vector<128x256xf32>, vector<2000x256xf32> -> vector<2000x256xf32>
    %mul3A_138 = arith.mulf %add3A_132, %dot_general3A_137 : vector<2000x256xf32>
    %dot_general3A_139 = arith.constant dense<0.000000e+00> : vector<2000x16xf32>
    %dot_general3A_140 = tpu.matmul %mul3A_138, %get3A_104, %dot_general3A_139 {dimension_numbers = #tpu.dot_dimension_numbers<[1], [0], [0], [1], [0, 0, 1, 1], [], []>, transpose_lhs_hint = false} : vector<2000x256xf32>, vector<256x16xf32>, vector<2000x16xf32> -> vector<2000x16xf32>
    %get3A_141 = arith.constant 0 : index
    %get3A_142 = arith.constant 512 : index
    %get3A_143 = vector.load %arg13[%get3A_141, %get3A_142] : memref<256x2048xf32, #tpu.memory_space<vmem>>, vector<256x256xf32>
    %dot_general3A_144 = arith.constant dense<0.000000e+00> : vector<2000x256xf32>
    %dot_general3A_145 = tpu.matmul %max3A_98, %get3A_143, %dot_general3A_144 {dimension_numbers = #tpu.dot_dimension_numbers<[1], [0], [0], [1], [0, 0, 1, 1], [], []>, transpose_lhs_hint = false} : vector<2000x256xf32>, vector<256x256xf32>, vector<2000x256xf32> -> vector<2000x256xf32>
    %get3A_146 = arith.constant 0 : index
    %get3A_147 = arith.constant 512 : index
    %get3A_148 = vector.load %arg14[%get3A_146, %get3A_147] : memref<1x2048xf32, #tpu.memory_space<vmem>>, vector<1x256xf32>
    %add3A_149 = vector.broadcast %get3A_148 : vector<1x256xf32> to vector<2000x256xf32>
    %add3A_150 = arith.addf %dot_general3A_145, %add3A_149 : vector<2000x256xf32>
    %get3A_151 = arith.constant 0 : index
    %get3A_152 = arith.constant 512 : index
    %get3A_153 = vector.load %arg15[%get3A_151, %get3A_152] : memref<128x2048xf32, #tpu.memory_space<vmem>>, vector<128x256xf32>
    %dot_general3A_154 = arith.constant dense<0.000000e+00> : vector<2000x256xf32>
    %dot_general3A_155 = tpu.matmul %get3A_101, %get3A_153, %dot_general3A_154 {dimension_numbers = #tpu.dot_dimension_numbers<[1], [0], [0], [1], [0, 0, 1, 1], [], []>, transpose_lhs_hint = false} : vector<2000x128xf32>, vector<128x256xf32>, vector<2000x256xf32> -> vector<2000x256xf32>
    %mul3A_156 = arith.mulf %add3A_150, %dot_general3A_155 : vector<2000x256xf32>
    %dot_general3A_157 = arith.constant dense<0.000000e+00> : vector<2000x16xf32>
    %dot_general3A_158 = tpu.matmul %mul3A_156, %get3A_104, %dot_general3A_157 {dimension_numbers = #tpu.dot_dimension_numbers<[1], [0], [0], [1], [0, 0, 1, 1], [], []>, transpose_lhs_hint = false} : vector<2000x256xf32>, vector<256x16xf32>, vector<2000x16xf32> -> vector<2000x16xf32>
    %get3A_159 = arith.constant 0 : index
    %get3A_160 = arith.constant 768 : index
    %get3A_161 = vector.load %arg13[%get3A_159, %get3A_160] : memref<256x2048xf32, #tpu.memory_space<vmem>>, vector<256x256xf32>
    %dot_general3A_162 = arith.constant dense<0.000000e+00> : vector<2000x256xf32>
    %dot_general3A_163 = tpu.matmul %max3A_98, %get3A_161, %dot_general3A_162 {dimension_numbers = #tpu.dot_dimension_numbers<[1], [0], [0], [1], [0, 0, 1, 1], [], []>, transpose_lhs_hint = false} : vector<2000x256xf32>, vector<256x256xf32>, vector<2000x256xf32> -> vector<2000x256xf32>
    %get3A_164 = arith.constant 0 : index
    %get3A_165 = arith.constant 768 : index
    %get3A_166 = vector.load %arg14[%get3A_164, %get3A_165] : memref<1x2048xf32, #tpu.memory_space<vmem>>, vector<1x256xf32>
    %add3A_167 = vector.broadcast %get3A_166 : vector<1x256xf32> to vector<2000x256xf32>
    %add3A_168 = arith.addf %dot_general3A_163, %add3A_167 : vector<2000x256xf32>
    %get3A_169 = arith.constant 0 : index
    %get3A_170 = arith.constant 768 : index
    %get3A_171 = vector.load %arg15[%get3A_169, %get3A_170] : memref<128x2048xf32, #tpu.memory_space<vmem>>, vector<128x256xf32>
    %dot_general3A_172 = arith.constant dense<0.000000e+00> : vector<2000x256xf32>
    %dot_general3A_173 = tpu.matmul %get3A_101, %get3A_171, %dot_general3A_172 {dimension_numbers = #tpu.dot_dimension_numbers<[1], [0], [0], [1], [0, 0, 1, 1], [], []>, transpose_lhs_hint = false} : vector<2000x128xf32>, vector<128x256xf32>, vector<2000x256xf32> -> vector<2000x256xf32>
    %mul3A_174 = arith.mulf %add3A_168, %dot_general3A_173 : vector<2000x256xf32>
    %dot_general3A_175 = arith.constant dense<0.000000e+00> : vector<2000x16xf32>
    %dot_general3A_176 = tpu.matmul %mul3A_174, %get3A_104, %dot_general3A_175 {dimension_numbers = #tpu.dot_dimension_numbers<[1], [0], [0], [1], [0, 0, 1, 1], [], []>, transpose_lhs_hint = false} : vector<2000x256xf32>, vector<256x16xf32>, vector<2000x16xf32> -> vector<2000x16xf32>
    %get3A_177 = arith.constant 0 : index
    %get3A_178 = arith.constant 1024 : index
    %get3A_179 = vector.load %arg13[%get3A_177, %get3A_178] : memref<256x2048xf32, #tpu.memory_space<vmem>>, vector<256x256xf32>
    %dot_general3A_180 = arith.constant dense<0.000000e+00> : vector<2000x256xf32>
    %dot_general3A_181 = tpu.matmul %max3A_98, %get3A_179, %dot_general3A_180 {dimension_numbers = #tpu.dot_dimension_numbers<[1], [0], [0], [1], [0, 0, 1, 1], [], []>, transpose_lhs_hint = false} : vector<2000x256xf32>, vector<256x256xf32>, vector<2000x256xf32> -> vector<2000x256xf32>
    %get3A_182 = arith.constant 0 : index
    %get3A_183 = arith.constant 1024 : index
    %get3A_184 = vector.load %arg14[%get3A_182, %get3A_183] : memref<1x2048xf32, #tpu.memory_space<vmem>>, vector<1x256xf32>
    %add3A_185 = vector.broadcast %get3A_184 : vector<1x256xf32> to vector<2000x256xf32>
    %add3A_186 = arith.addf %dot_general3A_181, %add3A_185 : vector<2000x256xf32>
    %get3A_187 = arith.constant 0 : index
    %get3A_188 = arith.constant 1024 : index
    %get3A_189 = vector.load %arg15[%get3A_187, %get3A_188] : memref<128x2048xf32, #tpu.memory_space<vmem>>, vector<128x256xf32>
    %dot_general3A_190 = arith.constant dense<0.000000e+00> : vector<2000x256xf32>
    %dot_general3A_191 = tpu.matmul %get3A_101, %get3A_189, %dot_general3A_190 {dimension_numbers = #tpu.dot_dimension_numbers<[1], [0], [0], [1], [0, 0, 1, 1], [], []>, transpose_lhs_hint = false} : vector<2000x128xf32>, vector<128x256xf32>, vector<2000x256xf32> -> vector<2000x256xf32>
    %mul3A_192 = arith.mulf %add3A_186, %dot_general3A_191 : vector<2000x256xf32>
    %dot_general3A_193 = arith.constant dense<0.000000e+00> : vector<2000x16xf32>
    %dot_general3A_194 = tpu.matmul %mul3A_192, %get3A_104, %dot_general3A_193 {dimension_numbers = #tpu.dot_dimension_numbers<[1], [0], [0], [1], [0, 0, 1, 1], [], []>, transpose_lhs_hint = false} : vector<2000x256xf32>, vector<256x16xf32>, vector<2000x16xf32> -> vector<2000x16xf32>
    %get3A_195 = arith.constant 0 : index
    %get3A_196 = arith.constant 1280 : index
    %get3A_197 = vector.load %arg13[%get3A_195, %get3A_196] : memref<256x2048xf32, #tpu.memory_space<vmem>>, vector<256x256xf32>
    %dot_general3A_198 = arith.constant dense<0.000000e+00> : vector<2000x256xf32>
    %dot_general3A_199 = tpu.matmul %max3A_98, %get3A_197, %dot_general3A_198 {dimension_numbers = #tpu.dot_dimension_numbers<[1], [0], [0], [1], [0, 0, 1, 1], [], []>, transpose_lhs_hint = false} : vector<2000x256xf32>, vector<256x256xf32>, vector<2000x256xf32> -> vector<2000x256xf32>
    %get3A_200 = arith.constant 0 : index
    %get3A_201 = arith.constant 1280 : index
    %get3A_202 = vector.load %arg14[%get3A_200, %get3A_201] : memref<1x2048xf32, #tpu.memory_space<vmem>>, vector<1x256xf32>
    %add3A_203 = vector.broadcast %get3A_202 : vector<1x256xf32> to vector<2000x256xf32>
    %add3A_204 = arith.addf %dot_general3A_199, %add3A_203 : vector<2000x256xf32>
    %get3A_205 = arith.constant 0 : index
    %get3A_206 = arith.constant 1280 : index
    %get3A_207 = vector.load %arg15[%get3A_205, %get3A_206] : memref<128x2048xf32, #tpu.memory_space<vmem>>, vector<128x256xf32>
    %dot_general3A_208 = arith.constant dense<0.000000e+00> : vector<2000x256xf32>
    %dot_general3A_209 = tpu.matmul %get3A_101, %get3A_207, %dot_general3A_208 {dimension_numbers = #tpu.dot_dimension_numbers<[1], [0], [0], [1], [0, 0, 1, 1], [], []>, transpose_lhs_hint = false} : vector<2000x128xf32>, vector<128x256xf32>, vector<2000x256xf32> -> vector<2000x256xf32>
    %mul3A_210 = arith.mulf %add3A_204, %dot_general3A_209 : vector<2000x256xf32>
    %dot_general3A_211 = arith.constant dense<0.000000e+00> : vector<2000x16xf32>
    %dot_general3A_212 = tpu.matmul %mul3A_210, %get3A_104, %dot_general3A_211 {dimension_numbers = #tpu.dot_dimension_numbers<[1], [0], [0], [1], [0, 0, 1, 1], [], []>, transpose_lhs_hint = false} : vector<2000x256xf32>, vector<256x16xf32>, vector<2000x16xf32> -> vector<2000x16xf32>
    %get3A_213 = arith.constant 0 : index
    %get3A_214 = arith.constant 1536 : index
    %get3A_215 = vector.load %arg13[%get3A_213, %get3A_214] : memref<256x2048xf32, #tpu.memory_space<vmem>>, vector<256x256xf32>
    %dot_general3A_216 = arith.constant dense<0.000000e+00> : vector<2000x256xf32>
    %dot_general3A_217 = tpu.matmul %max3A_98, %get3A_215, %dot_general3A_216 {dimension_numbers = #tpu.dot_dimension_numbers<[1], [0], [0], [1], [0, 0, 1, 1], [], []>, transpose_lhs_hint = false} : vector<2000x256xf32>, vector<256x256xf32>, vector<2000x256xf32> -> vector<2000x256xf32>
    %get3A_218 = arith.constant 0 : index
    %get3A_219 = arith.constant 1536 : index
    %get3A_220 = vector.load %arg14[%get3A_218, %get3A_219] : memref<1x2048xf32, #tpu.memory_space<vmem>>, vector<1x256xf32>
    %add3A_221 = vector.broadcast %get3A_220 : vector<1x256xf32> to vector<2000x256xf32>
    %add3A_222 = arith.addf %dot_general3A_217, %add3A_221 : vector<2000x256xf32>
    %get3A_223 = arith.constant 0 : index
    %get3A_224 = arith.constant 1536 : index
    %get3A_225 = vector.load %arg15[%get3A_223, %get3A_224] : memref<128x2048xf32, #tpu.memory_space<vmem>>, vector<128x256xf32>
    %dot_general3A_226 = arith.constant dense<0.000000e+00> : vector<2000x256xf32>
    %dot_general3A_227 = tpu.matmul %get3A_101, %get3A_225, %dot_general3A_226 {dimension_numbers = #tpu.dot_dimension_numbers<[1], [0], [0], [1], [0, 0, 1, 1], [], []>, transpose_lhs_hint = false} : vector<2000x128xf32>, vector<128x256xf32>, vector<2000x256xf32> -> vector<2000x256xf32>
    %mul3A_228 = arith.mulf %add3A_222, %dot_general3A_227 : vector<2000x256xf32>
    %dot_general3A_229 = arith.constant dense<0.000000e+00> : vector<2000x16xf32>
    %dot_general3A_230 = tpu.matmul %mul3A_228, %get3A_104, %dot_general3A_229 {dimension_numbers = #tpu.dot_dimension_numbers<[1], [0], [0], [1], [0, 0, 1, 1], [], []>, transpose_lhs_hint = false} : vector<2000x256xf32>, vector<256x16xf32>, vector<2000x16xf32> -> vector<2000x16xf32>
    %get3A_231 = arith.constant 0 : index
    %get3A_232 = arith.constant 1792 : index
    %get3A_233 = vector.load %arg13[%get3A_231, %get3A_232] : memref<256x2048xf32, #tpu.memory_space<vmem>>, vector<256x256xf32>
    %dot_general3A_234 = arith.constant dense<0.000000e+00> : vector<2000x256xf32>
    %dot_general3A_235 = tpu.matmul %max3A_98, %get3A_233, %dot_general3A_234 {dimension_numbers = #tpu.dot_dimension_numbers<[1], [0], [0], [1], [0, 0, 1, 1], [], []>, transpose_lhs_hint = false} : vector<2000x256xf32>, vector<256x256xf32>, vector<2000x256xf32> -> vector<2000x256xf32>
    %get3A_236 = arith.constant 0 : index
    %get3A_237 = arith.constant 1792 : index
    %get3A_238 = vector.load %arg14[%get3A_236, %get3A_237] : memref<1x2048xf32, #tpu.memory_space<vmem>>, vector<1x256xf32>
    %add3A_239 = vector.broadcast %get3A_238 : vector<1x256xf32> to vector<2000x256xf32>
    %add3A_240 = arith.addf %dot_general3A_235, %add3A_239 : vector<2000x256xf32>
    %get3A_241 = arith.constant 0 : index
    %get3A_242 = arith.constant 1792 : index
    %get3A_243 = vector.load %arg15[%get3A_241, %get3A_242] : memref<128x2048xf32, #tpu.memory_space<vmem>>, vector<128x256xf32>
    %dot_general3A_244 = arith.constant dense<0.000000e+00> : vector<2000x256xf32>
    %dot_general3A_245 = tpu.matmul %get3A_101, %get3A_243, %dot_general3A_244 {dimension_numbers = #tpu.dot_dimension_numbers<[1], [0], [0], [1], [0, 0, 1, 1], [], []>, transpose_lhs_hint = false} : vector<2000x128xf32>, vector<128x256xf32>, vector<2000x256xf32> -> vector<2000x256xf32>
    %mul3A_246 = arith.mulf %add3A_240, %dot_general3A_245 : vector<2000x256xf32>
    %dot_general3A_247 = arith.constant dense<0.000000e+00> : vector<2000x16xf32>
    %dot_general3A_248 = tpu.matmul %mul3A_246, %get3A_104, %dot_general3A_247 {dimension_numbers = #tpu.dot_dimension_numbers<[1], [0], [0], [1], [0, 0, 1, 1], [], []>, transpose_lhs_hint = false} : vector<2000x256xf32>, vector<256x16xf32>, vector<2000x16xf32> -> vector<2000x16xf32>
    %concatenate3A = tpu.concatenate %dot_general3A_122, %dot_general3A_140, %dot_general3A_158, %dot_general3A_176, %dot_general3A_194, %dot_general3A_212, %dot_general3A_230, %dot_general3A_248 in 1 : vector<2000x16xf32>, vector<2000x16xf32>, vector<2000x16xf32>, vector<2000x16xf32>, vector<2000x16xf32>, vector<2000x16xf32>, vector<2000x16xf32>, vector<2000x16xf32> -> vector<2000x128xf32>
    %get3A_249 = arith.constant 0 : index
    %get3A_250 = arith.constant 0 : index
    %get3A_251 = vector.load %arg2[%get3A_249, %get3A_250] : memref<2000x16xf32, #tpu.memory_space<vmem>>, vector<2000x16xf32>
    %get3A_252 = arith.constant 0 : index
    %get3A_253 = arith.constant 0 : index
    %get3A_254 = vector.load %arg19[%get3A_252, %get3A_253] : memref<16x128xf32, #tpu.memory_space<vmem>>, vector<16x128xf32>
    %dot_general3A_255 = arith.constant dense<0.000000e+00> : vector<2000x128xf32>
    %dot_general3A_256 = tpu.matmul %get3A_251, %get3A_254, %dot_general3A_255 {dimension_numbers = #tpu.dot_dimension_numbers<[1], [0], [0], [1], [0, 0, 1, 1], [], []>, transpose_lhs_hint = false} : vector<2000x16xf32>, vector<16x128xf32>, vector<2000x128xf32> -> vector<2000x128xf32>
    %mul3A_257 = arith.mulf %concatenate3A, %dot_general3A_256 : vector<2000x128xf32>
    %swap3A = arith.constant 0 : index
    %swap3A_258 = arith.constant 0 : index
    %swap3A_259 = vector.load %arg20[%swap3A, %swap3A_258] : memref<2000x128xf32, #tpu.memory_space<vmem>>, vector<2000x128xf32>
    tpu.vector_store %arg20[%swap3A, %swap3A_258], %mul3A_257 {strides = array<i32>} : memref<2000x128xf32, #tpu.memory_space<vmem>>, vector<2000x128xf32>,
    return
  }
  func.func @transform_0(%arg0: i32) -> (i32, i32) {
    %c0_i32 = arith.constant 0 : i32
    %c0_i32_0 = arith.constant 0 : i32
    return %arg0, %c0_i32 : i32, i32
  }
  func.func @transform_1(%arg0: i32) -> (i32, i32) {
    %c0_i32 = arith.constant 0 : i32
    %c0_i32_0 = arith.constant 0 : i32
    return %arg0, %c0_i32 : i32, i32
  }
  func.func @transform_2(%arg0: i32) -> (i32, i32) {
    %c0_i32 = arith.constant 0 : i32
    %c0_i32_0 = arith.constant 0 : i32
    return %arg0, %c0_i32 : i32, i32
  }
  func.func @transform_3(%arg0: i32) -> (i32, i32) {
    %c0_i32 = arith.constant 0 : i32
    %c0_i32_0 = arith.constant 0 : i32
    %c0_i32_1 = arith.constant 0 : i32
    return %c0_i32, %c0_i32_0 : i32, i32
  }
  func.func @transform_4(%arg0: i32) -> (i32, i32) {
    %c0_i32 = arith.constant 0 : i32
    %c0_i32_0 = arith.constant 0 : i32
    %c0_i32_1 = arith.constant 0 : i32
    return %c0_i32, %c0_i32_0 : i32, i32
  }
  func.func @transform_5(%arg0: i32) -> (i32, i32) {
    %c0_i32 = arith.constant 0 : i32
    %c0_i32_0 = arith.constant 0 : i32
    %c0_i32_1 = arith.constant 0 : i32
    return %c0_i32, %c0_i32_0 : i32, i32
  }
  func.func @transform_6(%arg0: i32) -> (i32, i32) {
    %c0_i32 = arith.constant 0 : i32
    %c0_i32_0 = arith.constant 0 : i32
    %c0_i32_1 = arith.constant 0 : i32
    return %c0_i32, %c0_i32_0 : i32, i32
  }
  func.func @transform_7(%arg0: i32) -> (i32, i32) {
    %c0_i32 = arith.constant 0 : i32
    %c0_i32_0 = arith.constant 0 : i32
    %c0_i32_1 = arith.constant 0 : i32
    return %c0_i32, %c0_i32_0 : i32, i32
  }
  func.func @transform_8(%arg0: i32) -> (i32, i32) {
    %c0_i32 = arith.constant 0 : i32
    %c0_i32_0 = arith.constant 0 : i32
    %c0_i32_1 = arith.constant 0 : i32
    return %c0_i32, %c0_i32_0 : i32, i32
  }
  func.func @transform_9(%arg0: i32) -> (i32, i32) {
    %c0_i32 = arith.constant 0 : i32
    %c0_i32_0 = arith.constant 0 : i32
    %c0_i32_1 = arith.constant 0 : i32
    return %c0_i32, %c0_i32_0 : i32, i32
  }
  func.func @transform_10(%arg0: i32) -> (i32, i32) {
    %c0_i32 = arith.constant 0 : i32
    %c0_i32_0 = arith.constant 0 : i32
    %c0_i32_1 = arith.constant 0 : i32
    return %c0_i32, %c0_i32_0 : i32, i32
  }
  func.func @transform_11(%arg0: i32) -> (i32, i32) {
    %c0_i32 = arith.constant 0 : i32
    %c0_i32_0 = arith.constant 0 : i32
    %c0_i32_1 = arith.constant 0 : i32
    return %c0_i32, %c0_i32_0 : i32, i32
  }
  func.func @transform_12(%arg0: i32) -> (i32, i32) {
    %c0_i32 = arith.constant 0 : i32
    %c0_i32_0 = arith.constant 0 : i32
    %c0_i32_1 = arith.constant 0 : i32
    return %c0_i32, %c0_i32_0 : i32, i32
  }
  func.func @transform_13(%arg0: i32) -> (i32, i32) {
    %c0_i32 = arith.constant 0 : i32
    %c0_i32_0 = arith.constant 0 : i32
    %c0_i32_1 = arith.constant 0 : i32
    return %c0_i32, %c0_i32_0 : i32, i32
  }
  func.func @transform_14(%arg0: i32) -> (i32, i32) {
    %c0_i32 = arith.constant 0 : i32
    %c0_i32_0 = arith.constant 0 : i32
    %c0_i32_1 = arith.constant 0 : i32
    return %c0_i32, %c0_i32_0 : i32, i32
  }
  func.func @transform_15(%arg0: i32) -> (i32, i32) {
    %c0_i32 = arith.constant 0 : i32
    %c0_i32_0 = arith.constant 0 : i32
    %c0_i32_1 = arith.constant 0 : i32
    return %c0_i32, %c0_i32_0 : i32, i32
  }
  func.func @transform_16(%arg0: i32) -> (i32, i32) {
    %c0_i32 = arith.constant 0 : i32
    %c0_i32_0 = arith.constant 0 : i32
    %c0_i32_1 = arith.constant 0 : i32
    return %c0_i32, %c0_i32_0 : i32, i32
  }
  func.func @transform_17(%arg0: i32) -> (i32, i32) {
    %c0_i32 = arith.constant 0 : i32
    %c0_i32_0 = arith.constant 0 : i32
    %c0_i32_1 = arith.constant 0 : i32
    return %c0_i32, %c0_i32_0 : i32, i32
  }
  func.func @transform_18(%arg0: i32) -> (i32, i32) {
    %c0_i32 = arith.constant 0 : i32
    %c0_i32_0 = arith.constant 0 : i32
    %c0_i32_1 = arith.constant 0 : i32
    return %c0_i32, %c0_i32_0 : i32, i32
  }
  func.func @transform_19(%arg0: i32) -> (i32, i32) {
    %c0_i32 = arith.constant 0 : i32
    %c0_i32_0 = arith.constant 0 : i32
    return %arg0, %c0_i32 : i32, i32
  }
}

module attributes {stable_mosaic.version = 14 : i64} {
  func.func @body(%arg0: memref<1280x128xf32, #tpu.memory_space<vmem>>, %arg1: memref<1280x128xf32, #tpu.memory_space<vmem>>, %arg2: memref<1280x128xf32, #tpu.memory_space<vmem>>, %arg3: memref<1280x128xf32, #tpu.memory_space<vmem>>, %arg4: memref<1280x128xf32, #tpu.memory_space<vmem>>, %arg5: memref<128x128xf32, #tpu.memory_space<vmem>>, %arg6: memref<1280x128xf32, #tpu.memory_space<vmem>>) attributes {dimension_semantics = [], scalar_prefetch = 0 : i64, scratch_operands = 0 : i64, tpu.core_type = #tpu.core_type<tc>} {
    %get3A = arith.constant 0 : index
    %get3A_0 = arith.constant 0 : index
    %get3A_1 = vector.load %arg0[%get3A, %get3A_0] : memref<1280x128xf32, #tpu.memory_space<vmem>>, vector<1280x128xf32>
    %get3A_2 = arith.constant 0 : index
    %get3A_3 = arith.constant 0 : index
    %get3A_4 = vector.load %arg1[%get3A_2, %get3A_3] : memref<1280x128xf32, #tpu.memory_space<vmem>>, vector<1280x128xf32>
    %add3A = arith.addf %get3A_1, %get3A_4 : vector<1280x128xf32>
    %get3A_5 = arith.constant 0 : index
    %get3A_6 = arith.constant 0 : index
    %get3A_7 = vector.load %arg2[%get3A_5, %get3A_6] : memref<1280x128xf32, #tpu.memory_space<vmem>>, vector<1280x128xf32>
    %get3A_8 = arith.constant 0 : index
    %get3A_9 = arith.constant 0 : index
    %get3A_10 = vector.load %arg3[%get3A_8, %get3A_9] : memref<1280x128xf32, #tpu.memory_space<vmem>>, vector<1280x128xf32>
    %add3A_11 = arith.addf %get3A_7, %get3A_10 : vector<1280x128xf32>
    %get3A_12 = arith.constant 0 : index
    %get3A_13 = arith.constant 0 : index
    %get3A_14 = vector.load %arg4[%get3A_12, %get3A_13] : memref<1280x128xf32, #tpu.memory_space<vmem>>, vector<1280x128xf32>
    %get3A_15 = arith.constant 0 : index
    %get3A_16 = arith.constant 0 : index
    %get3A_17 = vector.load %arg5[%get3A_15, %get3A_16] : memref<128x128xf32, #tpu.memory_space<vmem>>, vector<128x128xf32>
    %dot_general3A = arith.constant dense<0.000000e+00> : vector<1280x128xf32>
    %dot_general3A_18 = tpu.matmul %get3A_14, %get3A_17, %dot_general3A {dimension_numbers = #tpu.dot_dimension_numbers<[1], [0], [0], [1], [0, 0, 1, 1], [], []>, transpose_lhs_hint = false} : vector<1280x128xf32>, vector<128x128xf32>, vector<1280x128xf32> -> vector<1280x128xf32>
    %max3A = arith.constant 1.000000e+00 : f32
    %max3A_19 = vector.broadcast %max3A : f32 to vector<1280x128xf32>
    %max3A_20 = arith.maximumf %add3A_11, %max3A_19 : vector<1280x128xf32>
    %div3A = arith.divf %add3A, %max3A_20 : vector<1280x128xf32>
    %gt3A = arith.constant 0.000000e+00 : f32
    %gt3A_21 = vector.broadcast %gt3A : f32 to vector<1280x128xf32>
    %gt3A_22 = arith.cmpf ogt, %add3A_11, %gt3A_21 : vector<1280x128xf32>
    %jit3A = arith.constant 0.000000e+00 : f32
    %broadcast_in_dim3A = vector.broadcast %jit3A : f32 to vector<1280x128xf32>
    %select_n3A = arith.select %gt3A_22, %dot_general3A_18, %broadcast_in_dim3A : vector<1280x128xi1>, vector<1280x128xf32>
    %add3A_23 = arith.addf %div3A, %select_n3A : vector<1280x128xf32>
    %swap3A = arith.constant 0 : index
    %swap3A_24 = arith.constant 0 : index
    %swap3A_25 = vector.load %arg6[%swap3A, %swap3A_24] : memref<1280x128xf32, #tpu.memory_space<vmem>>, vector<1280x128xf32>
    tpu.vector_store %arg6[%swap3A, %swap3A_24], %add3A_23 {strides = array<i32>} : memref<1280x128xf32, #tpu.memory_space<vmem>>, vector<1280x128xf32>,
    return
  }
}

</mosaic_0001>

<sc_bundles>
// kernel: kernel.6.cloned.1.call-start
scs
__scs_entry_jumppad:
0x0: {  	(pc) =	sbr.rel $0x88, $3  }
0x1: {  	(tag) =	ssettag $0x0;
	lr =	simm.s32 $0x1  }
0x2: {  	[smem:$0x3F91] =	sst lr;
	_ =	strace $0xD0000000  }
0x3: {  	_ = 	snop  }
0x4: {  	_ = 	snop  }
0x5: {  	_ = 	snop  }
0x6: {  	_ = 	snop  }
0x7: {  	_ = 	snop  }
__scs_overlays_trampoline_lowered:
0x8: {  	[smem:$0x3FA0] =	sst s0  }
0x9: {  	[smem:$0x3FA1] =	sst s1  }
0xa: {  	[smem:$0x3FA2] =	sst s2  }
0xb: {  	[smem:$0x3FA3] =	sst s3  }
0xc: {  	[smem:$0x3FA4] =	sst s4  }
0xd: {  	[smem:$0x3FA5] =	sst s5  }
0xe: {  	[smem:$0x3FA6] =	sst s6  }
0xf: {  	[smem:$0x3FA7] =	sst s7  }
0x10: {  	[smem:$0x3FA8] =	sst s8  }
0x11: {  	[smem:$0x3FA9] =	sst s9;
	s0 =	simm.s32 @!p0 $0x0  }
0x12: {  	s1 =	sld [smem:$0x3F8F];
	s0 =	simm.s32 @p0 $0x1  }
0x13: {  	[smem:$0x3FAA] =	sst s0;
	s0 =	simm.s32 @!p1 $0x0  }
0x14: {  	s2 =	sld [smem:$0x3F8E];
	s0 =	simm.s32 @p1 $0x1  }
0x15: {  	[smem:$0x3FAB] =	sst s0;
	s0 =	simm.s32 @!p2 $0x0  }
0x16: {  	s3 =	sld [smem:$0x3FDB];
	s0 =	simm.s32 @p2 $0x1  }
0x17: {  	s4 =	simm.s32 $0x1BF5;
	[smem:$0x3FAD] =	sst s0  }
0x18: {  	s0 =	sld [smem:$0x3F90];
	_ =	swait.ge [sflag:s4], $0x0  }
0x19: {  	s7 =	sld [smem:$0x3F91]  }
0x1a: {  	s8 =	sadd.s32 $0xFFFFE003, lr  }
0x1b: {  	s9 =	sadd.s32 $0xFFFFFEF7, lr;
	s5 =	simm.s32 $0xFFFFFFFF;
	p2 =	slt.u32 s8, $0xFFFFF086  }
0x1c: {  	p1 =	slt.u32 s9, $0xF7A;
	s5 =	simm.s32 @!p2 $0x0  }
0x1d: {  	s5 =	simm.s32 @p1 $0x1;
	p0 =	seq.s32 s7, s2  }
0x1e: {  	s7 =	smul.u32 @!p0 $0xF7A, s2;
	p2 =	seq.s32 @!p0 s5, $0x0  }
0x1f: {  	s9 =	smul.u32 $0xF7A, s1;
	s8 =	simm.s32 @!p0 $0x1BF5;
	p2 =	por !p2, p0  }
0x20: {  	[sflag:s8] =	ssyncset.s32 @!p0 $0xFFFFF086;
	s6 =	sadd.s32 @!p0 s3, s7;
	s7 =	simm.s32 @!p0 $0x108  }
0x21: {  	s3 =	sadd.s32 s3, s9;
	s6 =	sadd.s32 @!p0 $0x88, s6;
	s7 =	simm.s32 @p2 $0x1082  }
0x22: {  	[simem:s7], [sflag:s8] =	dma.local @!p0 [hbm:s6], $0xF7A  }
0x23: {  	s9 =	sor.u32 $0xD0000000, s2;
	s6 =	simm.s32 $0x108;
	_ =	swait.ge @!p0 [sflag:s8], $0x0  }
0x24: {  	s3 =	sadd.s32 $0x88, s3;
	s6 =	simm.s32 @!p1 $0x1082;
	[sflag:s4] =	ssyncset.s32 $0xFFFFF086  }
0x25: {  	[simem:s6], [sflag:s4] =	dma.local [hbm:s3], $0xF7A  }
0x26: {  	[smem:$0x3F91] =	sst s1;
	(tag) =	ssettag s2;
	_ =	strace s9  }
0x27: {  	s1 =	sld [smem:$0x3FA1]  }
0x28: {  	s2 =	sld [smem:$0x3FA2]  }
0x29: {  	s4 =	sld [smem:$0x3FA4]  }
0x2a: {  	p0 =	seq.s32 s5, $0x0;
	s5 =	sld [smem:$0x3FA5]  }
0x2b: {  	s6 =	sld [smem:$0x3FA6]  }
0x2c: {  	s7 =	sld [smem:$0x3FA7]  }
0x2d: {  	s3 =	simm.s32 $0x108;
	s8 =	sld [smem:$0x3FA8]  }
0x2e: {  	s3 =	simm.s32 @!p0 $0x1082;
	s9 =	sld [smem:$0x3FA9]  }
0x2f: {  	lr =	sadd.s32 s0, s3;
	s0 =	sld [smem:$0x3FA0]  }
0x30: {  	s3 =	sld [smem:$0x3FA3]  }
0x31: {  	[smem:$0x3FAC] =	sst s10  }
0x32: {  	s10 =	sld [smem:$0x3FAA];
	_ =	sdelay $0x3  }
0x33: {  	p0 =	seq.s32 s10, $0x1;
	s10 =	sld [smem:$0x3FAC];
	_ =	sdelay $0x3  }
0x34: {  	[smem:$0x3FAC] =	sst s10  }
0x35: {  	s10 =	sld [smem:$0x3FAB];
	_ =	sdelay $0x3  }
0x36: {  	p1 =	seq.s32 s10, $0x1;
	s10 =	sld [smem:$0x3FAC];
	_ =	sdelay $0x3  }
0x37: {  	[smem:$0x3FAC] =	sst s10  }
0x38: {  	s10 =	sld [smem:$0x3FAD]  }
0x39: {  	_ = 	snop;
	(pc) =	sbr.ind lr, $3  }
0x3a: {  	_ = 	snop  }
0x3b: {  	_ = 	snop  }
0x3c: {  	p2 =	seq.s32 s10, $0x1;
	s10 =	sld [smem:$0x3FAC]  }
0x3d: {  	_ =	shalt  }
0x3e: {  	_ =	shalt  }
0x3f: {  	_ =	shalt  }
0x40: {  	_ =	shalt  }
0x41: {  	_ =	shalt  }
0x42: {  	_ =	shalt  }
0x43: {  	_ =	shalt  }
0x44: {  	_ =	shalt  }
0x45: {  	_ =	shalt  }
0x46: {  	_ =	shalt  }
0x47: {  	_ =	shalt  }
0x48: {  	_ =	shalt  }
0x49: {  	_ =	shalt  }
0x4a: {  	_ =	shalt  }
0x4b: {  	_ =	shalt  }
0x4c: {  	_ =	shalt  }
0x4d: {  	_ =	shalt  }
0x4e: {  	_ =	shalt  }
0x4f: {  	_ =	shalt  }
0x50: {  	_ =	shalt  }
0x51: {  	_ =	shalt  }
0x52: {  	_ =	shalt  }
0x53: {  	_ =	shalt  }
0x54: {  	_ =	shalt  }
0x55: {  	_ =	shalt  }
0x56: {  	_ =	shalt  }
0x57: {  	_ =	shalt  }
0x58: {  	_ =	shalt  }
0x59: {  	_ =	shalt  }
0x5a: {  	_ =	shalt  }
0x5b: {  	_ =	shalt  }
0x5c: {  	_ =	shalt  }
0x5d: {  	_ =	shalt  }
0x5e: {  	_ =	shalt  }
0x5f: {  	_ =	shalt  }
0x60: {  	_ =	shalt  }
0x61: {  	_ =	shalt  }
0x62: {  	_ =	shalt  }
0x63: {  	_ =	shalt  }
0x64: {  	_ =	shalt  }
0x65: {  	_ =	shalt  }
0x66: {  	_ =	shalt  }
0x67: {  	_ =	shalt  }
0x68: {  	_ =	shalt  }
0x69: {  	_ =	shalt  }
0x6a: {  	_ =	shalt  }
0x6b: {  	_ =	shalt  }
0x6c: {  	_ =	shalt  }
0x6d: {  	_ =	shalt  }
0x6e: {  	_ =	shalt  }
0x6f: {  	_ =	shalt  }
0x70: {  	_ =	shalt  }
0x71: {  	_ =	shalt  }
0x72: {  	_ =	shalt  }
0x73: {  	_ =	shalt  }
0x74: {  	_ =	shalt  }
0x75: {  	_ =	shalt  }
0x76: {  	_ =	shalt  }
0x77: {  	_ =	shalt  }
0x78: {  	_ =	shalt  }
0x79: {  	_ =	shalt  }
0x7a: {  	_ =	shalt  }
0x7b: {  	_ =	shalt  }
0x7c: {  	_ =	shalt  }
0x7d: {  	_ =	shalt  }
0x7e: {  	_ =	shalt  }
0x7f: {  	_ =	shalt  }
0x80: {  	_ =	shalt  }
0x81: {  	_ =	shalt  }
0x82: {  	_ =	shalt  }
0x83: {  	_ =	shalt  }
0x84: {  	_ =	shalt  }
0x85: {  	_ =	shalt  }
0x86: {  	_ =	shalt  }
0x87: {  	_ =	shalt  }
.Lfunc_end0:
.L_simem_size_0:
called_computation_lowered:
.L_overlay_start_0:
0x88: {  	s2 =	sld [smem:$0x3FD9]  }
0x89: {  	s3 =	sld [smem:$0x3FFE];
	_ =	sdelay $0x1  }
0x8a: {  	s1 =	srdreg.scid  }
0x8b: {  	s0 =	sand.u32 $0x1, s1  }
0x8c: {  	s17 =	sshll.u32 s0, $0xA;
	s2 =	sadd.s32 s3, s2  }
0x8d: {  	s2 =	sadd.s32 s2, s17  }
0x8e: {  	[smem:$0x3FB8] =	sst s2  }
0x8f: {  	_ = 	snop  }
0x90: {  	s2 =	sld [smem:$0x3FD0];
	(tm) =	ssettm $0x1  }
0x91: {  	s18 =	sld [smem:$0x3FFB];
	_ =	sdelay $0x3  }
0x92: {  	_ =	strace s18  }
0x93: {  	s3 =	sld [smem:$0x3FFC];
	_ =	sdelay $0x3  }
0x94: {  	_ =	strace s3  }
0x95: {  	s3 =	sld [smem:$0x3FFD];
	_ =	sdelay $0x3  }
0x96: {  	_ =	strace s3  }
0x97: {  	_ =	strace $0x8FFFFFFF  }
0x98: {  	s19 =	sld [smem:$0x3FDB];
	_ =	sdelay $0x1  }
0x99: {  	s4 =	simm.s32 $_scs_section_size  }
0x9a: {  	s5 =	simm.s32 $_size__tile_overlayer_lowered;
	s6 =	simm.s32 $_tile_overlayer_lowered  }
0x9b: {  	s22 =	simm.s32 $0x1BFF;
	s21 =	sshll.u32 s6, $0x1;
	s3 =	sadd.s32 s4, s19  }
0x9c: {  	s7 =	simm.s32 $0x0;
	s20 =	sshll.u32 s5, $0x1;
	s5 =	sadd.s32 s21, s3  }
0x9d: {  	[timem:s7], [sflag:s22] =	dma.local [hbm:s5], s20  }
0x9e: {  	_ =	swait.ge [sflag:s22], s20  }
0x9f: {  	s4 =	ssub.s32 $0x0, s20;
	[sflag:s22] =	ssyncset.done $0x0  }
0xa0: {  	[sflag:s22] =	ssyncadd.s32 s4;
	_ =	sdelay $0x1  }
0xa1: {  	s23 =	simm.s32 $0x1B8B  }
0xa2: {  	_ =	swait.ge [sflag:s23], $0x1  }
0xa3: {  	[sflag:s23] =	ssyncset.done $0x0  }
0xa4: {  	s25 =	simm.s32 $0x1B8E;
	s24 =	sld [smem:$0x3FFE];
	[sflag:s23] =	ssyncadd.s32 $0xFFFFFFFF  }
0xa5: {  	s26 =	simm.s32 $execute0_lowered;
	[smem:$0x3FD2] =	sst s25  }
0xa6: {  	s5 =	sshll.u32 s26, $0x1;
	_ =	strace $0x80000046;
	[dreg:$0x1] =	wrdreg $0xFFFFFFFF  }
0xa7: {  	s28 =	simm.s32 $_size_execute0_lowered;
	s3 =	sadd.s32 s3, s5;
	[dreg:$0x0] =	wrdreg $0x0  }
0xa8: {  	s5 =	sshll.u32 s28, $0x1;
	[dreg:$0x2] =	wrdreg s3  }
0xa9: {  	[dreg:$0x3] =	wrdreg s5  }
0xaa: {  	[dreg:$0x4] =	wrdreg $0xC0  }
0xab: {  	_ =	task [dreg:s7], $0x5FFFF  }
0xac: {  	[dreg:$0x1] =	wrdreg $0xFFFFFFFF  }
0xad: {  	[dreg:$0x0] =	wrdreg $0x60  }
0xae: {  	[dreg:$0x2] =	wrdreg s24  }
0xaf: {  	[dreg:$0x3] =	wrdreg s2  }
0xb0: {  	[dreg:$0x4] =	wrdreg $0x9  }
0xb1: {  	_ =	task.clear_ibuf [dreg:s7], $0x5FFFF;
	_ =	strace $0x90000046  }
0xb2: {  	s29 =	simm.s32 $0x9;
	_ =	strace $0x80000048  }
0xb3: {  	_ =	swait.ge [sflag:s29], $0x1  }
0xb4: {  	[sflag:s29] =	ssyncadd.s32 $0xFFFFFFFF  }
0xb5: {  	_ =	strace $0x90000048  }
0xb6: {  	_ =	sfence  }
0xb7: {  	s30 =	sld [smem:$0x0];
	_ =	sdelay $0x2  }
0xb8: {  	s31 =	sshll.u32 s1, $0xD;
	s1 =	sshrl.u32 s1, $0x2  }
0xb9: {  	s3 =	sand.u32 $0x4000, s31;
	s1 =	sadd.s32 s1, s30  }
0xba: {  	s0 =	sor.u32 s3, s0;
	s1 =	sshll.u32 s1, $0x11  }
0xbb: {  	s0 =	sor.u32 s1, s0  }
0xbc: {  	s0 =	sadd.s32 $0x8F2B, s0  }
0xbd: {  	[sflag:s0] =	ssyncadd.remote.s32 $0x1  }
0xbe: {  	_ =	sfence.sel $0xFFFF  }
0xbf: {  	[dreg:$0x0] =	wrdreg $0xFFFFFFFF;
	(pc) =	sbr.abs _section_cstart, $3  }
0xc0: {  	[dreg:$0x1] =	wrdreg $0xFFFFFFFF  }
0xc1: {  	_ =	task.clear_ibuf [dreg:s7], $0x2FFFF;
	_ =	strace $0x9FFFFFFF  }
0xc2: {  	(tm) =	ssettm $0x7FFFFFFF  }
0xc3: {  	_ =	shalt  }
tec
execute0_lowered:
.L_overlay_start_1:
0x0: {  	(tag) =	ssettag $0x1  }
0x1: {  	s3 =	rddreg [dreg:$0x0]  }
0x2: {  	s1 =	rddreg [dreg:$0x1];
	s2 =	simm.s32 $0x0  }
0x3: {  	s15 =	simm.s32 $0x1C00;
	[smem:$0x7FF] =	sst s2  }
0x4: {  	s16 =	simm.s32 $0x100;
	_ =	strace $0x80000047;
	[dreg:$0x7] =	wrdreg s15  }
0x5: {  	s17 =	simm.s32 $0x2400;
	[dreg:$0x8] =	wrdreg s16  }
0x6: {  	s18 =	simm.s32 $0x180;
	[dreg:$0x9] =	wrdreg s17  }
0x7: {  	s19 =	simm.s32 $0x2C00;
	[dreg:$0xa] =	wrdreg s18  }
0x8: {  	s20 =	simm.s32 $0x200;
	[dreg:$0xb] =	wrdreg s19  }
0x9: {  	s21 =	simm.s32 $0x3400;
	[dreg:$0xc] =	wrdreg s20  }
0xa: {  	s22 =	simm.s32 $0x280;
	[dreg:$0xd] =	wrdreg s21  }
0xb: {  	s23 =	simm.s32 $0x3C00;
	[dreg:$0xe] =	wrdreg s22  }
0xc: {  	s24 =	simm.s32 $0x300;
	[dreg:$0xf] =	wrdreg s23  }
0xd: {  	s28 =	simm.s32 $0x4400;
	[dreg:$0x10] =	wrdreg s24  }
0xe: {  	s29 =	simm.s32 $0x380;
	[dreg:$0x11] =	wrdreg s28  }
0xf: {  	s30 =	simm.s32 $0x4C00;
	[dreg:$0x12] =	wrdreg s29  }
0x10: {  	s0 =	srdreg.scid;
	s31 =	simm.s32 $0x400;
	[dreg:$0x13] =	wrdreg s30  }
0x11: {  	s25 =	sand.u32 $0x1, s0;
	s0 =	simm.s32 $0x5400;
	[dreg:$0x14] =	wrdreg s31  }
0x12: {  	s26 =	stileid.u32;
	s8 =	simm.s32 $0x580;
	[dreg:$0x15] =	wrdreg s0  }
0x13: {  	s9 =	simm.s32 $0x6C00;
	s10 =	sshll.u32 s26, $0x1;
	[dreg:$0x1a] =	wrdreg s8  }
0x14: {  	s4 =	sor.u32 s25, s10;
	[dreg:$0x1b] =	wrdreg s9;
	s10 =	simm.s32 $0x600  }
0x15: {  	s15 =	simm.s32 $0x8400;
	[dreg:$0x1c] =	wrdreg s10  }
0x16: {  	s16 =	simm.s32 $0x780;
	[smem:$0x7DE] =	sst s15  }
0x17: {  	s17 =	simm.s32 $0x8C00;
	[smem:$0x7E1] =	sst s16  }
0x18: {  	s18 =	simm.s32 $0x800;
	[smem:$0x7E0] =	sst s17  }
0x19: {  	s19 =	simm.s32 $0x9400;
	[smem:$0x7E7] =	sst s18  }
0x1a: {  	s20 =	simm.s32 $0x880;
	[smem:$0x7E8] =	sst s19  }
0x1b: {  	s21 =	simm.s32 $0x9C00;
	[smem:$0x7E4] =	sst s20  }
0x1c: {  	s22 =	simm.s32 $0x900;
	[smem:$0x7EA] =	sst s21  }
0x1d: {  	s23 =	simm.s32 $0xA400;
	[smem:$0x7E6] =	sst s22  }
0x1e: {  	s24 =	simm.s32 $0x980;
	[smem:$0x7E3] =	sst s23  }
0x1f: {  	s28 =	simm.s32 $0xAC00;
	[smem:$0x7EB] =	sst s24  }
0x20: {  	s29 =	simm.s32 $0xA00;
	[smem:$0x7E9] =	sst s28  }
0x21: {  	s30 =	simm.s32 $0xB400;
	[smem:$0x7EC] =	sst s29  }
0x22: {  	s31 =	simm.s32 $0xA80;
	[smem:$0x7E5] =	sst s30  }
0x23: {  	s0 =	simm.s32 $0xBC00;
	[smem:$0x7EE] =	sst s31  }
0x24: {  	s8 =	simm.s32 $0xC00;
	[smem:$0x7ED] =	sst s0  }
0x25: {  	s9 =	simm.s32 $0xD400;
	[smem:$0x7F7] =	sst s8  }
0x26: {  	[smem:$0x7F4] =	sst s9;
	s10 =	simm.s32 $0xC80  }
0x27: {  	s11 =	sadd.s32 $0x3600, s3;
	s15 =	simm.s32 $0xEC00;
	[smem:$0x7F5] =	sst s10  }
0x28: {  	s3 =	sadd.s32 $0xD400, s3;
	s16 =	simm.s32 $0xE00;
	[smem:$0x7F8] =	sst s15  }
0x29: {  	s5 =	smul.u32 $0x27, s4;
	s17 =	simm.s32 $0xF400;
	[smem:$0x7FC] =	sst s16  }
0x2a: {  	s4 =	smin.u32 s4, $0x2;
	s18 =	simm.s32 $0xE80;
	[smem:$0x7FA] =	sst s17  }
0x2b: {  	s20 =	simm.s32 $0xFC00;
	[smem:$0x7FD] =	sst s18;
	s4 =	sadd.s32 s4, s5  }
0x2c: {  	[smem:$0x7F2] =	sst s20;
	s5 =	simm.s32 $0x5C00;
	s6 =	sshll.u32 s4, $0x4  }
0x2d: {  	s7 =	sshll.u32 s4, $0x7;
	[dreg:$0x17] =	wrdreg s5;
	s5 =	simm.s32 $0xC400  }
0x2e: {  	s4 =	sshll.u32 s4, $0x8;
	s6 =	sadd.s32 s11, s6;
	[smem:$0x7E2] =	sst s5  }
0x2f: {  	s12 =	sadd.s32 $0x1380, s7;
	s4 =	sadd.s32 s3, s4;
	[dreg:$0x3] =	wrdreg s6  }
0x30: {  	s7 =	sshrl.u32 s12, $0x3;
	[dreg:$0x4] =	wrdreg s4;
	s4 =	simm.s32 $0x480  }
0x31: {  	s6 =	sshll.u32 s12, $0x1;
	s12 =	simm.s32 $0x680;
	[dreg:$0x16] =	wrdreg s4  }
0x32: {  	[dreg:$0x1e] =	wrdreg s12  }
0x33: {  	s13 =	sadd.s32 s11, s7;
	s19 =	rddreg [dreg:$0x3]  }
0x34: {  	s14 =	sand.u32 $0x1FFFFF00, s6;
	s6 =	simm.s32 $0x500;
	[dreg:$0x5] =	wrdreg s13  }
0x35: {  	s7 =	simm.s32 $0x6400;
	[dreg:$0x18] =	wrdreg s6  }
0x36: {  	s11 =	simm.s32 $0x7400;
	[dreg:$0x19] =	wrdreg s7  }
0x37: {  	s4 =	simm.s32 $0xB00;
	[dreg:$0x1d] =	wrdreg s11  }
0x38: {  	s12 =	simm.s32 $0xD00;
	[smem:$0x7EF] =	sst s4  }
0x39: {  	s3 =	sadd.s32 s3, s14;
	[smem:$0x7F9] =	sst s12  }
0x3a: {  	[tilespmem:s2], [sflag:$0x2] =	stream.linear.gather [hbm4b:s19+s2], $0x1380, $0x38;
	[tilespmem:$0x15400] =	vst v63  }
0x3b: {  	s13 =	simm.s32 $0x7C00;
	[dreg:$0x6] =	wrdreg s3  }
0x3c: {  	s14 =	simm.s32 $0x700;
	[dreg:$0x1f] =	wrdreg s13  }
0x3d: {  	s6 =	simm.s32 $0xB80;
	[smem:$0x7DF] =	sst s14  }
0x3e: {  	s7 =	simm.s32 $0xCC00;
	[smem:$0x7F1] =	sst s6  }
0x3f: {  	s11 =	simm.s32 $0xDC00;
	[smem:$0x7F0] =	sst s7  }
0x40: {  	[smem:$0x7F3] =	sst s11;
	s13 =	simm.s32 $0xE400  }
0x41: {  	s14 =	simm.s32 $0xD80;
	[smem:$0x7F6] =	sst s13  }
0x42: {  	s3 =	simm.s32 $0x2;
	[smem:$0x7FB] =	sst s14  }
0x43: {  	_ =	swait.ge [sflag:s3], $0x1380  }
0x44: {  	s21 =	rddreg [dreg:$0xa]  }
0x45: {  	s22 =	rddreg [dreg:$0xd]  }
0x46: {  	s8 =	rddreg [dreg:$0xf]  }
0x47: {  	s9 =	rddreg [dreg:$0x8]  }
0x48: {  	s5 =	simm.s32 $0x80;
	[sflag:s3] =	ssyncset.done $0x0;
	s10 =	rddreg [dreg:$0x7]  }
0x49: {  	s4 =	simm.s32 $0x1400;
	s11 =	rddreg [dreg:$0x9];
	[sflag:s3] =	ssyncadd.s32 $0xFFFFEC80  }
0x4a: {  	[tilespmem:s4], [sflag:$0x1] =	stream.indirect.gather [hbm4b:s1+s5], $0x10, s2, s5, $0xb8;
	[tilespmem:$0x15400] =	vst v63  }
0x4b: {  	s12 =	rddreg [dreg:$0xb]  }
0x4c: {  	[tilespmem:s10], [sflag:$0x1] =	stream.indirect.gather [hbm4b:s1+s5], $0x10, s5, s5, $0xb8;
	[tilespmem:$0x15400] =	vst v63  }
0x4d: {  	s13 =	rddreg [dreg:$0xc]  }
0x4e: {  	[tilespmem:s11], [sflag:$0x1] =	stream.indirect.gather [hbm4b:s1+s5], $0x10, s9, s5, $0xb8;
	[tilespmem:$0x15400] =	vst v63  }
0x4f: {  	s23 =	rddreg [dreg:$0xe]  }
0x50: {  	[tilespmem:s12], [sflag:$0x1] =	stream.indirect.gather [hbm4b:s1+s5], $0x10, s21, s5, $0xb8;
	[tilespmem:$0x15400] =	vst v63  }
0x51: {  	s24 =	rddreg [dreg:$0x11]  }
0x52: {  	[tilespmem:s22], [sflag:$0x1] =	stream.indirect.gather [hbm4b:s1+s5], $0x10, s13, s5, $0xb8;
	[tilespmem:$0x15400] =	vst v63  }
0x53: {  	s28 =	rddreg [dreg:$0x10]  }
0x54: {  	[tilespmem:s8], [sflag:$0x1] =	stream.indirect.gather [hbm4b:s1+s5], $0x10, s23, s5, $0xb8;
	[tilespmem:$0x15400] =	vst v63  }
0x55: {  	s29 =	rddreg [dreg:$0x12]  }
0x56: {  	[tilespmem:s24], [sflag:$0x1] =	stream.indirect.gather [hbm4b:s1+s5], $0x10, s28, s5, $0xb8;
	[tilespmem:$0x15400] =	vst v63  }
0x57: {  	s6 =	simm.s32 $0x1;
	s30 =	rddreg [dreg:$0x13]  }
0x58: {  	[tilespmem:s30], [sflag:$0x1] =	stream.indirect.gather [hbm4b:s1+s5], $0x10, s29, s5, $0xb8;
	[tilespmem:$0x15400] =	vst v63  }
0x59: {  	_ =	swait.ge [sflag:s6], $0x800  }
0x5a: {  	[sflag:s6] =	ssyncset.done $0x0  }
0x5b: {  	[sflag:s6] =	ssyncadd.s32 $0xFFFFF800  }
0x5c: {  	_ =	swait.ge [sflag:s6], $0x800  }
0x5d: {  	[sflag:s6] =	ssyncset.done $0x0  }
0x5e: {  	[sflag:s6] =	ssyncadd.s32 $0xFFFFF800  }
0x5f: {  	_ =	swait.ge [sflag:s6], $0x800  }
0x60: {  	[sflag:s6] =	ssyncset.done $0x0  }
0x61: {  	[sflag:s6] =	ssyncadd.s32 $0xFFFFF800  }
0x62: {  	_ =	swait.ge [sflag:s6], $0x800  }
0x63: {  	[sflag:s6] =	ssyncset.done $0x0  }
0x64: {  	[sflag:s6] =	ssyncadd.s32 $0xFFFFF800  }
0x65: {  	_ =	swait.ge [sflag:s6], $0x800  }
0x66: {  	[sflag:s6] =	ssyncset.done $0x0  }
0x67: {  	[sflag:s6] =	ssyncadd.s32 $0xFFFFF800  }
0x68: {  	_ =	swait.ge [sflag:s6], $0x800  }
0x69: {  	[sflag:s6] =	ssyncset.done $0x0  }
0x6a: {  	[sflag:s6] =	ssyncadd.s32 $0xFFFFF800  }
0x6b: {  	_ =	swait.ge [sflag:s6], $0x800  }
0x6c: {  	[sflag:s6] =	ssyncset.done $0x0  }
0x6d: {  	[sflag:s6] =	ssyncadd.s32 $0xFFFFF800  }
0x6e: {  	_ =	swait.ge [sflag:s6], $0x800  }
0x6f: {  	s31 =	rddreg [dreg:$0x18]  }
0x70: {  	s0 =	sld [smem:$0x7DE]  }
0x71: {  	s13 =	rddreg [dreg:$0x14]  }
0x72: {  	s17 =	rddreg [dreg:$0x16]  }
0x73: {  	s18 =	rddreg [dreg:$0x17]  }
0x74: {  	s19 =	rddreg [dreg:$0x19]  }
0x75: {  	s20 =	rddreg [dreg:$0x15]  }
0x76: {  	s14 =	rddreg [dreg:$0x1a]  }
0x77: {  	[sflag:s6] =	ssyncset.done $0x0;
	s15 =	rddreg [dreg:$0x1f]  }
0x78: {  	s16 =	rddreg [dreg:$0x1d];
	[sflag:s6] =	ssyncadd.s32 $0xFFFFF800  }
0x79: {  	[tilespmem:s20], [sflag:$0x1] =	stream.indirect.gather [hbm4b:s1+s5], $0x10, s13, s5, $0xb8;
	[tilespmem:$0x15400] =	vst v63  }
0x7a: {  	s21 =	rddreg [dreg:$0x1b]  }
0x7b: {  	[tilespmem:s18], [sflag:$0x1] =	stream.indirect.gather [hbm4b:s1+s5], $0x10, s17, s5, $0xb8;
	[tilespmem:$0x15400] =	vst v63  }
0x7c: {  	s22 =	rddreg [dreg:$0x1c]  }
0x7d: {  	[tilespmem:s19], [sflag:$0x1] =	stream.indirect.gather [hbm4b:s1+s5], $0x10, s31, s5, $0xb8;
	[tilespmem:$0x15400] =	vst v63  }
0x7e: {  	s23 =	rddreg [dreg:$0x1e]  }
0x7f: {  	[tilespmem:s21], [sflag:$0x1] =	stream.indirect.gather [hbm4b:s1+s5], $0x10, s14, s5, $0xb8;
	[tilespmem:$0x15400] =	vst v63  }
0x80: {  	s24 =	sld [smem:$0x7DF]  }
0x81: {  	[tilespmem:s16], [sflag:$0x1] =	stream.indirect.gather [hbm4b:s1+s5], $0x10, s22, s5, $0xb8;
	[tilespmem:$0x15400] =	vst v63  }
0x82: {  	s28 =	sld [smem:$0x7E0]  }
0x83: {  	[tilespmem:s15], [sflag:$0x1] =	stream.indirect.gather [hbm4b:s1+s5], $0x10, s23, s5, $0xb8;
	[tilespmem:$0x15400] =	vst v63  }
0x84: {  	s29 =	sld [smem:$0x7E1]  }
0x85: {  	[tilespmem:s0], [sflag:$0x1] =	stream.indirect.gather [hbm4b:s1+s5], $0x10, s24, s5, $0xb8;
	[tilespmem:$0x15400] =	vst v63  }
0x86: {  	_ = 	snop  }
0x87: {  	[tilespmem:s28], [sflag:$0x1] =	stream.indirect.gather [hbm4b:s1+s5], $0x10, s29, s5, $0xb8;
	[tilespmem:$0x15400] =	vst v63  }
0x88: {  	_ =	swait.ge [sflag:s6], $0x800  }
0x89: {  	[sflag:s6] =	ssyncset.done $0x0  }
0x8a: {  	[sflag:s6] =	ssyncadd.s32 $0xFFFFF800  }
0x8b: {  	_ =	swait.ge [sflag:s6], $0x800  }
0x8c: {  	[sflag:s6] =	ssyncset.done $0x0  }
0x8d: {  	[sflag:s6] =	ssyncadd.s32 $0xFFFFF800  }
0x8e: {  	_ =	swait.ge [sflag:s6], $0x800  }
0x8f: {  	[sflag:s6] =	ssyncset.done $0x0  }
0x90: {  	[sflag:s6] =	ssyncadd.s32 $0xFFFFF800  }
0x91: {  	_ =	swait.ge [sflag:s6], $0x800  }
0x92: {  	[sflag:s6] =	ssyncset.done $0x0  }
0x93: {  	[sflag:s6] =	ssyncadd.s32 $0xFFFFF800  }
0x94: {  	_ =	swait.ge [sflag:s6], $0x800  }
0x95: {  	[sflag:s6] =	ssyncset.done $0x0  }
0x96: {  	[sflag:s6] =	ssyncadd.s32 $0xFFFFF800  }
0x97: {  	_ =	swait.ge [sflag:s6], $0x800  }
0x98: {  	[sflag:s6] =	ssyncset.done $0x0  }
0x99: {  	[sflag:s6] =	ssyncadd.s32 $0xFFFFF800  }
0x9a: {  	_ =	swait.ge [sflag:s6], $0x800  }
0x9b: {  	[sflag:s6] =	ssyncset.done $0x0  }
0x9c: {  	[sflag:s6] =	ssyncadd.s32 $0xFFFFF800  }
0x9d: {  	_ =	swait.ge [sflag:s6], $0x800  }
0x9e: {  	s7 =	sld [smem:$0x7E2]  }
0x9f: {  	s30 =	sld [smem:$0x7E3]  }
0xa0: {  	s31 =	sld [smem:$0x7E4]  }
0xa1: {  	s0 =	sld [smem:$0x7E5]  }
0xa2: {  	s17 =	sld [smem:$0x7E6]  }
0xa3: {  	s18 =	sld [smem:$0x7E7]  }
0xa4: {  	s19 =	sld [smem:$0x7E8]  }
0xa5: {  	s20 =	sld [smem:$0x7E9]  }
0xa6: {  	[sflag:s6] =	ssyncset.done $0x0;
	s21 =	sld [smem:$0x7EA]  }
0xa7: {  	s22 =	sld [smem:$0x7EB];
	[sflag:s6] =	ssyncadd.s32 $0xFFFFF800  }
0xa8: {  	[tilespmem:s19], [sflag:$0x1] =	stream.indirect.gather [hbm4b:s1+s5], $0x10, s18, s5, $0xb8;
	[tilespmem:$0x15400] =	vst v63  }
0xa9: {  	s23 =	sld [smem:$0x7EC]  }
0xaa: {  	[tilespmem:s21], [sflag:$0x1] =	stream.indirect.gather [hbm4b:s1+s5], $0x10, s31, s5, $0xb8;
	[tilespmem:$0x15400] =	vst v63  }
0xab: {  	s24 =	sld [smem:$0x7ED]  }
0xac: {  	[tilespmem:s30], [sflag:$0x1] =	stream.indirect.gather [hbm4b:s1+s5], $0x10, s17, s5, $0xb8;
	[tilespmem:$0x15400] =	vst v63  }
0xad: {  	s28 =	sld [smem:$0x7EE]  }
0xae: {  	[tilespmem:s20], [sflag:$0x1] =	stream.indirect.gather [hbm4b:s1+s5], $0x10, s22, s5, $0xb8;
	[tilespmem:$0x15400] =	vst v63  }
0xaf: {  	s29 =	sld [smem:$0x7EF]  }
0xb0: {  	[tilespmem:s0], [sflag:$0x1] =	stream.indirect.gather [hbm4b:s1+s5], $0x10, s23, s5, $0xb8;
	[tilespmem:$0x15400] =	vst v63  }
0xb1: {  	s31 =	sld [smem:$0x7F1]  }
0xb2: {  	[tilespmem:s24], [sflag:$0x1] =	stream.indirect.gather [hbm4b:s1+s5], $0x10, s28, s5, $0xb8;
	[tilespmem:$0x15400] =	vst v63  }
0xb3: {  	s30 =	sld [smem:$0x7F0]  }
0xb4: {  	[tilespmem:s7], [sflag:$0x1] =	stream.indirect.gather [hbm4b:s1+s5], $0x10, s29, s5, $0xb8;
	[tilespmem:$0x15400] =	vst v63  }
0xb5: {  	_ = 	snop  }
0xb6: {  	[tilespmem:s30], [sflag:$0x1] =	stream.indirect.gather [hbm4b:s1+s5], $0x10, s31, s5, $0xb8;
	[tilespmem:$0x15400] =	vst v63  }
0xb7: {  	_ =	swait.ge [sflag:s6], $0x800  }
0xb8: {  	[sflag:s6] =	ssyncset.done $0x0  }
0xb9: {  	[sflag:s6] =	ssyncadd.s32 $0xFFFFF800  }
0xba: {  	_ =	swait.ge [sflag:s6], $0x800  }
0xbb: {  	[sflag:s6] =	ssyncset.done $0x0  }
0xbc: {  	[sflag:s6] =	ssyncadd.s32 $0xFFFFF800  }
0xbd: {  	_ =	swait.ge [sflag:s6], $0x800  }
0xbe: {  	[sflag:s6] =	ssyncset.done $0x0  }
0xbf: {  	[sflag:s6] =	ssyncadd.s32 $0xFFFFF800  }
0xc0: {  	_ =	swait.ge [sflag:s6], $0x800  }
0xc1: {  	[sflag:s6] =	ssyncset.done $0x0  }
0xc2: {  	[sflag:s6] =	ssyncadd.s32 $0xFFFFF800  }
0xc3: {  	_ =	swait.ge [sflag:s6], $0x800  }
0xc4: {  	[sflag:s6] =	ssyncset.done $0x0  }
0xc5: {  	[sflag:s6] =	ssyncadd.s32 $0xFFFFF800  }
0xc6: {  	_ =	swait.ge [sflag:s6], $0x800  }
0xc7: {  	[sflag:s6] =	ssyncset.done $0x0  }
0xc8: {  	[sflag:s6] =	ssyncadd.s32 $0xFFFFF800  }
0xc9: {  	_ =	swait.ge [sflag:s6], $0x800  }
0xca: {  	[sflag:s6] =	ssyncset.done $0x0  }
0xcb: {  	[sflag:s6] =	ssyncadd.s32 $0xFFFFF800  }
0xcc: {  	_ =	swait.ge [sflag:s6], $0x800  }
0xcd: {  	s0 =	sld [smem:$0x7F2]  }
0xce: {  	s14 =	sld [smem:$0x7F3]  }
0xcf: {  	s15 =	sld [smem:$0x7F4]  }
0xd0: {  	s16 =	sld [smem:$0x7F5]  }
0xd1: {  	s17 =	sld [smem:$0x7F6]  }
0xd2: {  	s18 =	sld [smem:$0x7F7]  }
0xd3: {  	[sflag:s6] =	ssyncset.done $0x0;
	s19 =	sld [smem:$0x7F8]  }
0xd4: {  	s20 =	sld [smem:$0x7F9];
	[sflag:s6] =	ssyncadd.s32 $0xFFFFF800  }
0xd5: {  	[tilespmem:s15], [sflag:$0x1] =	stream.indirect.gather [hbm4b:s1+s5], $0x10, s18, s5, $0xb8;
	[tilespmem:$0x15400] =	vst v63  }
0xd6: {  	s21 =	sld [smem:$0x7FA]  }
0xd7: {  	[tilespmem:s14], [sflag:$0x1] =	stream.indirect.gather [hbm4b:s1+s5], $0x10, s16, s5, $0xb8;
	[tilespmem:$0x15400] =	vst v63  }
0xd8: {  	s22 =	sld [smem:$0x7FB]  }
0xd9: {  	[tilespmem:s17], [sflag:$0x1] =	stream.indirect.gather [hbm4b:s1+s5], $0x10, s20, s5, $0xb8;
	[tilespmem:$0x15400] =	vst v63  }
0xda: {  	s23 =	sld [smem:$0x7FC]  }
0xdb: {  	[tilespmem:s19], [sflag:$0x1] =	stream.indirect.gather [hbm4b:s1+s5], $0x10, s22, s5, $0xb8;
	[tilespmem:$0x15400] =	vst v63  }
0xdc: {  	s24 =	sld [smem:$0x7FD]  }
0xdd: {  	[tilespmem:s21], [sflag:$0x1] =	stream.indirect.gather [hbm4b:s1+s5], $0x10, s23, s5, $0xb8;
	[tilespmem:$0x15400] =	vst v63  }
0xde: {  	_ = 	snop  }
0xdf: {  	[tilespmem:s0], [sflag:$0x1] =	stream.indirect.gather [hbm4b:s1+s5], $0x10, s24, s5, $0xb8;
	[tilespmem:$0x15400] =	vst v63  }
0xe0: {  	s28 =	simm.s32 $0xF00;
	s29 =	simm.s32 $0x10400  }
0xe1: {  	[tilespmem:s29], [sflag:$0x1] =	stream.indirect.gather [hbm4b:s1+s5], $0x10, s28, s5, $0xb8;
	[tilespmem:$0x15400] =	vst v63  }
0xe2: {  	s30 =	simm.s32 $0xF80;
	s31 =	simm.s32 $0x10C00  }
0xe3: {  	[tilespmem:s31], [sflag:$0x1] =	stream.indirect.gather [hbm4b:s1+s5], $0x10, s30, s5, $0xb8;
	[tilespmem:$0x15400] =	vst v63  }
0xe4: {  	_ =	swait.ge [sflag:s6], $0x800  }
0xe5: {  	[sflag:s6] =	ssyncset.done $0x0  }
0xe6: {  	[sflag:s6] =	ssyncadd.s32 $0xFFFFF800  }
0xe7: {  	_ =	swait.ge [sflag:s6], $0x800  }
0xe8: {  	[sflag:s6] =	ssyncset.done $0x0  }
0xe9: {  	[sflag:s6] =	ssyncadd.s32 $0xFFFFF800  }
0xea: {  	_ =	swait.ge [sflag:s6], $0x800  }
0xeb: {  	[sflag:s6] =	ssyncset.done $0x0  }
0xec: {  	[sflag:s6] =	ssyncadd.s32 $0xFFFFF800  }
0xed: {  	_ =	swait.ge [sflag:s6], $0x800  }
0xee: {  	[sflag:s6] =	ssyncset.done $0x0  }
0xef: {  	[sflag:s6] =	ssyncadd.s32 $0xFFFFF800  }
0xf0: {  	_ =	swait.ge [sflag:s6], $0x800  }
0xf1: {  	[sflag:s6] =	ssyncset.done $0x0  }
0xf2: {  	[sflag:s6] =	ssyncadd.s32 $0xFFFFF800  }
0xf3: {  	_ =	swait.ge [sflag:s6], $0x800  }
0xf4: {  	[sflag:s6] =	ssyncset.done $0x0  }
0xf5: {  	[sflag:s6] =	ssyncadd.s32 $0xFFFFF800  }
0xf6: {  	_ =	swait.ge [sflag:s6], $0x800  }
0xf7: {  	[sflag:s6] =	ssyncset.done $0x0  }
0xf8: {  	[sflag:s6] =	ssyncadd.s32 $0xFFFFF800  }
0xf9: {  	_ =	swait.ge [sflag:s6], $0x800  }
0xfa: {  	[sflag:s6] =	ssyncset.done $0x0  }
0xfb: {  	s11 =	simm.s32 $0x1000;
	s12 =	simm.s32 $0x11400;
	[sflag:s6] =	ssyncadd.s32 $0xFFFFF800  }
0xfc: {  	[tilespmem:s12], [sflag:$0x1] =	stream.indirect.gather [hbm4b:s1+s5], $0x10, s11, s5, $0xb8;
	[tilespmem:$0x15400] =	vst v63  }
0xfd: {  	s13 =	simm.s32 $0x1080;
	s14 =	simm.s32 $0x11C00  }
0xfe: {  	[tilespmem:s14], [sflag:$0x1] =	stream.indirect.gather [hbm4b:s1+s5], $0x10, s13, s5, $0xb8;
	[tilespmem:$0x15400] =	vst v63  }
0xff: {  	s15 =	simm.s32 $0x1100;
	s16 =	simm.s32 $0x12400  }
0x100: {  	[tilespmem:s16], [sflag:$0x1] =	stream.indirect.gather [hbm4b:s1+s5], $0x10, s15, s5, $0xb8;
	[tilespmem:$0x15400] =	vst v63  }
0x101: {  	s18 =	simm.s32 $0x12C00;
	s17 =	simm.s32 $0x1180  }
0x102: {  	[tilespmem:s18], [sflag:$0x1] =	stream.indirect.gather [hbm4b:s1+s5], $0x10, s17, s5, $0xb8;
	[tilespmem:$0x15400] =	vst v63  }
0x103: {  	s20 =	simm.s32 $0x13400;
	s19 =	simm.s32 $0x1200  }
0x104: {  	[tilespmem:s20], [sflag:$0x1] =	stream.indirect.gather [hbm4b:s1+s5], $0x10, s19, s5, $0xb8;
	[tilespmem:$0x15400] =	vst v63  }
0x105: {  	s22 =	simm.s32 $0x13C00;
	s21 =	simm.s32 $0x1280  }
0x106: {  	[tilespmem:s22], [sflag:$0x1] =	stream.indirect.gather [hbm4b:s1+s5], $0x10, s21, s5, $0xb8;
	[tilespmem:$0x15400] =	vst v63  }
0x107: {  	s23 =	simm.s32 $0x1300;
	s24 =	simm.s32 $0x14400  }
0x108: {  	[tilespmem:s24], [sflag:$0x1] =	stream.indirect.gather [hbm4b:s1+s5], $0x10, s23, s5, $0xb8;
	[tilespmem:$0x15400] =	vst v63  }
0x109: {  	_ =	swait.ge [sflag:s6], $0x800  }
0x10a: {  	[sflag:s6] =	ssyncset.done $0x0  }
0x10b: {  	[sflag:s6] =	ssyncadd.s32 $0xFFFFF800  }
0x10c: {  	s25 =	ssub.s32 $0x2, s25;
	_ =	swait.ge [sflag:s6], $0x800  }
0x10d: {  	s28 =	sshrl.u32 s25, $0x1;
	[sflag:s6] =	ssyncset.done $0x0  }
0x10e: {  	s25 =	ssub.s32 s25, s28;
	[sflag:s6] =	ssyncadd.s32 $0xFFFFF800  }
0x10f: {  	s25 =	smax.u32 s25, $0x1;
	_ =	swait.ge [sflag:s6], $0x800  }
0x110: {  	s25 =	sadd.s32 $0xFFFFFFFF, s25;
	[sflag:s6] =	ssyncset.done $0x0  }
0x111: {  	p1 =	sne.s32 s25, $0x0;
	[sflag:s6] =	ssyncadd.s32 $0xFFFFF800  }
.Ltmp0:
0x112: {  	_ =	swait.ge [sflag:s6], $0x800;
	(pc) =	sbr.rel @!p1 .LBB2_2-.Ltmp0, $4  }
0x113: {  	[sflag:s6] =	ssyncset.done $0x0  }
0x114: {  	[sflag:s6] =	ssyncadd.s32 $0xFFFFF800  }
0x115: {  	_ =	swait.ge [sflag:s6], $0x800  }
0x116: {  	p0 =	sne.s32 s26, $0x0;
	[sflag:s6] =	ssyncset.done $0x0  }
.LBB2_1:
0x117: {  	[sflag:s6] =	ssyncadd.s32 $0xFFFFF800  }
0x118: {  	_ =	swait.ge [sflag:s6], $0x800  }
0x119: {  	[sflag:s6] =	ssyncset.done $0x0  }
0x11a: {  	[sflag:s6] =	ssyncadd.s32 $0xFFFFF800  }
0x11b: {  	_ =	swait.ge [sflag:s6], $0x800  }
0x11c: {  	[sflag:s6] =	ssyncset.done $0x0  }
0x11d: {  	s26 =	rddreg [dreg:$0x4];
	[sflag:s6] =	ssyncadd.s32 $0xFFFFF800  }
0x11e: {  	[hbm4b:s26+s2] =	stream.linear.scatter [tilespmem:s4], [sflag:$0x2], $0x13800, $0x38;
	[tilespmem:$0x15400] =	vst v63  }
0x11f: {  	_ =	swait.ge [sflag:s3], $0x13800  }
0x120: {  	s28 =	simm.s32 @!p0 $0x0;
	s29 =	simm.s32 @!p0 $0x1380;
	[sflag:s3] =	ssyncset.done $0x0  }
0x121: {  	s30 =	simm.s32 @!p0 $0x2;
	s26 =	rddreg [dreg:$0x5];
	[sflag:s3] =	ssyncadd.s32 $0xFFFEC800  }
0x122: {  	[tilespmem:s29], [sflag:$0x2] =	stream.linear.gather @!p0 [hbm4b:s26+s28], $0x80, $0x38;
	[tilespmem:$0x15400] =	vst v63  }
0x123: {  	_ =	swait.ge @!p0 [sflag:s30], $0x80  }
0x124: {  	s31 =	simm.s32 @!p0 $0x14C00;
	[sflag:s30] =	ssyncset.done @!p0 $0x0  }
0x125: {  	s0 =	simm.s32 @!p0 $0x1;
	s26 =	simm.s32 @!p0 $0x80;
	[sflag:s30] =	ssyncadd.s32 @!p0 $0xFFFFFF80  }
0x126: {  	[tilespmem:s31], [sflag:$0x1] =	stream.indirect.gather @!p0 [hbm4b:s1+s26], $0x10, s29, s26, $0xb8;
	[tilespmem:$0x15400] =	vst v63  }
0x127: {  	_ =	swait.ge @!p0 [sflag:s0], $0x800  }
0x128: {  	[sflag:s0] =	ssyncset.done @!p0 $0x0  }
0x129: {  	s26 =	rddreg [dreg:$0x6];
	[sflag:s0] =	ssyncadd.s32 @!p0 $0xFFFFF800  }
0x12a: {  	[hbm4b:s26+s28] =	stream.linear.scatter @!p0 [tilespmem:s31], [sflag:$0x2], $0x800, $0x38;
	[tilespmem:$0x15400] =	vst v63  }
0x12b: {  	_ =	swait.ge @!p0 [sflag:s30], $0x800  }
0x12c: {  	[sflag:s30] =	ssyncset.done @!p0 $0x0  }
0x12d: {  	s8 =	rddreg [dreg:$0x3];
	[sflag:s30] =	ssyncadd.s32 @!p0 $0xFFFFF800  }
0x12e: {  	[tilespmem:s2], [sflag:$0x2] =	stream.linear.gather [hbm4b:s8+s2], $0x1380, $0x38;
	[tilespmem:$0x15400] =	vst v63  }
0x12f: {  	_ =	swait.ge [sflag:s3], $0x1380  }
0x130: {  	s0 =	rddreg [dreg:$0xa]  }
0x131: {  	s26 =	rddreg [dreg:$0xd]  }
0x132: {  	s28 =	rddreg [dreg:$0xf]  }
0x133: {  	s29 =	rddreg [dreg:$0x8]  }
0x134: {  	[sflag:s3] =	ssyncset.done $0x0;
	s9 =	rddreg [dreg:$0x7]  }
0x135: {  	s10 =	rddreg [dreg:$0x9];
	[sflag:s3] =	ssyncadd.s32 $0xFFFFEC80  }
0x136: {  	[tilespmem:s4], [sflag:$0x1] =	stream.indirect.gather [hbm4b:s1+s5], $0x10, s2, s5, $0xb8;
	[tilespmem:$0x15400] =	vst v63  }
0x137: {  	s7 =	rddreg [dreg:$0xb]  }
0x138: {  	[tilespmem:s9], [sflag:$0x1] =	stream.indirect.gather [hbm4b:s1+s5], $0x10, s5, s5, $0xb8;
	[tilespmem:$0x15400] =	vst v63  }
0x139: {  	s8 =	rddreg [dreg:$0xc]  }
0x13a: {  	[tilespmem:s10], [sflag:$0x1] =	stream.indirect.gather [hbm4b:s1+s5], $0x10, s29, s5, $0xb8;
	[tilespmem:$0x15400] =	vst v63  }
0x13b: {  	s30 =	rddreg [dreg:$0xe]  }
0x13c: {  	[tilespmem:s7], [sflag:$0x1] =	stream.indirect.gather [hbm4b:s1+s5], $0x10, s0, s5, $0xb8;
	[tilespmem:$0x15400] =	vst v63  }
0x13d: {  	s9 =	rddreg [dreg:$0x11]  }
0x13e: {  	[tilespmem:s26], [sflag:$0x1] =	stream.indirect.gather [hbm4b:s1+s5], $0x10, s8, s5, $0xb8;
	[tilespmem:$0x15400] =	vst v63  }
0x13f: {  	s10 =	rddreg [dreg:$0x10]  }
0x140: {  	[tilespmem:s28], [sflag:$0x1] =	stream.indirect.gather [hbm4b:s1+s5], $0x10, s30, s5, $0xb8;
	[tilespmem:$0x15400] =	vst v63  }
0x141: {  	s26 =	rddreg [dreg:$0x12]  }
0x142: {  	[tilespmem:s9], [sflag:$0x1] =	stream.indirect.gather [hbm4b:s1+s5], $0x10, s10, s5, $0xb8;
	[tilespmem:$0x15400] =	vst v63  }
0x143: {  	s28 =	rddreg [dreg:$0x13]  }
0x144: {  	[tilespmem:s28], [sflag:$0x1] =	stream.indirect.gather [hbm4b:s1+s5], $0x10, s26, s5, $0xb8;
	[tilespmem:$0x15400] =	vst v63  }
0x145: {  	_ =	swait.ge [sflag:s6], $0x800  }
0x146: {  	[sflag:s6] =	ssyncset.done $0x0  }
0x147: {  	[sflag:s6] =	ssyncadd.s32 $0xFFFFF800  }
0x148: {  	_ =	swait.ge [sflag:s6], $0x800  }
0x149: {  	[sflag:s6] =	ssyncset.done $0x0  }
0x14a: {  	[sflag:s6] =	ssyncadd.s32 $0xFFFFF800  }
0x14b: {  	_ =	swait.ge [sflag:s6], $0x800  }
0x14c: {  	[sflag:s6] =	ssyncset.done $0x0  }
0x14d: {  	[sflag:s6] =	ssyncadd.s32 $0xFFFFF800  }
0x14e: {  	_ =	swait.ge [sflag:s6], $0x800  }
0x14f: {  	[sflag:s6] =	ssyncset.done $0x0  }
0x150: {  	[sflag:s6] =	ssyncadd.s32 $0xFFFFF800  }
0x151: {  	_ =	swait.ge [sflag:s6], $0x800  }
0x152: {  	[sflag:s6] =	ssyncset.done $0x0  }
0x153: {  	[sflag:s6] =	ssyncadd.s32 $0xFFFFF800  }
0x154: {  	_ =	swait.ge [sflag:s6], $0x800  }
0x155: {  	[sflag:s6] =	ssyncset.done $0x0  }
0x156: {  	[sflag:s6] =	ssyncadd.s32 $0xFFFFF800  }
0x157: {  	_ =	swait.ge [sflag:s6], $0x800  }
0x158: {  	[sflag:s6] =	ssyncset.done $0x0  }
0x159: {  	[sflag:s6] =	ssyncadd.s32 $0xFFFFF800  }
0x15a: {  	_ =	swait.ge [sflag:s6], $0x800  }
0x15b: {  	s0 =	rddreg [dreg:$0x18]  }
0x15c: {  	s7 =	sld [smem:$0x7DE]  }
0x15d: {  	s8 =	rddreg [dreg:$0x14]  }
0x15e: {  	s26 =	rddreg [dreg:$0x16]  }
0x15f: {  	s28 =	rddreg [dreg:$0x17]  }
0x160: {  	s29 =	rddreg [dreg:$0x19]  }
0x161: {  	s30 =	rddreg [dreg:$0x15]  }
0x162: {  	s31 =	rddreg [dreg:$0x1a]  }
0x163: {  	[sflag:s6] =	ssyncset.done $0x0;
	s9 =	rddreg [dreg:$0x1f]  }
0x164: {  	s10 =	rddreg [dreg:$0x1d];
	[sflag:s6] =	ssyncadd.s32 $0xFFFFF800  }
0x165: {  	[tilespmem:s30], [sflag:$0x1] =	stream.indirect.gather [hbm4b:s1+s5], $0x10, s8, s5, $0xb8;
	[tilespmem:$0x15400] =	vst v63  }
0x166: {  	s30 =	rddreg [dreg:$0x1b]  }
0x167: {  	[tilespmem:s28], [sflag:$0x1] =	stream.indirect.gather [hbm4b:s1+s5], $0x10, s26, s5, $0xb8;
	[tilespmem:$0x15400] =	vst v63  }
0x168: {  	s28 =	rddreg [dreg:$0x1c]  }
0x169: {  	[tilespmem:s29], [sflag:$0x1] =	stream.indirect.gather [hbm4b:s1+s5], $0x10, s0, s5, $0xb8;
	[tilespmem:$0x15400] =	vst v63  }
0x16a: {  	s26 =	sld [smem:$0x7E1]  }
0x16b: {  	[tilespmem:s30], [sflag:$0x1] =	stream.indirect.gather [hbm4b:s1+s5], $0x10, s31, s5, $0xb8;
	[tilespmem:$0x15400] =	vst v63  }
0x16c: {  	s29 =	rddreg [dreg:$0x1e]  }
0x16d: {  	[tilespmem:s10], [sflag:$0x1] =	stream.indirect.gather [hbm4b:s1+s5], $0x10, s28, s5, $0xb8;
	[tilespmem:$0x15400] =	vst v63  }
0x16e: {  	s30 =	sld [smem:$0x7DF]  }
0x16f: {  	[tilespmem:s9], [sflag:$0x1] =	stream.indirect.gather [hbm4b:s1+s5], $0x10, s29, s5, $0xb8;
	[tilespmem:$0x15400] =	vst v63  }
0x170: {  	s31 =	sld [smem:$0x7E0]  }
0x171: {  	[tilespmem:s7], [sflag:$0x1] =	stream.indirect.gather [hbm4b:s1+s5], $0x10, s30, s5, $0xb8;
	[tilespmem:$0x15400] =	vst v63  }
0x172: {  	_ = 	snop  }
0x173: {  	[tilespmem:s31], [sflag:$0x1] =	stream.indirect.gather [hbm4b:s1+s5], $0x10, s26, s5, $0xb8;
	[tilespmem:$0x15400] =	vst v63  }
0x174: {  	_ =	swait.ge [sflag:s6], $0x800  }
0x175: {  	[sflag:s6] =	ssyncset.done $0x0  }
0x176: {  	[sflag:s6] =	ssyncadd.s32 $0xFFFFF800  }
0x177: {  	_ =	swait.ge [sflag:s6], $0x800  }
0x178: {  	[sflag:s6] =	ssyncset.done $0x0  }
0x179: {  	[sflag:s6] =	ssyncadd.s32 $0xFFFFF800  }
0x17a: {  	_ =	swait.ge [sflag:s6], $0x800  }
0x17b: {  	[sflag:s6] =	ssyncset.done $0x0  }
0x17c: {  	[sflag:s6] =	ssyncadd.s32 $0xFFFFF800  }
0x17d: {  	_ =	swait.ge [sflag:s6], $0x800  }
0x17e: {  	[sflag:s6] =	ssyncset.done $0x0  }
0x17f: {  	[sflag:s6] =	ssyncadd.s32 $0xFFFFF800  }
0x180: {  	_ =	swait.ge [sflag:s6], $0x800  }
0x181: {  	[sflag:s6] =	ssyncset.done $0x0  }
0x182: {  	[sflag:s6] =	ssyncadd.s32 $0xFFFFF800  }
0x183: {  	_ =	swait.ge [sflag:s6], $0x800  }
0x184: {  	[sflag:s6] =	ssyncset.done $0x0  }
0x185: {  	[sflag:s6] =	ssyncadd.s32 $0xFFFFF800  }
0x186: {  	_ =	swait.ge [sflag:s6], $0x800  }
0x187: {  	[sflag:s6] =	ssyncset.done $0x0  }
0x188: {  	[sflag:s6] =	ssyncadd.s32 $0xFFFFF800  }
0x189: {  	_ =	swait.ge [sflag:s6], $0x800  }
0x18a: {  	s0 =	sld [smem:$0x7E2]  }
0x18b: {  	s7 =	sld [smem:$0x7E3]  }
0x18c: {  	s8 =	sld [smem:$0x7E4]  }
0x18d: {  	s9 =	sld [smem:$0x7E5]  }
0x18e: {  	s10 =	sld [smem:$0x7E6]  }
0x18f: {  	s26 =	sld [smem:$0x7E7]  }
0x190: {  	s28 =	sld [smem:$0x7E8]  }
0x191: {  	s29 =	sld [smem:$0x7E9]  }
0x192: {  	[sflag:s6] =	ssyncset.done $0x0;
	s30 =	sld [smem:$0x7EA]  }
0x193: {  	s31 =	sld [smem:$0x7EB];
	[sflag:s6] =	ssyncadd.s32 $0xFFFFF800  }
0x194: {  	[tilespmem:s28], [sflag:$0x1] =	stream.indirect.gather [hbm4b:s1+s5], $0x10, s26, s5, $0xb8;
	[tilespmem:$0x15400] =	vst v63  }
0x195: {  	s26 =	sld [smem:$0x7EC]  }
0x196: {  	[tilespmem:s30], [sflag:$0x1] =	stream.indirect.gather [hbm4b:s1+s5], $0x10, s8, s5, $0xb8;
	[tilespmem:$0x15400] =	vst v63  }
0x197: {  	s28 =	sld [smem:$0x7EE]  }
0x198: {  	[tilespmem:s7], [sflag:$0x1] =	stream.indirect.gather [hbm4b:s1+s5], $0x10, s10, s5, $0xb8;
	[tilespmem:$0x15400] =	vst v63  }
0x199: {  	s8 =	sld [smem:$0x7ED]  }
0x19a: {  	[tilespmem:s29], [sflag:$0x1] =	stream.indirect.gather [hbm4b:s1+s5], $0x10, s31, s5, $0xb8;
	[tilespmem:$0x15400] =	vst v63  }
0x19b: {  	s30 =	sld [smem:$0x7EF]  }
0x19c: {  	[tilespmem:s9], [sflag:$0x1] =	stream.indirect.gather [hbm4b:s1+s5], $0x10, s26, s5, $0xb8;
	[tilespmem:$0x15400] =	vst v63  }
0x19d: {  	s31 =	sld [smem:$0x7F0]  }
0x19e: {  	[tilespmem:s8], [sflag:$0x1] =	stream.indirect.gather [hbm4b:s1+s5], $0x10, s28, s5, $0xb8;
	[tilespmem:$0x15400] =	vst v63  }
0x19f: {  	s8 =	sld [smem:$0x7F1]  }
0x1a0: {  	[tilespmem:s0], [sflag:$0x1] =	stream.indirect.gather [hbm4b:s1+s5], $0x10, s30, s5, $0xb8;
	[tilespmem:$0x15400] =	vst v63  }
0x1a1: {  	_ = 	snop  }
0x1a2: {  	[tilespmem:s31], [sflag:$0x1] =	stream.indirect.gather [hbm4b:s1+s5], $0x10, s8, s5, $0xb8;
	[tilespmem:$0x15400] =	vst v63  }
0x1a3: {  	_ =	swait.ge [sflag:s6], $0x800  }
0x1a4: {  	[sflag:s6] =	ssyncset.done $0x0  }
0x1a5: {  	[sflag:s6] =	ssyncadd.s32 $0xFFFFF800  }
0x1a6: {  	_ =	swait.ge [sflag:s6], $0x800  }
0x1a7: {  	[sflag:s6] =	ssyncset.done $0x0  }
0x1a8: {  	[sflag:s6] =	ssyncadd.s32 $0xFFFFF800  }
0x1a9: {  	_ =	swait.ge [sflag:s6], $0x800  }
0x1aa: {  	[sflag:s6] =	ssyncset.done $0x0  }
0x1ab: {  	[sflag:s6] =	ssyncadd.s32 $0xFFFFF800  }
0x1ac: {  	_ =	swait.ge [sflag:s6], $0x800  }
0x1ad: {  	[sflag:s6] =	ssyncset.done $0x0  }
0x1ae: {  	[sflag:s6] =	ssyncadd.s32 $0xFFFFF800  }
0x1af: {  	_ =	swait.ge [sflag:s6], $0x800  }
0x1b0: {  	[sflag:s6] =	ssyncset.done $0x0  }
0x1b1: {  	[sflag:s6] =	ssyncadd.s32 $0xFFFFF800  }
0x1b2: {  	_ =	swait.ge [sflag:s6], $0x800  }
0x1b3: {  	[sflag:s6] =	ssyncset.done $0x0  }
0x1b4: {  	[sflag:s6] =	ssyncadd.s32 $0xFFFFF800  }
0x1b5: {  	_ =	swait.ge [sflag:s6], $0x800  }
0x1b6: {  	[sflag:s6] =	ssyncset.done $0x0  }
0x1b7: {  	[sflag:s6] =	ssyncadd.s32 $0xFFFFF800  }
0x1b8: {  	_ =	swait.ge [sflag:s6], $0x800  }
0x1b9: {  	s0 =	sld [smem:$0x7F2]  }
0x1ba: {  	s7 =	sld [smem:$0x7F3]  }
0x1bb: {  	s26 =	sld [smem:$0x7F4]  }
0x1bc: {  	s9 =	sld [smem:$0x7F5]  }
0x1bd: {  	s10 =	sld [smem:$0x7F6]  }
0x1be: {  	s31 =	sld [smem:$0x7F7]  }
0x1bf: {  	[sflag:s6] =	ssyncset.done $0x0;
	s28 =	sld [smem:$0x7F8]  }
0x1c0: {  	s30 =	sld [smem:$0x7F9];
	[sflag:s6] =	ssyncadd.s32 $0xFFFFF800  }
0x1c1: {  	[tilespmem:s26], [sflag:$0x1] =	stream.indirect.gather [hbm4b:s1+s5], $0x10, s31, s5, $0xb8;
	[tilespmem:$0x15400] =	vst v63  }
0x1c2: {  	s31 =	sld [smem:$0x7FA]  }
0x1c3: {  	[tilespmem:s7], [sflag:$0x1] =	stream.indirect.gather [hbm4b:s1+s5], $0x10, s9, s5, $0xb8;
	[tilespmem:$0x15400] =	vst v63  }
0x1c4: {  	s9 =	sld [smem:$0x7FB]  }
0x1c5: {  	[tilespmem:s10], [sflag:$0x1] =	stream.indirect.gather [hbm4b:s1+s5], $0x10, s30, s5, $0xb8;
	[tilespmem:$0x15400] =	vst v63  }
0x1c6: {  	s10 =	sld [smem:$0x7FC]  }
0x1c7: {  	[tilespmem:s28], [sflag:$0x1] =	stream.indirect.gather [hbm4b:s1+s5], $0x10, s9, s5, $0xb8;
	[tilespmem:$0x15400] =	vst v63  }
0x1c8: {  	s26 =	sld [smem:$0x7FD]  }
0x1c9: {  	[tilespmem:s31], [sflag:$0x1] =	stream.indirect.gather [hbm4b:s1+s5], $0x10, s10, s5, $0xb8;
	[tilespmem:$0x15400] =	vst v63  }
0x1ca: {  	_ = 	snop  }
0x1cb: {  	[tilespmem:s0], [sflag:$0x1] =	stream.indirect.gather [hbm4b:s1+s5], $0x10, s26, s5, $0xb8;
	[tilespmem:$0x15400] =	vst v63  }
0x1cc: {  	s29 =	simm.s32 $0x10400;
	s28 =	simm.s32 $0xF00  }
0x1cd: {  	[tilespmem:s29], [sflag:$0x1] =	stream.indirect.gather [hbm4b:s1+s5], $0x10, s28, s5, $0xb8;
	[tilespmem:$0x15400] =	vst v63  }
0x1ce: {  	s30 =	simm.s32 $0xF80;
	s31 =	simm.s32 $0x10C00  }
0x1cf: {  	[tilespmem:s31], [sflag:$0x1] =	stream.indirect.gather [hbm4b:s1+s5], $0x10, s30, s5, $0xb8;
	[tilespmem:$0x15400] =	vst v63  }
0x1d0: {  	_ =	swait.ge [sflag:s6], $0x800  }
0x1d1: {  	[sflag:s6] =	ssyncset.done $0x0  }
0x1d2: {  	[sflag:s6] =	ssyncadd.s32 $0xFFFFF800  }
0x1d3: {  	_ =	swait.ge [sflag:s6], $0x800  }
0x1d4: {  	[sflag:s6] =	ssyncset.done $0x0  }
0x1d5: {  	[sflag:s6] =	ssyncadd.s32 $0xFFFFF800  }
0x1d6: {  	_ =	swait.ge [sflag:s6], $0x800  }
0x1d7: {  	[sflag:s6] =	ssyncset.done $0x0  }
0x1d8: {  	[sflag:s6] =	ssyncadd.s32 $0xFFFFF800  }
0x1d9: {  	_ =	swait.ge [sflag:s6], $0x800  }
0x1da: {  	[sflag:s6] =	ssyncset.done $0x0  }
0x1db: {  	[sflag:s6] =	ssyncadd.s32 $0xFFFFF800  }
0x1dc: {  	_ =	swait.ge [sflag:s6], $0x800  }
0x1dd: {  	[sflag:s6] =	ssyncset.done $0x0  }
0x1de: {  	[sflag:s6] =	ssyncadd.s32 $0xFFFFF800  }
0x1df: {  	_ =	swait.ge [sflag:s6], $0x800  }
0x1e0: {  	[sflag:s6] =	ssyncset.done $0x0  }
0x1e1: {  	[sflag:s6] =	ssyncadd.s32 $0xFFFFF800  }
0x1e2: {  	_ =	swait.ge [sflag:s6], $0x800  }
0x1e3: {  	[sflag:s6] =	ssyncset.done $0x0  }
0x1e4: {  	[sflag:s6] =	ssyncadd.s32 $0xFFFFF800  }
0x1e5: {  	_ =	swait.ge [sflag:s6], $0x800  }
0x1e6: {  	[sflag:s6] =	ssyncset.done $0x0  }
0x1e7: {  	[sflag:s6] =	ssyncadd.s32 $0xFFFFF800  }
0x1e8: {  	[tilespmem:s12], [sflag:$0x1] =	stream.indirect.gather [hbm4b:s1+s5], $0x10, s11, s5, $0xb8;
	[tilespmem:$0x15400] =	vst v63  }
0x1e9: {  	_ = 	snop  }
0x1ea: {  	[tilespmem:s14], [sflag:$0x1] =	stream.indirect.gather [hbm4b:s1+s5], $0x10, s13, s5, $0xb8;
	[tilespmem:$0x15400] =	vst v63  }
0x1eb: {  	_ = 	snop  }
0x1ec: {  	[tilespmem:s16], [sflag:$0x1] =	stream.indirect.gather [hbm4b:s1+s5], $0x10, s15, s5, $0xb8;
	[tilespmem:$0x15400] =	vst v63  }
0x1ed: {  	_ = 	snop  }
0x1ee: {  	[tilespmem:s18], [sflag:$0x1] =	stream.indirect.gather [hbm4b:s1+s5], $0x10, s17, s5, $0xb8;
	[tilespmem:$0x15400] =	vst v63  }
0x1ef: {  	_ = 	snop  }
0x1f0: {  	[tilespmem:s20], [sflag:$0x1] =	stream.indirect.gather [hbm4b:s1+s5], $0x10, s19, s5, $0xb8;
	[tilespmem:$0x15400] =	vst v63  }
0x1f1: {  	_ = 	snop  }
0x1f2: {  	[tilespmem:s22], [sflag:$0x1] =	stream.indirect.gather [hbm4b:s1+s5], $0x10, s21, s5, $0xb8;
	[tilespmem:$0x15400] =	vst v63  }
0x1f3: {  	_ = 	snop  }
0x1f4: {  	[tilespmem:s24], [sflag:$0x1] =	stream.indirect.gather [hbm4b:s1+s5], $0x10, s23, s5, $0xb8;
	[tilespmem:$0x15400] =	vst v63  }
0x1f5: {  	_ =	swait.ge [sflag:s6], $0x800  }
0x1f6: {  	[sflag:s6] =	ssyncset.done $0x0  }
0x1f7: {  	[sflag:s6] =	ssyncadd.s32 $0xFFFFF800  }
0x1f8: {  	_ =	swait.ge [sflag:s6], $0x800  }
0x1f9: {  	[sflag:s6] =	ssyncset.done $0x0  }
0x1fa: {  	[sflag:s6] =	ssyncadd.s32 $0xFFFFF800  }
0x1fb: {  	_ =	swait.ge [sflag:s6], $0x800  }
0x1fc: {  	s25 =	sadd.s32 $0xFFFFFFFF, s25;
	[sflag:s6] =	ssyncset.done $0x0  }
0x1fd: {  	p1 =	sne.s32 s25, $0x0;
	[sflag:s6] =	ssyncadd.s32 $0xFFFFF800  }
.Ltmp1:
0x1fe: {  	_ =	swait.ge [sflag:s6], $0x800;
	(pc) =	sbr.rel @p1 .LBB2_1-.Ltmp1, $4  }
0x1ff: {  	[sflag:s6] =	ssyncset.done $0x0  }
0x200: {  	[sflag:s6] =	ssyncadd.s32 $0xFFFFF800  }
0x201: {  	_ =	swait.ge [sflag:s6], $0x800  }
0x202: {  	[sflag:s6] =	ssyncset.done $0x0  }
.LBB2_2:
0x203: {  	[sflag:s6] =	ssyncadd.s32 $0xFFFFF800  }
0x204: {  	_ =	swait.ge [sflag:s6], $0x800  }
0x205: {  	[sflag:s6] =	ssyncset.done $0x0  }
0x206: {  	[sflag:s6] =	ssyncadd.s32 $0xFFFFF800  }
0x207: {  	_ =	swait.ge [sflag:s6], $0x800  }
0x208: {  	[sflag:s6] =	ssyncset.done $0x0  }
0x209: {  	s0 =	rddreg [dreg:$0x4];
	[sflag:s6] =	ssyncadd.s32 $0xFFFFF800  }
0x20a: {  	[hbm4b:s0+s2] =	stream.linear.scatter [tilespmem:s4], [sflag:$0x2], $0x13800, $0x38;
	[tilespmem:$0x15400] =	vst v63  }
0x20b: {  	_ =	swait.ge [sflag:s3], $0x13800  }
0x20c: {  	s2 =	simm.s32 @!p0 $0x0;
	s4 =	simm.s32 @!p0 $0x2;
	[sflag:s3] =	ssyncset.done $0x0  }
0x20d: {  	s0 =	rddreg [dreg:$0x5];
	[sflag:s3] =	ssyncadd.s32 $0xFFFEC800;
	s3 =	simm.s32 @!p0 $0x1380  }
0x20e: {  	[tilespmem:s3], [sflag:$0x2] =	stream.linear.gather @!p0 [hbm4b:s0+s2], $0x80, $0x38;
	[tilespmem:$0x15400] =	vst v63  }
0x20f: {  	_ =	swait.ge @!p0 [sflag:s4], $0x80  }
0x210: {  	s5 =	simm.s32 @!p0 $0x14C00;
	[sflag:s4] =	ssyncset.done @!p0 $0x0  }
0x211: {  	s6 =	simm.s32 @!p0 $0x1;
	s0 =	simm.s32 @!p0 $0x80;
	[sflag:s4] =	ssyncadd.s32 @!p0 $0xFFFFFF80  }
0x212: {  	[tilespmem:s5], [sflag:$0x1] =	stream.indirect.gather @!p0 [hbm4b:s1+s0], $0x10, s3, s0, $0xb8;
	[tilespmem:$0x15400] =	vst v63  }
0x213: {  	_ =	swait.ge @!p0 [sflag:s6], $0x800  }
0x214: {  	[sflag:s6] =	ssyncset.done @!p0 $0x0  }
0x215: {  	s0 =	rddreg [dreg:$0x6];
	[sflag:s6] =	ssyncadd.s32 @!p0 $0xFFFFF800  }
0x216: {  	[hbm4b:s0+s2] =	stream.linear.scatter @!p0 [tilespmem:s5], [sflag:$0x2], $0x800, $0x38;
	[tilespmem:$0x15400] =	vst v63  }
0x217: {  	_ =	swait.ge @!p0 [sflag:s4], $0x800  }
0x218: {  	[sflag:s4] =	ssyncset.done @!p0 $0x0  }
0x219: {  	[sflag:s4] =	ssyncadd.s32 @!p0 $0xFFFFF800  }
0x21a: {  	_ =	sfence.sel $0x180000  }
0x21b: {  	[bflag:$0x0] =	sbarrier.arrive $0xFFFF  }
0x21c: {  	_ =	strace $0x90000047  }
0x21d: {  	[bflag:$0x2] =	sbarrier.arrive $0xFFFF  }
0x21e: {  	s0 =	rddreg [dreg:$0x2]  }
0x21f: {  	s0 =	sadd.s32 @!p0 $0x100000, s0  }
0x220: {  	[sflag:s0] =	ssyncadd.tile.s32 @!p0 $0x1;
	_ =	shalt  }
.Lfunc_end2:
_tile_overlayer_lowered:
.L_overlay_start_2:
0x221: {  	(tag) =	ssettag $0x2  }
0x222: {  	s0 =	rddreg [dreg:$0x0];
	s2 =	stileid.u32  }
0x223: {  	s1 =	rddreg [dreg:$0x1];
	p0 =	sne.s32 s2, $0x0  }
0x224: {  	s3 =	rddreg [dreg:$0x2];
	[bflag:$0x3] =	sbarrier.arrive $0xFFFF;
	s2 =	simm.s32 @!p0 $0x1C02  }
0x225: {  	[timem:s3], [sflag:s2] =	dma.local @!p0 [hbm:s0], s1  }
0x226: {  	s0 =	simm.s32 @!p0 $0x2  }
0x227: {  	_ =	swait.ge @!p0 [sflag:s0], s1  }
0x228: {  	s1 =	ssub.s32 @!p0 $0x0, s1;
	[sflag:s0] =	ssyncset.done @!p0 $0x0  }
0x229: {  	[sflag:s0] =	ssyncadd.s32 @!p0 s1  }
0x22a: {  	[bflag:$0x3] =	sbarrier.arrive $0xFFFF  }
0x22b: {  	_ =	shalt  }

// kernel: kernel.9.cloned.1.call-start
scs
__scs_entry_jumppad:
0x0: {  	(pc) =	sbr.rel $0x88, $3  }
0x1: {  	(tag) =	ssettag $0x0;
	lr =	simm.s32 $0x1  }
0x2: {  	[smem:$0x3F91] =	sst lr;
	_ =	strace $0xD0000000  }
0x3: {  	_ = 	snop  }
0x4: {  	_ = 	snop  }
0x5: {  	_ = 	snop  }
0x6: {  	_ = 	snop  }
0x7: {  	_ = 	snop  }
__scs_overlays_trampoline_lowered:
0x8: {  	[smem:$0x3FA0] =	sst s0  }
0x9: {  	[smem:$0x3FA1] =	sst s1  }
0xa: {  	[smem:$0x3FA2] =	sst s2  }
0xb: {  	[smem:$0x3FA3] =	sst s3  }
0xc: {  	[smem:$0x3FA4] =	sst s4  }
0xd: {  	[smem:$0x3FA5] =	sst s5  }
0xe: {  	[smem:$0x3FA6] =	sst s6  }
0xf: {  	[smem:$0x3FA7] =	sst s7  }
0x10: {  	[smem:$0x3FA8] =	sst s8  }
0x11: {  	[smem:$0x3FA9] =	sst s9;
	s0 =	simm.s32 @!p0 $0x0  }
0x12: {  	s1 =	sld [smem:$0x3F8F];
	s0 =	simm.s32 @p0 $0x1  }
0x13: {  	[smem:$0x3FAA] =	sst s0;
	s0 =	simm.s32 @!p1 $0x0  }
0x14: {  	s2 =	sld [smem:$0x3F8E];
	s0 =	simm.s32 @p1 $0x1  }
0x15: {  	[smem:$0x3FAB] =	sst s0;
	s0 =	simm.s32 @!p2 $0x0  }
0x16: {  	s3 =	sld [smem:$0x3FDB];
	s0 =	simm.s32 @p2 $0x1  }
0x17: {  	s4 =	simm.s32 $0x1BF5;
	[smem:$0x3FAD] =	sst s0  }
0x18: {  	s0 =	sld [smem:$0x3F90];
	_ =	swait.ge [sflag:s4], $0x0  }
0x19: {  	s7 =	sld [smem:$0x3F91]  }
0x1a: {  	s8 =	sadd.s32 $0xFFFFE003, lr  }
0x1b: {  	s9 =	sadd.s32 $0xFFFFFEF7, lr;
	s5 =	simm.s32 $0xFFFFFFFF;
	p2 =	slt.u32 s8, $0xFFFFF086  }
0x1c: {  	p1 =	slt.u32 s9, $0xF7A;
	s5 =	simm.s32 @!p2 $0x0  }
0x1d: {  	s5 =	simm.s32 @p1 $0x1;
	p0 =	seq.s32 s7, s2  }
0x1e: {  	s7 =	smul.u32 @!p0 $0xF7A, s2;
	p2 =	seq.s32 @!p0 s5, $0x0  }
0x1f: {  	s9 =	smul.u32 $0xF7A, s1;
	s8 =	simm.s32 @!p0 $0x1BF5;
	p2 =	por !p2, p0  }
0x20: {  	[sflag:s8] =	ssyncset.s32 @!p0 $0xFFFFF086;
	s6 =	sadd.s32 @!p0 s3, s7;
	s7 =	simm.s32 @!p0 $0x108  }
0x21: {  	s3 =	sadd.s32 s3, s9;
	s6 =	sadd.s32 @!p0 $0x88, s6;
	s7 =	simm.s32 @p2 $0x1082  }
0x22: {  	[simem:s7], [sflag:s8] =	dma.local @!p0 [hbm:s6], $0xF7A  }
0x23: {  	s9 =	sor.u32 $0xD0000000, s2;
	s6 =	simm.s32 $0x108;
	_ =	swait.ge @!p0 [sflag:s8], $0x0  }
0x24: {  	s3 =	sadd.s32 $0x88, s3;
	s6 =	simm.s32 @!p1 $0x1082;
	[sflag:s4] =	ssyncset.s32 $0xFFFFF086  }
0x25: {  	[simem:s6], [sflag:s4] =	dma.local [hbm:s3], $0xF7A  }
0x26: {  	[smem:$0x3F91] =	sst s1;
	(tag) =	ssettag s2;
	_ =	strace s9  }
0x27: {  	s1 =	sld [smem:$0x3FA1]  }
0x28: {  	s2 =	sld [smem:$0x3FA2]  }
0x29: {  	s4 =	sld [smem:$0x3FA4]  }
0x2a: {  	p0 =	seq.s32 s5, $0x0;
	s5 =	sld [smem:$0x3FA5]  }
0x2b: {  	s6 =	sld [smem:$0x3FA6]  }
0x2c: {  	s7 =	sld [smem:$0x3FA7]  }
0x2d: {  	s3 =	simm.s32 $0x108;
	s8 =	sld [smem:$0x3FA8]  }
0x2e: {  	s3 =	simm.s32 @!p0 $0x1082;
	s9 =	sld [smem:$0x3FA9]  }
0x2f: {  	lr =	sadd.s32 s0, s3;
	s0 =	sld [smem:$0x3FA0]  }
0x30: {  	s3 =	sld [smem:$0x3FA3]  }
0x31: {  	[smem:$0x3FAC] =	sst s10  }
0x32: {  	s10 =	sld [smem:$0x3FAA];
	_ =	sdelay $0x3  }
0x33: {  	p0 =	seq.s32 s10, $0x1;
	s10 =	sld [smem:$0x3FAC];
	_ =	sdelay $0x3  }
0x34: {  	[smem:$0x3FAC] =	sst s10  }
0x35: {  	s10 =	sld [smem:$0x3FAB];
	_ =	sdelay $0x3  }
0x36: {  	p1 =	seq.s32 s10, $0x1;
	s10 =	sld [smem:$0x3FAC];
	_ =	sdelay $0x3  }
0x37: {  	[smem:$0x3FAC] =	sst s10  }
0x38: {  	s10 =	sld [smem:$0x3FAD]  }
0x39: {  	_ = 	snop;
	(pc) =	sbr.ind lr, $3  }
0x3a: {  	_ = 	snop  }
0x3b: {  	_ = 	snop  }
0x3c: {  	p2 =	seq.s32 s10, $0x1;
	s10 =	sld [smem:$0x3FAC]  }
0x3d: {  	_ =	shalt  }
0x3e: {  	_ =	shalt  }
0x3f: {  	_ =	shalt  }
0x40: {  	_ =	shalt  }
0x41: {  	_ =	shalt  }
0x42: {  	_ =	shalt  }
0x43: {  	_ =	shalt  }
0x44: {  	_ =	shalt  }
0x45: {  	_ =	shalt  }
0x46: {  	_ =	shalt  }
0x47: {  	_ =	shalt  }
0x48: {  	_ =	shalt  }
0x49: {  	_ =	shalt  }
0x4a: {  	_ =	shalt  }
0x4b: {  	_ =	shalt  }
0x4c: {  	_ =	shalt  }
0x4d: {  	_ =	shalt  }
0x4e: {  	_ =	shalt  }
0x4f: {  	_ =	shalt  }
0x50: {  	_ =	shalt  }
0x51: {  	_ =	shalt  }
0x52: {  	_ =	shalt  }
0x53: {  	_ =	shalt  }
0x54: {  	_ =	shalt  }
0x55: {  	_ =	shalt  }
0x56: {  	_ =	shalt  }
0x57: {  	_ =	shalt  }
0x58: {  	_ =	shalt  }
0x59: {  	_ =	shalt  }
0x5a: {  	_ =	shalt  }
0x5b: {  	_ =	shalt  }
0x5c: {  	_ =	shalt  }
0x5d: {  	_ =	shalt  }
0x5e: {  	_ =	shalt  }
0x5f: {  	_ =	shalt  }
0x60: {  	_ =	shalt  }
0x61: {  	_ =	shalt  }
0x62: {  	_ =	shalt  }
0x63: {  	_ =	shalt  }
0x64: {  	_ =	shalt  }
0x65: {  	_ =	shalt  }
0x66: {  	_ =	shalt  }
0x67: {  	_ =	shalt  }
0x68: {  	_ =	shalt  }
0x69: {  	_ =	shalt  }
0x6a: {  	_ =	shalt  }
0x6b: {  	_ =	shalt  }
0x6c: {  	_ =	shalt  }
0x6d: {  	_ =	shalt  }
0x6e: {  	_ =	shalt  }
0x6f: {  	_ =	shalt  }
0x70: {  	_ =	shalt  }
0x71: {  	_ =	shalt  }
0x72: {  	_ =	shalt  }
0x73: {  	_ =	shalt  }
0x74: {  	_ =	shalt  }
0x75: {  	_ =	shalt  }
0x76: {  	_ =	shalt  }
0x77: {  	_ =	shalt  }
0x78: {  	_ =	shalt  }
0x79: {  	_ =	shalt  }
0x7a: {  	_ =	shalt  }
0x7b: {  	_ =	shalt  }
0x7c: {  	_ =	shalt  }
0x7d: {  	_ =	shalt  }
0x7e: {  	_ =	shalt  }
0x7f: {  	_ =	shalt  }
0x80: {  	_ =	shalt  }
0x81: {  	_ =	shalt  }
0x82: {  	_ =	shalt  }
0x83: {  	_ =	shalt  }
0x84: {  	_ =	shalt  }
0x85: {  	_ =	shalt  }
0x86: {  	_ =	shalt  }
0x87: {  	_ =	shalt  }
.Lfunc_end0:
.L_simem_size_0:
called_computation.1_lowered:
.L_overlay_start_0:
0x88: {  	s2 =	sld [smem:$0x3FD9]  }
0x89: {  	s3 =	sld [smem:$0x3FFE];
	_ =	sdelay $0x1  }
0x8a: {  	s1 =	srdreg.scid  }
0x8b: {  	s0 =	sand.u32 $0x1, s1  }
0x8c: {  	s16 =	sshll.u32 s0, $0xA;
	s2 =	sadd.s32 s3, s2  }
0x8d: {  	s2 =	sadd.s32 s2, s16  }
0x8e: {  	[smem:$0x3FB8] =	sst s2  }
0x8f: {  	_ = 	snop  }
0x90: {  	(tm) =	ssettm $0x1  }
0x91: {  	s17 =	sld [smem:$0x3FFB];
	_ =	sdelay $0x3  }
0x92: {  	_ =	strace s17  }
0x93: {  	s2 =	sld [smem:$0x3FFC];
	_ =	sdelay $0x3  }
0x94: {  	_ =	strace s2  }
0x95: {  	s2 =	sld [smem:$0x3FFD];
	_ =	sdelay $0x3  }
0x96: {  	_ =	strace s2  }
0x97: {  	_ =	strace $0x8FFFFFFF  }
0x98: {  	s18 =	sld [smem:$0x3FDB];
	_ =	sdelay $0x1  }
0x99: {  	s19 =	simm.s32 $_scs_section_size  }
0x9a: {  	s4 =	simm.s32 $_size__tile_overlayer_lowered;
	s5 =	simm.s32 $_tile_overlayer_lowered  }
0x9b: {  	s22 =	simm.s32 $0x1BFF;
	s21 =	sshll.u32 s5, $0x1;
	s2 =	sadd.s32 s19, s18  }
0x9c: {  	s6 =	simm.s32 $0x0;
	s20 =	sshll.u32 s4, $0x1;
	s4 =	sadd.s32 s21, s2  }
0x9d: {  	[timem:s6], [sflag:s22] =	dma.local [hbm:s4], s20  }
0x9e: {  	_ =	swait.ge [sflag:s22], s20  }
0x9f: {  	s3 =	ssub.s32 $0x0, s20;
	[sflag:s22] =	ssyncset.done $0x0  }
0xa0: {  	[sflag:s22] =	ssyncadd.s32 s3;
	_ =	sdelay $0x1  }
0xa1: {  	s23 =	simm.s32 $0x1B8B  }
0xa2: {  	_ =	swait.ge [sflag:s23], $0x1  }
0xa3: {  	[sflag:s23] =	ssyncset.done $0x0  }
0xa4: {  	s25 =	simm.s32 $0x1B8E;
	s24 =	sld [smem:$0x3FFE];
	[sflag:s23] =	ssyncadd.s32 $0xFFFFFFFF  }
0xa5: {  	s26 =	simm.s32 $execute0_lowered;
	[smem:$0x3FD2] =	sst s25  }
0xa6: {  	s4 =	sshll.u32 s26, $0x1;
	_ =	strace $0x80000049;
	[dreg:$0x1] =	wrdreg $0xFFFFFFFF  }
0xa7: {  	s28 =	simm.s32 $_size_execute0_lowered;
	s2 =	sadd.s32 s2, s4;
	[dreg:$0x0] =	wrdreg $0x0  }
0xa8: {  	s4 =	sshll.u32 s28, $0x1;
	[dreg:$0x2] =	wrdreg s2  }
0xa9: {  	[dreg:$0x3] =	wrdreg s4  }
0xaa: {  	[dreg:$0x4] =	wrdreg $0xC0  }
0xab: {  	_ =	task [dreg:s6], $0x5FFFF  }
0xac: {  	[dreg:$0x1] =	wrdreg $0xFFFFFFFF  }
0xad: {  	[dreg:$0x0] =	wrdreg $0x60  }
0xae: {  	[dreg:$0x2] =	wrdreg s24  }
0xaf: {  	[dreg:$0x3] =	wrdreg $0x184000  }
0xb0: {  	[dreg:$0x4] =	wrdreg $0x1AC000  }
0xb1: {  	[dreg:$0x5] =	wrdreg $0x9  }
0xb2: {  	_ =	task.clear_ibuf [dreg:s6], $0x6FFFF;
	_ =	strace $0x90000049  }
0xb3: {  	s29 =	simm.s32 $0x9;
	_ =	strace $0x8000004B  }
0xb4: {  	_ =	swait.ge [sflag:s29], $0x1  }
0xb5: {  	[sflag:s29] =	ssyncadd.s32 $0xFFFFFFFF  }
0xb6: {  	_ =	strace $0x9000004B  }
0xb7: {  	_ =	sfence  }
0xb8: {  	s30 =	sld [smem:$0x0];
	_ =	sdelay $0x2  }
0xb9: {  	s31 =	sshll.u32 s1, $0xD;
	s1 =	sshrl.u32 s1, $0x2  }
0xba: {  	s3 =	sand.u32 $0x4000, s31;
	s1 =	sadd.s32 s1, s30  }
0xbb: {  	s0 =	sor.u32 s3, s0;
	s1 =	sshll.u32 s1, $0x11  }
0xbc: {  	s0 =	sor.u32 s1, s0  }
0xbd: {  	s0 =	sadd.s32 $0x8F2B, s0  }
0xbe: {  	[sflag:s0] =	ssyncadd.remote.s32 $0x1  }
0xbf: {  	_ =	sfence.sel $0xFFFF  }
0xc0: {  	[dreg:$0x0] =	wrdreg $0xFFFFFFFF;
	(pc) =	sbr.abs _section_cstart, $3  }
0xc1: {  	[dreg:$0x1] =	wrdreg $0xFFFFFFFF  }
0xc2: {  	_ =	task.clear_ibuf [dreg:s6], $0x2FFFF;
	_ =	strace $0x9FFFFFFF  }
0xc3: {  	(tm) =	ssettm $0x7FFFFFFF  }
tec
execute0_lowered:
.L_overlay_start_1:
0x0: {  	(tag) =	ssettag $0x1  }
0x1: {  	s0 =	rddreg [dreg:$0x0]  }
0x2: {  	s1 =	rddreg [dreg:$0x1]  }
0x3: {  	s2 =	rddreg [dreg:$0x2];
	s3 =	simm.s32 $0x0  }
0x4: {  	s4 =	srdreg.scid;
	s11 =	stileid.u32;
	s19 =	simm.s32 $0x1000  }
0x5: {  	s21 =	simm.s32 $0x1080;
	s23 =	simm.s32 $0x1100;
	s25 =	simm.s32 $0x1180  }
0x6: {  	s28 =	simm.s32 $0x1200;
	s30 =	simm.s32 $0x1280;
	s20 =	simm.s32 $0x0  }
0x7: {  	[smem:$0x7FF] =	sst s3;
	s8 =	sand.u32 $0x1, s4;
	s26 =	sshll.u32 s11, $0x1  }
0x8: {  	s7 =	sadd.s32 $0xD400, s0;
	s9 =	sadd.s32 $0x5B600, s0;
	s10 =	sadd.s32 $0x60600, s0  }
0x9: {  	s12 =	sadd.s32 $0x65600, s0;
	s15 =	smul.u32 $0x2800, s11;
	s16 =	sadd.s32 $0x6A600, s0  }
0xa: {  	s0 =	sadd.s32 $0x8420, s0;
	_ =	strace $0x8000004A;
	s4 =	sor.u32 s8, s26  }
0xb: {  	s6 =	ssub.s32 $0x2, s8;
	p0 =	seq.s32 s8, $0x0;
	s5 =	smul.u32 $0x27, s4  }
0xc: {  	s4 =	smin.u32 s4, $0x2;
	s13 =	sshrl.u32 s6, $0x1;
	s10 =	smov.u32 @p0 s9  }
0xd: {  	s16 =	smov.u32 @p0 s12;
	p0 =	sne.s32 s11, $0x0;
	s11 =	simm.s32 $0x15C00  }
0xe: {  	s12 =	simm.s32 $0x2;
	s13 =	ssub.s32 s6, s13;
	s14 =	sadd.s32 s4, s5  }
0xf: {  	s4 =	sadd.s32 s15, s1;
	s5 =	sadd.s32 s15, s2;
	s15 =	sshrl.u32 s15, $0x3  }
0x10: {  	s8 =	smax.u32 s13, $0x1;
	s29 =	sshll.u32 s14, $0x7;
	s31 =	sshll.u32 s14, $0x8  }
0x11: {  	s14 =	sshll.u32 s14, $0x4;
	s9 =	sadd.s32 s10, s15;
	s10 =	sadd.s32 s16, s15  }
0x12: {  	s16 =	simm.s32 $0x80;
	s17 =	sadd.s32 $0x1380, s29;
	s6 =	sadd.s32 s7, s31  }
0x13: {  	s13 =	sadd.s32 s14, s0;
	s18 =	sshll.u32 s17, $0x1;
	s17 =	sshrl.u32 s17, $0x3  }
0x14: {  	s18 =	sand.u32 $0x1FFFFF00, s18;
	s15 =	sadd.s32 @!p0 s17, s0;
	s17 =	simm.s32 $0x15400  }
0x15: {  	v0 =	vimm.f32 $0.0e+00;
	v1 =	vimm.f32 $1.000000000e+00;
	s0 =	simm.s32 $0x1300;
	s7 =	sadd.s32 s7, s18;
	s18 =	simm.s32 $0x1  }
.LBB2_1:
0x16: {  	s22 =	simm.s32 $0x0  }
.LBB2_2:
0x17: {  	p1 =	sne.s32 s22, $0x9FC0  }
.Ltmp0:
0x18: {  	_ = 	snop;
	(pc) =	sbr.rel @p1 .LBB2_2-.Ltmp0, $3  }
0x19: {  	_ =	sdelay $0x1  }
0x1a: {  	s24 =	sshra.s32 s22, $0x2  }
0x1b: {  	s22 =	sadd.s32 $0x40, s22;
	[tilespmem:s24+$0x15C00] =	vst v0  }
0x1c: {  	s22 =	simm.s32 $0x40;
	s24 =	simm.s32 $0x0  }
.LBB2_4:
0x1d: {  	p1 =	sne.s32 s22, $0x1FC0;
	[tilespmem:s24+$0x15400] =	vst v1;
	s24 =	smov.u32 s22;
	s22 =	sadd.s32 $0x40, s22  }
.Ltmp1:
0x1e: {  	(pc) =	sbr.rel @p1 .LBB2_4-.Ltmp1, $2  }
0x1f: {  	_ =	sdelay $0x2  }
0x20: {  	s24 =	sshra.s32 s24, $0x2  }
0x21: {  	[tilespmem:s24+$0x15400] =	vst v1  }
0x22: {  	[spmem:s4] =	stream.linear.scatter [tilespmem:s11], [sflag:$0x2], $0x2800, $0x38;
	[tilespmem:$0x1D400] =	vst v63  }
0x23: {  	_ =	swait.ge [sflag:s12], $0x2800  }
0x24: {  	[sflag:s12] =	ssyncset.done $0x0  }
0x25: {  	[sflag:s12] =	ssyncadd.s32 $0xFFFFD800  }
0x26: {  	[spmem:s5] =	stream.linear.scatter [tilespmem:s11], [sflag:$0x2], $0x2800, $0x38;
	[tilespmem:$0x1D400] =	vst v63  }
0x27: {  	_ =	swait.ge [sflag:s12], $0x2800  }
0x28: {  	[sflag:s12] =	ssyncset.done $0x0  }
0x29: {  	[sflag:s12] =	ssyncadd.s32 $0xFFFFD800  }
0x2a: {  	[tilespmem:s3], [sflag:$0x2] =	stream.linear.gather [hbm4b:s13+s3], $0x1380, $0x38;
	[tilespmem:$0x1D400] =	vst v63  }
0x2b: {  	_ =	swait.ge [sflag:s12], $0x1380  }
0x2c: {  	[sflag:s12] =	ssyncset.done $0x0  }
0x2d: {  	s14 =	simm.s32 $0x1400;
	[sflag:s12] =	ssyncadd.s32 $0xFFFFEC80  }
0x2e: {  	[tilespmem:s14], [sflag:$0x2] =	stream.linear.gather [hbm4b:s6+s3], $0x13800, $0x38;
	[tilespmem:$0x1D400] =	vst v63  }
0x2f: {  	_ =	swait.ge [sflag:s12], $0x13800  }
0x30: {  	[sflag:s12] =	ssyncset.done $0x0  }
0x31: {  	s22 =	simm.s32 @!p0 $0x0;
	s24 =	simm.s32 @!p0 $0x1380;
	[sflag:s12] =	ssyncadd.s32 $0xFFFEC800  }
0x32: {  	[tilespmem:s24], [sflag:$0x2] =	stream.linear.gather @!p0 [hbm4b:s15+s22], $0x80, $0x38;
	[tilespmem:$0x1D400] =	vst v63  }
0x33: {  	s24 =	simm.s32 @!p0 $0x2  }
0x34: {  	_ =	swait.ge @!p0 [sflag:s24], $0x80  }
0x35: {  	[sflag:s24] =	ssyncset.done @!p0 $0x0  }
0x36: {  	s26 =	simm.s32 @!p0 $0x14C00;
	[sflag:s24] =	ssyncadd.s32 @!p0 $0xFFFFFF80  }
0x37: {  	[tilespmem:s26], [sflag:$0x2] =	stream.linear.gather @!p0 [hbm4b:s7+s22], $0x800, $0x38;
	[tilespmem:$0x1D400] =	vst v63  }
0x38: {  	_ =	swait.ge @!p0 [sflag:s24], $0x800  }
0x39: {  	[sflag:s24] =	ssyncset.done @!p0 $0x0  }
0x3a: {  	[sflag:s24] =	ssyncadd.s32 @!p0 $0xFFFFF800  }
0x3b: {  	s29 =	simm.s32 $0x0;
	s26 =	simm.s32 $0x1400;
	[bflag:$0x0] =	sbarrier.arrive $0xFFFF  }
0x3c: {  	[spmem:s1] =	stream.indirect.scatter.add.f32 [tilespmem:s26], [sflag:$0x1], $0x10, s29, s16, $0xb8;
	[tilespmem:$0x1D400] =	vst v63  }
0x3d: {  	_ = 	snop  }
0x3e: {  	[spmem:s2] =	stream.indirect.scatter.add.f32 [tilespmem:s17], [sflag:$0x1], $0x10, s29, s16, $0xb8;
	[tilespmem:$0x1D400] =	vst v63  }
0x3f: {  	s31 =	simm.s32 $0x1C00;
	s14 =	simm.s32 $0x80  }
0x40: {  	[spmem:s1] =	stream.indirect.scatter.add.f32 [tilespmem:s31], [sflag:$0x1], $0x10, s14, s16, $0xb8;
	[tilespmem:$0x1D400] =	vst v63  }
0x41: {  	_ = 	snop  }
0x42: {  	[spmem:s2] =	stream.indirect.scatter.add.f32 [tilespmem:s17], [sflag:$0x1], $0x10, s14, s16, $0xb8;
	[tilespmem:$0x1D400] =	vst v63  }
0x43: {  	s26 =	simm.s32 $0x2400;
	s29 =	simm.s32 $0x100  }
0x44: {  	[spmem:s1] =	stream.indirect.scatter.add.f32 [tilespmem:s26], [sflag:$0x1], $0x10, s29, s16, $0xb8;
	[tilespmem:$0x1D400] =	vst v63  }
0x45: {  	_ = 	snop  }
0x46: {  	[spmem:s2] =	stream.indirect.scatter.add.f32 [tilespmem:s17], [sflag:$0x1], $0x10, s29, s16, $0xb8;
	[tilespmem:$0x1D400] =	vst v63  }
0x47: {  	s31 =	simm.s32 $0x2C00;
	s14 =	simm.s32 $0x180  }
0x48: {  	[spmem:s1] =	stream.indirect.scatter.add.f32 [tilespmem:s31], [sflag:$0x1], $0x10, s14, s16, $0xb8;
	[tilespmem:$0x1D400] =	vst v63  }
0x49: {  	_ = 	snop  }
0x4a: {  	[spmem:s2] =	stream.indirect.scatter.add.f32 [tilespmem:s17], [sflag:$0x1], $0x10, s14, s16, $0xb8;
	[tilespmem:$0x1D400] =	vst v63  }
0x4b: {  	s26 =	simm.s32 $0x3400;
	s29 =	simm.s32 $0x200  }
0x4c: {  	[spmem:s1] =	stream.indirect.scatter.add.f32 [tilespmem:s26], [sflag:$0x1], $0x10, s29, s16, $0xb8;
	[tilespmem:$0x1D400] =	vst v63  }
0x4d: {  	_ = 	snop  }
0x4e: {  	[spmem:s2] =	stream.indirect.scatter.add.f32 [tilespmem:s17], [sflag:$0x1], $0x10, s29, s16, $0xb8;
	[tilespmem:$0x1D400] =	vst v63  }
0x4f: {  	s31 =	simm.s32 $0x3C00;
	s14 =	simm.s32 $0x280  }
0x50: {  	[spmem:s1] =	stream.indirect.scatter.add.f32 [tilespmem:s31], [sflag:$0x1], $0x10, s14, s16, $0xb8;
	[tilespmem:$0x1D400] =	vst v63  }
0x51: {  	_ = 	snop  }
0x52: {  	[spmem:s2] =	stream.indirect.scatter.add.f32 [tilespmem:s17], [sflag:$0x1], $0x10, s14, s16, $0xb8;
	[tilespmem:$0x1D400] =	vst v63  }
0x53: {  	s24 =	simm.s32 $0x4400;
	s26 =	simm.s32 $0x300  }
0x54: {  	[spmem:s1] =	stream.indirect.scatter.add.f32 [tilespmem:s24], [sflag:$0x1], $0x10, s26, s16, $0xb8;
	[tilespmem:$0x1D400] =	vst v63  }
0x55: {  	_ = 	snop  }
0x56: {  	[spmem:s2] =	stream.indirect.scatter.add.f32 [tilespmem:s17], [sflag:$0x1], $0x10, s26, s16, $0xb8;
	[tilespmem:$0x1D400] =	vst v63  }
0x57: {  	s29 =	simm.s32 $0x4C00;
	s31 =	simm.s32 $0x380  }
0x58: {  	[spmem:s1] =	stream.indirect.scatter.add.f32 [tilespmem:s29], [sflag:$0x1], $0x10, s31, s16, $0xb8;
	[tilespmem:$0x1D400] =	vst v63  }
0x59: {  	_ = 	snop  }
0x5a: {  	[spmem:s2] =	stream.indirect.scatter.add.f32 [tilespmem:s17], [sflag:$0x1], $0x10, s31, s16, $0xb8;
	[tilespmem:$0x1D400] =	vst v63  }
0x5b: {  	_ =	swait.ge [sflag:s18], $0x800  }
0x5c: {  	[sflag:s18] =	ssyncset.done $0x0  }
0x5d: {  	[sflag:s18] =	ssyncadd.s32 $0xFFFFF800  }
0x5e: {  	_ =	swait.ge [sflag:s18], $0x800  }
0x5f: {  	[sflag:s18] =	ssyncset.done $0x0  }
0x60: {  	[sflag:s18] =	ssyncadd.s32 $0xFFFFF800  }
0x61: {  	_ =	swait.ge [sflag:s18], $0x800  }
0x62: {  	[sflag:s18] =	ssyncset.done $0x0  }
0x63: {  	[sflag:s18] =	ssyncadd.s32 $0xFFFFF800  }
0x64: {  	_ =	swait.ge [sflag:s18], $0x800  }
0x65: {  	[sflag:s18] =	ssyncset.done $0x0  }
0x66: {  	[sflag:s18] =	ssyncadd.s32 $0xFFFFF800  }
0x67: {  	_ =	swait.ge [sflag:s18], $0x800  }
0x68: {  	[sflag:s18] =	ssyncset.done $0x0  }
0x69: {  	[sflag:s18] =	ssyncadd.s32 $0xFFFFF800  }
0x6a: {  	_ =	swait.ge [sflag:s18], $0x800  }
0x6b: {  	[sflag:s18] =	ssyncset.done $0x0  }
0x6c: {  	[sflag:s18] =	ssyncadd.s32 $0xFFFFF800  }
0x6d: {  	_ =	swait.ge [sflag:s18], $0x800  }
0x6e: {  	[sflag:s18] =	ssyncset.done $0x0  }
0x6f: {  	[sflag:s18] =	ssyncadd.s32 $0xFFFFF800  }
0x70: {  	_ =	swait.ge [sflag:s18], $0x800  }
0x71: {  	[sflag:s18] =	ssyncset.done $0x0  }
0x72: {  	[sflag:s18] =	ssyncadd.s32 $0xFFFFF800  }
0x73: {  	_ =	swait.ge [sflag:s18], $0x800  }
0x74: {  	[sflag:s18] =	ssyncset.done $0x0  }
0x75: {  	[sflag:s18] =	ssyncadd.s32 $0xFFFFF800  }
0x76: {  	_ =	swait.ge [sflag:s18], $0x800  }
0x77: {  	[sflag:s18] =	ssyncset.done $0x0  }
0x78: {  	[sflag:s18] =	ssyncadd.s32 $0xFFFFF800  }
0x79: {  	_ =	swait.ge [sflag:s18], $0x800  }
0x7a: {  	[sflag:s18] =	ssyncset.done $0x0  }
0x7b: {  	[sflag:s18] =	ssyncadd.s32 $0xFFFFF800  }
0x7c: {  	_ =	swait.ge [sflag:s18], $0x800  }
0x7d: {  	[sflag:s18] =	ssyncset.done $0x0  }
0x7e: {  	[sflag:s18] =	ssyncadd.s32 $0xFFFFF800  }
0x7f: {  	_ =	swait.ge [sflag:s18], $0x800  }
0x80: {  	[sflag:s18] =	ssyncset.done $0x0  }
0x81: {  	[sflag:s18] =	ssyncadd.s32 $0xFFFFF800  }
0x82: {  	_ =	swait.ge [sflag:s18], $0x800  }
0x83: {  	[sflag:s18] =	ssyncset.done $0x0  }
0x84: {  	[sflag:s18] =	ssyncadd.s32 $0xFFFFF800  }
0x85: {  	_ =	swait.ge [sflag:s18], $0x800  }
0x86: {  	[sflag:s18] =	ssyncset.done $0x0  }
0x87: {  	[sflag:s18] =	ssyncadd.s32 $0xFFFFF800  }
0x88: {  	s22 =	simm.s32 $0x5400;
	_ =	swait.ge [sflag:s18], $0x800  }
0x89: {  	s24 =	simm.s32 $0x1000;
	s26 =	simm.s32 $0x2000;
	[sflag:s18] =	ssyncset.done $0x0  }
.LBB2_6:
0x8a: {  	s31 =	sshra.s32 s24, $0x2  }
0x8b: {  	[sflag:s18] =	ssyncadd.s32 $0xFFFFF800;
	s24 =	smov.u32 s26;
	s29 =	sadd.s32 $0x1000, s26  }
0x8c: {  	[spmem:s1] =	stream.indirect.scatter.add.f32 [tilespmem:s22], [sflag:$0x1], $0x10, s31, s16, $0xb8;
	[tilespmem:$0x1D400] =	vst v63  }
0x8d: {  	p1 =	sne.s32 s26, $0x3000  }
0x8e: {  	[spmem:s2] =	stream.indirect.scatter.add.f32 [tilespmem:s17], [sflag:$0x1], $0x10, s31, s16, $0xb8;
	[tilespmem:$0x1D400] =	vst v63  }
0x8f: {  	s26 =	sadd.s32 $0x800, s22;
	s14 =	sadd.s32 $0x80, s31  }
0x90: {  	[spmem:s1] =	stream.indirect.scatter.add.f32 [tilespmem:s26], [sflag:$0x1], $0x10, s14, s16, $0xb8;
	[tilespmem:$0x1D400] =	vst v63  }
0x91: {  	_ = 	snop  }
0x92: {  	[spmem:s2] =	stream.indirect.scatter.add.f32 [tilespmem:s17], [sflag:$0x1], $0x10, s14, s16, $0xb8;
	[tilespmem:$0x1D400] =	vst v63  }
0x93: {  	s26 =	sadd.s32 $0x100, s31;
	s14 =	sadd.s32 $0x1000, s22  }
0x94: {  	[spmem:s1] =	stream.indirect.scatter.add.f32 [tilespmem:s14], [sflag:$0x1], $0x10, s26, s16, $0xb8;
	[tilespmem:$0x1D400] =	vst v63  }
0x95: {  	_ = 	snop  }
0x96: {  	[spmem:s2] =	stream.indirect.scatter.add.f32 [tilespmem:s17], [sflag:$0x1], $0x10, s26, s16, $0xb8;
	[tilespmem:$0x1D400] =	vst v63  }
0x97: {  	s14 =	sadd.s32 $0x1800, s22;
	s26 =	sadd.s32 $0x180, s31  }
0x98: {  	[spmem:s1] =	stream.indirect.scatter.add.f32 [tilespmem:s14], [sflag:$0x1], $0x10, s26, s16, $0xb8;
	[tilespmem:$0x1D400] =	vst v63  }
0x99: {  	_ = 	snop  }
0x9a: {  	[spmem:s2] =	stream.indirect.scatter.add.f32 [tilespmem:s17], [sflag:$0x1], $0x10, s26, s16, $0xb8;
	[tilespmem:$0x1D400] =	vst v63  }
0x9b: {  	s14 =	sadd.s32 $0x2000, s22;
	s26 =	sadd.s32 $0x200, s31  }
0x9c: {  	[spmem:s1] =	stream.indirect.scatter.add.f32 [tilespmem:s14], [sflag:$0x1], $0x10, s26, s16, $0xb8;
	[tilespmem:$0x1D400] =	vst v63  }
0x9d: {  	_ = 	snop  }
0x9e: {  	[spmem:s2] =	stream.indirect.scatter.add.f32 [tilespmem:s17], [sflag:$0x1], $0x10, s26, s16, $0xb8;
	[tilespmem:$0x1D400] =	vst v63  }
0x9f: {  	s14 =	sadd.s32 $0x2800, s22;
	s26 =	sadd.s32 $0x280, s31  }
0xa0: {  	[spmem:s1] =	stream.indirect.scatter.add.f32 [tilespmem:s14], [sflag:$0x1], $0x10, s26, s16, $0xb8;
	[tilespmem:$0x1D400] =	vst v63  }
0xa1: {  	_ = 	snop  }
0xa2: {  	[spmem:s2] =	stream.indirect.scatter.add.f32 [tilespmem:s17], [sflag:$0x1], $0x10, s26, s16, $0xb8;
	[tilespmem:$0x1D400] =	vst v63  }
0xa3: {  	s14 =	sadd.s32 $0x3000, s22;
	s26 =	sadd.s32 $0x300, s31  }
0xa4: {  	[spmem:s1] =	stream.indirect.scatter.add.f32 [tilespmem:s14], [sflag:$0x1], $0x10, s26, s16, $0xb8;
	[tilespmem:$0x1D400] =	vst v63  }
0xa5: {  	_ = 	snop  }
0xa6: {  	[spmem:s2] =	stream.indirect.scatter.add.f32 [tilespmem:s17], [sflag:$0x1], $0x10, s26, s16, $0xb8;
	[tilespmem:$0x1D400] =	vst v63  }
0xa7: {  	s14 =	sadd.s32 $0x3800, s22;
	s26 =	sadd.s32 $0x380, s31  }
0xa8: {  	[spmem:s1] =	stream.indirect.scatter.add.f32 [tilespmem:s14], [sflag:$0x1], $0x10, s26, s16, $0xb8;
	[tilespmem:$0x1D400] =	vst v63  }
0xa9: {  	_ = 	snop  }
0xaa: {  	[spmem:s2] =	stream.indirect.scatter.add.f32 [tilespmem:s17], [sflag:$0x1], $0x10, s26, s16, $0xb8;
	[tilespmem:$0x1D400] =	vst v63  }
0xab: {  	_ =	swait.ge [sflag:s18], $0x800  }
0xac: {  	[sflag:s18] =	ssyncset.done $0x0  }
0xad: {  	[sflag:s18] =	ssyncadd.s32 $0xFFFFF800  }
0xae: {  	_ =	swait.ge [sflag:s18], $0x800  }
0xaf: {  	[sflag:s18] =	ssyncset.done $0x0  }
0xb0: {  	[sflag:s18] =	ssyncadd.s32 $0xFFFFF800  }
0xb1: {  	_ =	swait.ge [sflag:s18], $0x800  }
0xb2: {  	[sflag:s18] =	ssyncset.done $0x0  }
0xb3: {  	[sflag:s18] =	ssyncadd.s32 $0xFFFFF800  }
0xb4: {  	_ =	swait.ge [sflag:s18], $0x800  }
0xb5: {  	[sflag:s18] =	ssyncset.done $0x0  }
0xb6: {  	[sflag:s18] =	ssyncadd.s32 $0xFFFFF800  }
0xb7: {  	_ =	swait.ge [sflag:s18], $0x800  }
0xb8: {  	[sflag:s18] =	ssyncset.done $0x0  }
0xb9: {  	[sflag:s18] =	ssyncadd.s32 $0xFFFFF800  }
0xba: {  	_ =	swait.ge [sflag:s18], $0x800  }
0xbb: {  	[sflag:s18] =	ssyncset.done $0x0  }
0xbc: {  	[sflag:s18] =	ssyncadd.s32 $0xFFFFF800  }
0xbd: {  	_ =	swait.ge [sflag:s18], $0x800  }
0xbe: {  	[sflag:s18] =	ssyncset.done $0x0  }
0xbf: {  	[sflag:s18] =	ssyncadd.s32 $0xFFFFF800  }
0xc0: {  	_ =	swait.ge [sflag:s18], $0x800  }
0xc1: {  	[sflag:s18] =	ssyncset.done $0x0  }
0xc2: {  	[sflag:s18] =	ssyncadd.s32 $0xFFFFF800  }
0xc3: {  	_ =	swait.ge [sflag:s18], $0x800  }
0xc4: {  	[sflag:s18] =	ssyncset.done $0x0  }
0xc5: {  	[sflag:s18] =	ssyncadd.s32 $0xFFFFF800  }
0xc6: {  	_ =	swait.ge [sflag:s18], $0x800  }
0xc7: {  	[sflag:s18] =	ssyncset.done $0x0  }
0xc8: {  	[sflag:s18] =	ssyncadd.s32 $0xFFFFF800  }
0xc9: {  	_ =	swait.ge [sflag:s18], $0x800  }
0xca: {  	[sflag:s18] =	ssyncset.done $0x0  }
0xcb: {  	[sflag:s18] =	ssyncadd.s32 $0xFFFFF800  }
0xcc: {  	_ =	swait.ge [sflag:s18], $0x800  }
0xcd: {  	[sflag:s18] =	ssyncset.done $0x0  }
0xce: {  	[sflag:s18] =	ssyncadd.s32 $0xFFFFF800  }
0xcf: {  	_ =	swait.ge [sflag:s18], $0x800  }
0xd0: {  	[sflag:s18] =	ssyncset.done $0x0  }
0xd1: {  	[sflag:s18] =	ssyncadd.s32 $0xFFFFF800  }
0xd2: {  	_ =	swait.ge [sflag:s18], $0x800  }
0xd3: {  	[sflag:s18] =	ssyncset.done $0x0  }
0xd4: {  	[sflag:s18] =	ssyncadd.s32 $0xFFFFF800  }
.Ltmp2:
0xd5: {  	_ =	swait.ge [sflag:s18], $0x800;
	(pc) =	sbr.rel @p1 .LBB2_6-.Ltmp2, $4  }
0xd6: {  	[sflag:s18] =	ssyncset.done $0x0  }
0xd7: {  	[sflag:s18] =	ssyncadd.s32 $0xFFFFF800  }
0xd8: {  	_ =	swait.ge [sflag:s18], $0x800  }
0xd9: {  	s22 =	sadd.s32 $0x4000, s22;
	s26 =	smov.u32 s29;
	[sflag:s18] =	ssyncset.done $0x0  }
0xda: {  	s14 =	sshra.s32 s24, $0x2;
	[sflag:s18] =	ssyncadd.s32 $0xFFFFF800  }
0xdb: {  	[spmem:s1] =	stream.indirect.scatter.add.f32 [tilespmem:s22], [sflag:$0x1], $0x10, s14, s16, $0xb8;
	[tilespmem:$0x1D400] =	vst v63  }
0xdc: {  	_ = 	snop  }
0xdd: {  	[spmem:s2] =	stream.indirect.scatter.add.f32 [tilespmem:s17], [sflag:$0x1], $0x10, s14, s16, $0xb8;
	[tilespmem:$0x1D400] =	vst v63  }
0xde: {  	s31 =	sadd.s32 $0x800, s22;
	s26 =	sadd.s32 $0x80, s14  }
0xdf: {  	[spmem:s1] =	stream.indirect.scatter.add.f32 [tilespmem:s31], [sflag:$0x1], $0x10, s26, s16, $0xb8;
	[tilespmem:$0x1D400] =	vst v63  }
0xe0: {  	_ = 	snop  }
0xe1: {  	[spmem:s2] =	stream.indirect.scatter.add.f32 [tilespmem:s17], [sflag:$0x1], $0x10, s26, s16, $0xb8;
	[tilespmem:$0x1D400] =	vst v63  }
0xe2: {  	s29 =	sadd.s32 $0x1000, s22;
	s31 =	sadd.s32 $0x100, s14  }
0xe3: {  	[spmem:s1] =	stream.indirect.scatter.add.f32 [tilespmem:s29], [sflag:$0x1], $0x10, s31, s16, $0xb8;
	[tilespmem:$0x1D400] =	vst v63  }
0xe4: {  	_ = 	snop  }
0xe5: {  	[spmem:s2] =	stream.indirect.scatter.add.f32 [tilespmem:s17], [sflag:$0x1], $0x10, s31, s16, $0xb8;
	[tilespmem:$0x1D400] =	vst v63  }
0xe6: {  	s29 =	sadd.s32 $0x1800, s22;
	s31 =	sadd.s32 $0x180, s14  }
0xe7: {  	[spmem:s1] =	stream.indirect.scatter.add.f32 [tilespmem:s29], [sflag:$0x1], $0x10, s31, s16, $0xb8;
	[tilespmem:$0x1D400] =	vst v63  }
0xe8: {  	_ = 	snop  }
0xe9: {  	[spmem:s2] =	stream.indirect.scatter.add.f32 [tilespmem:s17], [sflag:$0x1], $0x10, s31, s16, $0xb8;
	[tilespmem:$0x1D400] =	vst v63  }
0xea: {  	s29 =	sadd.s32 $0x2000, s22;
	s31 =	sadd.s32 $0x200, s14  }
0xeb: {  	[spmem:s1] =	stream.indirect.scatter.add.f32 [tilespmem:s29], [sflag:$0x1], $0x10, s31, s16, $0xb8;
	[tilespmem:$0x1D400] =	vst v63  }
0xec: {  	_ = 	snop  }
0xed: {  	[spmem:s2] =	stream.indirect.scatter.add.f32 [tilespmem:s17], [sflag:$0x1], $0x10, s31, s16, $0xb8;
	[tilespmem:$0x1D400] =	vst v63  }
0xee: {  	s29 =	sadd.s32 $0x2800, s22;
	s31 =	sadd.s32 $0x280, s14  }
0xef: {  	[spmem:s1] =	stream.indirect.scatter.add.f32 [tilespmem:s29], [sflag:$0x1], $0x10, s31, s16, $0xb8;
	[tilespmem:$0x1D400] =	vst v63  }
0xf0: {  	_ = 	snop  }
0xf1: {  	[spmem:s2] =	stream.indirect.scatter.add.f32 [tilespmem:s17], [sflag:$0x1], $0x10, s31, s16, $0xb8;
	[tilespmem:$0x1D400] =	vst v63  }
0xf2: {  	s29 =	sadd.s32 $0x3000, s22;
	s31 =	sadd.s32 $0x300, s14  }
0xf3: {  	[spmem:s1] =	stream.indirect.scatter.add.f32 [tilespmem:s29], [sflag:$0x1], $0x10, s31, s16, $0xb8;
	[tilespmem:$0x1D400] =	vst v63  }
0xf4: {  	_ = 	snop  }
0xf5: {  	[spmem:s2] =	stream.indirect.scatter.add.f32 [tilespmem:s17], [sflag:$0x1], $0x10, s31, s16, $0xb8;
	[tilespmem:$0x1D400] =	vst v63  }
0xf6: {  	s26 =	sadd.s32 $0x3800, s22;
	s14 =	sadd.s32 $0x380, s14  }
0xf7: {  	[spmem:s1] =	stream.indirect.scatter.add.f32 [tilespmem:s26], [sflag:$0x1], $0x10, s14, s16, $0xb8;
	[tilespmem:$0x1D400] =	vst v63  }
0xf8: {  	_ = 	snop  }
0xf9: {  	[spmem:s2] =	stream.indirect.scatter.add.f32 [tilespmem:s17], [sflag:$0x1], $0x10, s14, s16, $0xb8;
	[tilespmem:$0x1D400] =	vst v63  }
0xfa: {  	_ =	swait.ge [sflag:s18], $0x800  }
0xfb: {  	[sflag:s18] =	ssyncset.done $0x0  }
0xfc: {  	[sflag:s18] =	ssyncadd.s32 $0xFFFFF800  }
0xfd: {  	_ =	swait.ge [sflag:s18], $0x800  }
0xfe: {  	[sflag:s18] =	ssyncset.done $0x0  }
0xff: {  	[sflag:s18] =	ssyncadd.s32 $0xFFFFF800  }
0x100: {  	_ =	swait.ge [sflag:s18], $0x800  }
0x101: {  	[sflag:s18] =	ssyncset.done $0x0  }
0x102: {  	[sflag:s18] =	ssyncadd.s32 $0xFFFFF800  }
0x103: {  	_ =	swait.ge [sflag:s18], $0x800  }
0x104: {  	[sflag:s18] =	ssyncset.done $0x0  }
0x105: {  	[sflag:s18] =	ssyncadd.s32 $0xFFFFF800  }
0x106: {  	_ =	swait.ge [sflag:s18], $0x800  }
0x107: {  	[sflag:s18] =	ssyncset.done $0x0  }
0x108: {  	[sflag:s18] =	ssyncadd.s32 $0xFFFFF800  }
0x109: {  	_ =	swait.ge [sflag:s18], $0x800  }
0x10a: {  	[sflag:s18] =	ssyncset.done $0x0  }
0x10b: {  	[sflag:s18] =	ssyncadd.s32 $0xFFFFF800  }
0x10c: {  	_ =	swait.ge [sflag:s18], $0x800  }
0x10d: {  	[sflag:s18] =	ssyncset.done $0x0  }
0x10e: {  	[sflag:s18] =	ssyncadd.s32 $0xFFFFF800  }
0x10f: {  	_ =	swait.ge [sflag:s18], $0x800  }
0x110: {  	[sflag:s18] =	ssyncset.done $0x0  }
0x111: {  	[sflag:s18] =	ssyncadd.s32 $0xFFFFF800  }
0x112: {  	_ =	swait.ge [sflag:s18], $0x800  }
0x113: {  	[sflag:s18] =	ssyncset.done $0x0  }
0x114: {  	[sflag:s18] =	ssyncadd.s32 $0xFFFFF800  }
0x115: {  	_ =	swait.ge [sflag:s18], $0x800  }
0x116: {  	[sflag:s18] =	ssyncset.done $0x0  }
0x117: {  	[sflag:s18] =	ssyncadd.s32 $0xFFFFF800  }
0x118: {  	_ =	swait.ge [sflag:s18], $0x800  }
0x119: {  	[sflag:s18] =	ssyncset.done $0x0  }
0x11a: {  	[sflag:s18] =	ssyncadd.s32 $0xFFFFF800  }
0x11b: {  	_ =	swait.ge [sflag:s18], $0x800  }
0x11c: {  	[sflag:s18] =	ssyncset.done $0x0  }
0x11d: {  	[sflag:s18] =	ssyncadd.s32 $0xFFFFF800  }
0x11e: {  	_ =	swait.ge [sflag:s18], $0x800  }
0x11f: {  	[sflag:s18] =	ssyncset.done $0x0  }
0x120: {  	[sflag:s18] =	ssyncadd.s32 $0xFFFFF800  }
0x121: {  	_ =	swait.ge [sflag:s18], $0x800  }
0x122: {  	[sflag:s18] =	ssyncset.done $0x0  }
0x123: {  	[sflag:s18] =	ssyncadd.s32 $0xFFFFF800  }
0x124: {  	_ =	swait.ge [sflag:s18], $0x800  }
0x125: {  	[sflag:s18] =	ssyncset.done $0x0  }
0x126: {  	[sflag:s18] =	ssyncadd.s32 $0xFFFFF800  }
0x127: {  	_ =	swait.ge [sflag:s18], $0x800  }
0x128: {  	[sflag:s18] =	ssyncset.done $0x0  }
0x129: {  	s29 =	simm.s32 $0x11400;
	[sflag:s18] =	ssyncadd.s32 $0xFFFFF800  }
0x12a: {  	[spmem:s1] =	stream.indirect.scatter.add.f32 [tilespmem:s29], [sflag:$0x1], $0x10, s19, s16, $0xb8;
	[tilespmem:$0x1D400] =	vst v63  }
0x12b: {  	_ = 	snop  }
0x12c: {  	[spmem:s2] =	stream.indirect.scatter.add.f32 [tilespmem:s17], [sflag:$0x1], $0x10, s19, s16, $0xb8;
	[tilespmem:$0x1D400] =	vst v63  }
0x12d: {  	s31 =	simm.s32 $0x11C00  }
0x12e: {  	[spmem:s1] =	stream.indirect.scatter.add.f32 [tilespmem:s31], [sflag:$0x1], $0x10, s21, s16, $0xb8;
	[tilespmem:$0x1D400] =	vst v63  }
0x12f: {  	_ = 	snop  }
0x130: {  	[spmem:s2] =	stream.indirect.scatter.add.f32 [tilespmem:s17], [sflag:$0x1], $0x10, s21, s16, $0xb8;
	[tilespmem:$0x1D400] =	vst v63  }
0x131: {  	s22 =	simm.s32 $0x12400  }
0x132: {  	[spmem:s1] =	stream.indirect.scatter.add.f32 [tilespmem:s22], [sflag:$0x1], $0x10, s23, s16, $0xb8;
	[tilespmem:$0x1D400] =	vst v63  }
0x133: {  	_ = 	snop  }
0x134: {  	[spmem:s2] =	stream.indirect.scatter.add.f32 [tilespmem:s17], [sflag:$0x1], $0x10, s23, s16, $0xb8;
	[tilespmem:$0x1D400] =	vst v63  }
0x135: {  	s24 =	simm.s32 $0x12C00  }
0x136: {  	[spmem:s1] =	stream.indirect.scatter.add.f32 [tilespmem:s24], [sflag:$0x1], $0x10, s25, s16, $0xb8;
	[tilespmem:$0x1D400] =	vst v63  }
0x137: {  	_ = 	snop  }
0x138: {  	[spmem:s2] =	stream.indirect.scatter.add.f32 [tilespmem:s17], [sflag:$0x1], $0x10, s25, s16, $0xb8;
	[tilespmem:$0x1D400] =	vst v63  }
0x139: {  	s26 =	simm.s32 $0x13400  }
0x13a: {  	[spmem:s1] =	stream.indirect.scatter.add.f32 [tilespmem:s26], [sflag:$0x1], $0x10, s28, s16, $0xb8;
	[tilespmem:$0x1D400] =	vst v63  }
0x13b: {  	_ = 	snop  }
0x13c: {  	[spmem:s2] =	stream.indirect.scatter.add.f32 [tilespmem:s17], [sflag:$0x1], $0x10, s28, s16, $0xb8;
	[tilespmem:$0x1D400] =	vst v63  }
0x13d: {  	s29 =	simm.s32 $0x13C00  }
0x13e: {  	[spmem:s1] =	stream.indirect.scatter.add.f32 [tilespmem:s29], [sflag:$0x1], $0x10, s30, s16, $0xb8;
	[tilespmem:$0x1D400] =	vst v63  }
0x13f: {  	_ = 	snop  }
0x140: {  	[spmem:s2] =	stream.indirect.scatter.add.f32 [tilespmem:s17], [sflag:$0x1], $0x10, s30, s16, $0xb8;
	[tilespmem:$0x1D400] =	vst v63  }
0x141: {  	s31 =	simm.s32 $0x14400  }
0x142: {  	[spmem:s1] =	stream.indirect.scatter.add.f32 [tilespmem:s31], [sflag:$0x1], $0x10, s0, s16, $0xb8;
	[tilespmem:$0x1D400] =	vst v63  }
0x143: {  	_ = 	snop  }
0x144: {  	[spmem:s2] =	stream.indirect.scatter.add.f32 [tilespmem:s17], [sflag:$0x1], $0x10, s0, s16, $0xb8;
	[tilespmem:$0x1D400] =	vst v63  }
0x145: {  	_ =	swait.ge [sflag:s18], $0x800  }
0x146: {  	[sflag:s18] =	ssyncset.done $0x0  }
0x147: {  	[sflag:s18] =	ssyncadd.s32 $0xFFFFF800  }
0x148: {  	_ =	swait.ge [sflag:s18], $0x800  }
0x149: {  	[sflag:s18] =	ssyncset.done $0x0  }
0x14a: {  	[sflag:s18] =	ssyncadd.s32 $0xFFFFF800  }
0x14b: {  	_ =	swait.ge [sflag:s18], $0x800  }
0x14c: {  	[sflag:s18] =	ssyncset.done $0x0  }
0x14d: {  	[sflag:s18] =	ssyncadd.s32 $0xFFFFF800  }
0x14e: {  	_ =	swait.ge [sflag:s18], $0x800  }
0x14f: {  	[sflag:s18] =	ssyncset.done $0x0  }
0x150: {  	[sflag:s18] =	ssyncadd.s32 $0xFFFFF800  }
0x151: {  	_ =	swait.ge [sflag:s18], $0x800  }
0x152: {  	[sflag:s18] =	ssyncset.done $0x0  }
0x153: {  	[sflag:s18] =	ssyncadd.s32 $0xFFFFF800  }
0x154: {  	_ =	swait.ge [sflag:s18], $0x800  }
0x155: {  	[sflag:s18] =	ssyncset.done $0x0  }
0x156: {  	[sflag:s18] =	ssyncadd.s32 $0xFFFFF800  }
0x157: {  	_ =	swait.ge [sflag:s18], $0x800  }
0x158: {  	[sflag:s18] =	ssyncset.done $0x0  }
0x159: {  	[sflag:s18] =	ssyncadd.s32 $0xFFFFF800  }
0x15a: {  	_ =	swait.ge [sflag:s18], $0x800  }
0x15b: {  	[sflag:s18] =	ssyncset.done $0x0  }
0x15c: {  	[sflag:s18] =	ssyncadd.s32 $0xFFFFF800  }
0x15d: {  	_ =	swait.ge [sflag:s18], $0x800  }
0x15e: {  	[sflag:s18] =	ssyncset.done $0x0  }
0x15f: {  	[sflag:s18] =	ssyncadd.s32 $0xFFFFF800  }
0x160: {  	_ =	swait.ge [sflag:s18], $0x800  }
0x161: {  	[sflag:s18] =	ssyncset.done $0x0  }
0x162: {  	[sflag:s18] =	ssyncadd.s32 $0xFFFFF800  }
0x163: {  	_ =	swait.ge [sflag:s18], $0x800  }
0x164: {  	[sflag:s18] =	ssyncset.done $0x0  }
0x165: {  	[sflag:s18] =	ssyncadd.s32 $0xFFFFF800  }
0x166: {  	_ =	swait.ge [sflag:s18], $0x800  }
0x167: {  	[sflag:s18] =	ssyncset.done $0x0  }
0x168: {  	[sflag:s18] =	ssyncadd.s32 $0xFFFFF800  }
0x169: {  	_ =	swait.ge [sflag:s18], $0x800  }
0x16a: {  	[sflag:s18] =	ssyncset.done $0x0  }
0x16b: {  	[sflag:s18] =	ssyncadd.s32 $0xFFFFF800  }
0x16c: {  	_ =	swait.ge [sflag:s18], $0x800  }
0x16d: {  	s14 =	simm.s32 @!p0 $0x80;
	[sflag:s18] =	ssyncset.done $0x0  }
0x16e: {  	s22 =	simm.s32 @!p0 $0x1380;
	s24 =	simm.s32 @!p0 $0x14C00;
	[sflag:s18] =	ssyncadd.s32 $0xFFFFF800  }
0x16f: {  	[spmem:s1] =	stream.indirect.scatter.add.f32 @!p0 [tilespmem:s24], [sflag:$0x1], $0x10, s22, s14, $0xb8;
	[tilespmem:$0x1D400] =	vst v63  }
0x170: {  	s24 =	simm.s32 @!p0 $0x1  }
0x171: {  	_ =	swait.ge @!p0 [sflag:s24], $0x800  }
0x172: {  	[sflag:s24] =	ssyncset.done @!p0 $0x0  }
0x173: {  	s26 =	simm.s32 @!p0 $0x15400;
	[sflag:s24] =	ssyncadd.s32 @!p0 $0xFFFFF800  }
0x174: {  	[spmem:s2] =	stream.indirect.scatter.add.f32 @!p0 [tilespmem:s26], [sflag:$0x1], $0x10, s22, s14, $0xb8;
	[tilespmem:$0x1D400] =	vst v63  }
0x175: {  	_ =	swait.ge @!p0 [sflag:s24], $0x800  }
0x176: {  	[sflag:s24] =	ssyncset.done @!p0 $0x0  }
0x177: {  	[sflag:s24] =	ssyncadd.s32 @!p0 $0xFFFFF800  }
0x178: {  	[bflag:$0x0] =	sbarrier.arrive $0xFFFF  }
0x179: {  	[tilespmem:s11], [sflag:$0x2] =	stream.linear.gather [spmem:s4], $0x2800, $0x38;
	[tilespmem:$0x1D400] =	vst v63  }
0x17a: {  	_ =	swait.ge [sflag:s12], $0x2800  }
0x17b: {  	[sflag:s12] =	ssyncset.done $0x0  }
0x17c: {  	[sflag:s12] =	ssyncadd.s32 $0xFFFFD800  }
0x17d: {  	[hbm4b:s9+s3] =	stream.linear.scatter [tilespmem:s11], [sflag:$0x2], $0x2800, $0x38;
	[tilespmem:$0x1D400] =	vst v63  }
0x17e: {  	_ =	swait.ge [sflag:s12], $0x2800  }
0x17f: {  	[sflag:s12] =	ssyncset.done $0x0  }
0x180: {  	[sflag:s12] =	ssyncadd.s32 $0xFFFFD800  }
0x181: {  	[tilespmem:s11], [sflag:$0x2] =	stream.linear.gather [spmem:s5], $0x2800, $0x38;
	[tilespmem:$0x1D400] =	vst v63  }
0x182: {  	s20 =	sadd.s32 $0x1, s20;
	_ =	swait.ge [sflag:s12], $0x2800  }
0x183: {  	p1 =	sne.s32 s20, s8;
	[sflag:s12] =	ssyncset.done $0x0  }
.Ltmp3:
0x184: {  	[sflag:s12] =	ssyncadd.s32 $0xFFFFD800;
	(pc) =	sbr.rel @p1 .LBB2_1-.Ltmp3, $4  }
0x185: {  	[hbm4b:s10+s3] =	stream.linear.scatter [tilespmem:s11], [sflag:$0x2], $0x2800, $0x38;
	[tilespmem:$0x1D400] =	vst v63  }
0x186: {  	_ =	swait.ge [sflag:s12], $0x2800  }
0x187: {  	[sflag:s12] =	ssyncset.done $0x0  }
0x188: {  	[sflag:s12] =	ssyncadd.s32 $0xFFFFD800  }
0x189: {  	_ =	sfence.sel $0x180000  }
0x18a: {  	[bflag:$0x0] =	sbarrier.arrive $0xFFFF  }
0x18b: {  	_ =	strace $0x9000004A  }
0x18c: {  	[bflag:$0x2] =	sbarrier.arrive $0xFFFF  }
0x18d: {  	s0 =	rddreg [dreg:$0x3]  }
0x18e: {  	s0 =	sadd.s32 @!p0 $0x100000, s0  }
0x18f: {  	[sflag:s0] =	ssyncadd.tile.s32 @!p0 $0x1;
	_ =	shalt  }
.Lfunc_end2:
_tile_overlayer_lowered:
.L_overlay_start_2:
0x190: {  	(tag) =	ssettag $0x2  }
0x191: {  	s0 =	rddreg [dreg:$0x0];
	s2 =	stileid.u32  }
0x192: {  	s1 =	rddreg [dreg:$0x1];
	p0 =	sne.s32 s2, $0x0  }
0x193: {  	s3 =	rddreg [dreg:$0x2];
	[bflag:$0x3] =	sbarrier.arrive $0xFFFF;
	s2 =	simm.s32 @!p0 $0x1C02  }
0x194: {  	[timem:s3], [sflag:s2] =	dma.local @!p0 [hbm:s0], s1  }
0x195: {  	s0 =	simm.s32 @!p0 $0x2  }
0x196: {  	_ =	swait.ge @!p0 [sflag:s0], s1  }
0x197: {  	s1 =	ssub.s32 @!p0 $0x0, s1;
	[sflag:s0] =	ssyncset.done @!p0 $0x0  }
0x198: {  	[sflag:s0] =	ssyncadd.s32 @!p0 s1  }
0x199: {  	[bflag:$0x3] =	sbarrier.arrive $0xFFFF  }
0x19a: {  	_ =	shalt  }

</sc_bundles>
